<compile_context>
chip_gen: v7x
topology: tpu7x:2x2x1
jax: 0.10.2.dev20260603
libtpu: 0.0.44.dev20260713+nightly
codegen_flags: <defaults>
</compile_context>

<pallas_src>
import functools

import jax
import jax.numpy as jnp
from jax import lax
from jax.experimental import pallas as pl
from jax.experimental.pallas import tpu as pltpu
from jax.experimental.pallas import tpu_sc as plsc

N = 10000
E = 320000
D = 128
H = 64
G = 64

NC = 2
NS = 16
NW = NC * NS

NA = 10240
CH = 128
K = 80
EPT = K * CH
EPAD = NW * EPT
NBUF = 8
ROWS_PER_SUBCORE = NA // NS

_mesh = lambda: plsc.VectorSubcoreMesh(
    core_axis_name="c", subcore_axis_name="s", num_cores=NC, num_subcores=NS)


def _deg_body(col_hbm, zeros_hbm, out_hbm, idx_v, hist_v):
    cid = lax.axis_index("c")
    sid = lax.axis_index("s")
    t = cid * NS + sid
    pltpu.sync_copy(zeros_hbm, hist_v)
    pltpu.sync_copy(col_hbm.at[t], idx_v)
    ones = jnp.ones((16,), jnp.float32)

    def body(k, _):
        idx = idx_v[pl.ds(k * 16, 16)]
        plsc.addupdate_scatter(hist_v, [idx], ones)
        return 0

    lax.fori_loop(0, EPT // 16, body, 0)
    pltpu.sync_copy(hist_v, out_hbm.at[t])


def _deg_partials(col_tiles, zeros1d):
    return pl.kernel(
        _deg_body,
        out_type=jax.ShapeDtypeStruct((NW, NA), jnp.float32),
        mesh=_mesh(),
        scratch_types=[
            pltpu.VMEM((EPT,), jnp.int32),
            pltpu.VMEM((NA,), jnp.float32),
        ],
        compiler_params=pltpu.CompilerParams(needs_layout_passes=False),
    )(col_tiles, zeros1d)


def _edge_body(y_hbm, row_hbm, col_hbm, zeros_hbm, out_hbm,
               row_v, col_v, data, sems, acc):
    cid = lax.axis_index("c")
    sid = lax.axis_index("s")
    t = cid * NS + sid
    r0 = sid * ROWS_PER_SUBCORE
    pltpu.sync_copy(zeros_hbm.at[pl.ds(r0, ROWS_PER_SUBCORE)],
                    acc.at[pl.ds(r0, ROWS_PER_SUBCORE)])
    pltpu.sync_copy(row_hbm.at[t], row_v)
    pltpu.sync_copy(col_hbm.at[t], col_v)
    plsc.subcore_barrier()

    def super_body(s, _):
        descs = []
        for u in range(NBUF):
            j = s * NBUF + u
            descs.append(
                pltpu.async_copy(y_hbm.at[row_v.at[j]], data[u], sems[u]))
        for u in range(NBUF):
            j = s * NBUF + u
            descs[u].wait()
            pltpu.sync_copy(data[u], acc.at[col_v.at[j]], add=True)
        return 0

    lax.fori_loop(0, K // NBUF, super_body, 0)
    plsc.subcore_barrier()
    pltpu.sync_copy(acc.at[pl.ds(r0, ROWS_PER_SUBCORE)],
                    out_hbm.at[cid, pl.ds(r0, ROWS_PER_SUBCORE)])


def _edge_partials(y, row_tiles, col_tiles, zeros2d):
    def body(y_hbm, row_hbm, col_hbm, zeros_hbm, out_hbm, *scratch):
        row_v, col_v = scratch[0], scratch[1]
        data = scratch[2:2 + NBUF]
        sems = scratch[2 + NBUF:2 + 2 * NBUF]
        acc = scratch[2 + 2 * NBUF]
        _edge_body(y_hbm, row_hbm, col_hbm, zeros_hbm, out_hbm,
                   row_v, col_v, data, sems, acc)

    scratch = [
        pltpu.VMEM((K, CH), jnp.int32),
        pltpu.VMEM((K, CH), jnp.int32),
    ]
    scratch += [pltpu.VMEM((CH, H), jnp.float32) for _ in range(NBUF)]
    scratch += [pltpu.SemaphoreType.DMA for _ in range(NBUF)]
    scratch += [pltpu.VMEM_SHARED((NA, H), jnp.float32)]
    return pl.kernel(
        body,
        out_type=jax.ShapeDtypeStruct((NC, NA, H), jnp.float32),
        mesh=_mesh(),
        scratch_types=scratch,
        compiler_params=pltpu.CompilerParams(use_tc_tiling_on_sc=False),
    )(y, row_tiles, col_tiles, zeros2d)


_BR = 1024
_GRID = NA // _BR


def _tc1_body(hist_ref, x_ref, w_ref, y_ref, dis_ref):
    j = pl.program_id(0)
    deg = jnp.sum(hist_ref[...], axis=0, keepdims=True) + 1.0
    dis = lax.transpose(lax.rsqrt(deg), (1, 0))
    rows = j * _BR + lax.broadcasted_iota(jnp.int32, (_BR, 1), 0)
    valid = rows < N
    dis = jnp.where(valid, dis, 0.0)
    xw = jnp.dot(x_ref[...], w_ref[...], preferred_element_type=jnp.float32)
    y_ref[...] = jnp.where(valid, xw * dis, 0.0)
    dis_ref[...] = dis


def _tc1(hist, x, w1):
    return pl.pallas_call(
        _tc1_body,
        grid=(_GRID,),
        in_specs=[
            pl.BlockSpec((NW, _BR), lambda j: (0, j)),
            pl.BlockSpec((_BR, D), lambda j: (j, 0)),
            pl.BlockSpec((D, H), lambda j: (0, 0)),
        ],
        out_specs=[
            pl.BlockSpec((_BR, H), lambda j: (j, 0)),
            pl.BlockSpec((_BR, 1), lambda j: (j, 0)),
        ],
        out_shape=[
            jax.ShapeDtypeStruct((NA, H), jnp.float32),
            jax.ShapeDtypeStruct((NA, 1), jnp.float32),
        ],
    )(hist, x, w1)


def _tc2_body(p_ref, y_ref, dis_ref, b_ref, w_ref, out_ref):
    p = p_ref[0] + p_ref[1] + y_ref[...]
    h = jnp.maximum(p * dis_ref[...] + b_ref[...], 0.0)
    hw = jnp.dot(h, w_ref[...], preferred_element_type=jnp.float32)
    out_ref[...] = hw * dis_ref[...]


def _tc2(partials, y, dis, b1, w2):
    return pl.pallas_call(
        _tc2_body,
        grid=(_GRID,),
        in_specs=[
            pl.BlockSpec((NC, _BR, H), lambda j: (0, j, 0)),
            pl.BlockSpec((_BR, H), lambda j: (j, 0)),
            pl.BlockSpec((_BR, 1), lambda j: (j, 0)),
            pl.BlockSpec((1, H), lambda j: (0, 0)),
            pl.BlockSpec((H, H), lambda j: (0, 0)),
        ],
        out_specs=pl.BlockSpec((_BR, H), lambda j: (j, 0)),
        out_shape=jax.ShapeDtypeStruct((NA, H), jnp.float32),
    )(partials, y, dis, b1.reshape(1, H), w2)


def _tc3_body(p_ref, y_ref, dis_ref, b_ref, batch_ref, wl_ref, bl_ref,
              out_ref, seg_acc, cnt_acc):
    j = pl.program_id(0)

    @pl.when(j == 0)
    def _():
        seg_acc[...] = jnp.zeros((G, H), jnp.float32)
        cnt_acc[...] = jnp.zeros((G, 1), jnp.float32)

    p = p_ref[0] + p_ref[1] + y_ref[...]
    h = jnp.maximum(p * dis_ref[...] + b_ref[...], 0.0)
    gids = lax.broadcasted_iota(jnp.int32, (_BR, G), 1)
    onehot = (batch_ref[...] == gids).astype(jnp.float32)
    seg_acc[...] += lax.dot_general(
        onehot, h, (((0,), (0,)), ((), ())),
        preferred_element_type=jnp.float32)
    cnt_acc[...] += lax.dot_general(
        onehot, jnp.ones((_BR, 1), jnp.float32), (((0,), (0,)), ((), ())),
        preferred_element_type=jnp.float32)

    @pl.when(j == _GRID - 1)
    def _():
        pooled = seg_acc[...] / jnp.maximum(cnt_acc[...], 1.0)
        z = jnp.dot(pooled, wl_ref[...],
                    preferred_element_type=jnp.float32) + bl_ref[...]
        out_ref[...] = jax.nn.sigmoid(z)


def _tc3(partials, y, dis, b2, batch_pad, wl, bl):
    return pl.pallas_call(
        _tc3_body,
        grid=(_GRID,),
        in_specs=[
            pl.BlockSpec((NC, _BR, H), lambda j: (0, j, 0)),
            pl.BlockSpec((_BR, H), lambda j: (j, 0)),
            pl.BlockSpec((_BR, 1), lambda j: (j, 0)),
            pl.BlockSpec((1, H), lambda j: (0, 0)),
            pl.BlockSpec((_BR, 1), lambda j: (j, 0)),
            pl.BlockSpec((H, 1), lambda j: (0, 0)),
            pl.BlockSpec((1, 1), lambda j: (0, 0)),
        ],
        out_specs=pl.BlockSpec((G, 1), lambda j: (0, 0)),
        out_shape=jax.ShapeDtypeStruct((G, 1), jnp.float32),
        scratch_shapes=[
            pltpu.VMEM((G, H), jnp.float32),
            pltpu.VMEM((G, 1), jnp.float32),
        ],
    )(partials, y, dis, b2.reshape(1, H), batch_pad, wl, bl.reshape(1, 1))


def kernel(x, edge_index, batch, W1, b1, W2, b2, Wl, bl):
    row = edge_index[0]
    col = edge_index[1]
    npad = EPAD - E
    pad_ids = (N + jnp.arange(npad, dtype=jnp.int32) % (NA - N))
    row_tiles = jnp.concatenate([row, pad_ids]).reshape(NW, K, CH)
    col_tiles = jnp.concatenate([col, pad_ids]).reshape(NW, K, CH)
    col_flat = col_tiles.reshape(NW, EPT)
    zeros1d = jnp.zeros((NA,), jnp.float32)
    zeros2d = jnp.zeros((NA, H), jnp.float32)
    batch_pad = jnp.concatenate(
        [batch, jnp.full((NA - N,), G, jnp.int32)]).reshape(NA, 1)

    hist = _deg_partials(col_flat, zeros1d)
    y1, dis = _tc1(hist, x, W1)
    p1 = _edge_partials(y1, row_tiles, col_tiles, zeros2d)
    y2 = _tc2(p1, y1, dis, b1, W2)
    p2 = _edge_partials(y2, row_tiles, col_tiles, zeros2d)
    return _tc3(p2, y2, dis, b2, batch_pad, Wl, bl)

# --- scband reference (transcript-rebuilt; emitter-appended) ---
"""Pipeline reference for scband-gcn-7043746365666 (READ-ONLY COPY).

The authoritative reference and input builder live on the scoring server;
editing this copy changes nothing except your own understanding.
"""

import jax, jax.numpy as jnp
import numpy as np

N = 10000
E = 320000
D = 128
H = 64
G = 64


def gcn_conv(x, edge_index, W, b):
    num_nodes = x.shape[0]
    row = edge_index[0]
    col = edge_index[1]
    loop = jnp.arange(num_nodes, dtype=row.dtype)
    row = jnp.concatenate([row, loop])
    col = jnp.concatenate([col, loop])
    # symmetric normalization (PyG gcn_norm with add_self_loops=True, edge_weight=1)
    deg = jnp.zeros((num_nodes,), x.dtype).at[col].add(jnp.ones((row.shape[0],), x.dtype))
    dis = jnp.where(deg > 0, 1.0 / jnp.sqrt(deg), 0.0)
    norm = dis[row] * dis[col]
    xw = x @ W
    msg = xw[row] * norm[:, None]
    out = jnp.zeros((num_nodes, xw.shape[1]), x.dtype).at[col].add(msg)
    return out + b


def setup_inputs(seed: int = 0):
    key = jax.random.key(seed)
    ks = jax.random.split(key, 9)
    x = jax.random.normal(ks[0], (N, D), dtype=jnp.float32)
    edge_index = jax.random.randint(ks[1], (2, E), 0, N, dtype=jnp.int32)
    batch = jnp.sort(jax.random.randint(ks[2], (N,), 0, G, dtype=jnp.int32))
    W1 = jax.random.normal(ks[3], (D, H), dtype=jnp.float32) * (1.0 / np.sqrt(D))
    b1 = jnp.zeros((H,), dtype=jnp.float32)
    W2 = jax.random.normal(ks[4], (H, H), dtype=jnp.float32) * (1.0 / np.sqrt(H))
    b2 = jnp.zeros((H,), dtype=jnp.float32)
    Wl = jax.random.normal(ks[5], (H, 1), dtype=jnp.float32) * (1.0 / np.sqrt(H))
    bl = jnp.zeros((1,), dtype=jnp.float32)
    return {"x": x, "edge_index": edge_index, "batch": batch,
            "W1": W1, "b1": b1, "W2": W2, "b2": b2, "Wl": Wl, "bl": bl}


def reference(x, edge_index, batch, W1, b1, W2, b2, Wl, bl):
    h = jax.nn.relu(gcn_conv(x, edge_index, W1, b1))
    h = jax.nn.relu(gcn_conv(h, edge_index, W2, b2))
    sums = jax.ops.segment_sum(h, batch, num_segments=G)
    cnt = jax.ops.segment_sum(jnp.ones((h.shape[0], 1), h.dtype), batch, num_segments=G)
    pooled = sums / jnp.maximum(cnt, 1.0)
    out = pooled @ Wl + bl
    return jax.nn.sigmoid(out)

if __name__ == "__main__":
    import jax
    _d = setup_inputs()
    print(jax.jit(kernel)(*tuple(_d.values())))

</pallas_src>

<mosaic_0001>
#map = affine_map<(d0, d1) -> (0, 0)>
#map1 = affine_map<(d0, d1) -> (0)>
module attributes {stable_mosaic.version = 14 : i64} {
  func.func @_deg_body(%arg0: i32, %arg1: i32, %arg2: memref<32x10240xi32, #tpu.memory_space<hbm>>, %arg3: memref<10240xf32, #tpu.memory_space<hbm>>, %arg4: memref<32x10240xf32, #tpu.memory_space<hbm>>, %arg5: memref<10240xi32, #tpu.memory_space<vmem>>, %arg6: memref<10240xf32, #tpu.memory_space<vmem>>) attributes {dimension_semantics = [#tpu.dimension_semantics<core_parallel>, #tpu.dimension_semantics<subcore_parallel>], iteration_bounds = array<i64: 2, 16>, scalar_prefetch = 0 : i64, scratch_operands = 2 : i64, tpu.core_type = #tpu.core_type<sc_vector_subcore>, window_params = [{transform_indices = #map}, {transform_indices = #map1}, {transform_indices = #map}]} {
    %mul3A = arith.constant 16 : i32
    %mul3A_0 = arith.muli %arg0, %mul3A : i32
    %add3A = arith.addi %mul3A_0, %arg1 : i32
    "tpu.region"() ({
      %run_scoped3A = tpu.sem_alloc : memref<!tpu.dma_semaphore, #tpu.memory_space<semaphore_mem>>
      tpu.enqueue_dma source(%arg3 : memref<10240xf32, #tpu.memory_space<hbm>>) target(%arg6 : memref<10240xf32, #tpu.memory_space<vmem>>) target_semaphore(%run_scoped3A : memref<!tpu.dma_semaphore, #tpu.memory_space<semaphore_mem>>)
      tpu.wait_dma2 semaphore(%run_scoped3A : memref<!tpu.dma_semaphore, #tpu.memory_space<semaphore_mem>>) src(%arg3 : memref<10240xf32, #tpu.memory_space<hbm>>) dst(%arg6 : memref<10240xf32, #tpu.memory_space<vmem>>)
      tpu.yield
    }) : () -> ()
    "tpu.region"() ({
      %run_scoped3A = tpu.sem_alloc : memref<!tpu.dma_semaphore, #tpu.memory_space<semaphore_mem>>
      %dma_start3A = arith.constant 0 : i32
      %dma_start3A_8 = tpu.memref_slice %arg2[%add3A, %dma_start3A] : memref<32x10240xi32, #tpu.memory_space<hbm>> -> memref<1x10240xi32, #tpu.memory_space<hbm>>
      %dma_start3A_9 = tpu.memref_squeeze %dma_start3A_8 : memref<1x10240xi32, #tpu.memory_space<hbm>> -> memref<10240xi32, #tpu.memory_space<hbm>>
      %dma_start3A_10 = arith.constant 0 : i32
      %dma_start3A_11 = tpu.memref_slice %arg2[%add3A, %dma_start3A_10] : memref<32x10240xi32, #tpu.memory_space<hbm>> -> memref<1x10240xi32, #tpu.memory_space<hbm>>
      %dma_start3A_12 = tpu.memref_squeeze %dma_start3A_11 : memref<1x10240xi32, #tpu.memory_space<hbm>> -> memref<10240xi32, #tpu.memory_space<hbm>>
      tpu.enqueue_dma source(%dma_start3A_12 : memref<10240xi32, #tpu.memory_space<hbm>>) target(%arg5 : memref<10240xi32, #tpu.memory_space<vmem>>) target_semaphore(%run_scoped3A : memref<!tpu.dma_semaphore, #tpu.memory_space<semaphore_mem>>)
      %dma_wait3A = arith.constant 0 : i32
      %dma_wait3A_13 = tpu.memref_slice %arg2[%add3A, %dma_wait3A] : memref<32x10240xi32, #tpu.memory_space<hbm>> -> memref<1x10240xi32, #tpu.memory_space<hbm>>
      %dma_wait3A_14 = tpu.memref_squeeze %dma_wait3A_13 : memref<1x10240xi32, #tpu.memory_space<hbm>> -> memref<10240xi32, #tpu.memory_space<hbm>>
      %dma_wait3A_15 = arith.constant 0 : i32
      %dma_wait3A_16 = tpu.memref_slice %arg2[%add3A, %dma_wait3A_15] : memref<32x10240xi32, #tpu.memory_space<hbm>> -> memref<1x10240xi32, #tpu.memory_space<hbm>>
      %dma_wait3A_17 = tpu.memref_squeeze %dma_wait3A_16 : memref<1x10240xi32, #tpu.memory_space<hbm>> -> memref<10240xi32, #tpu.memory_space<hbm>>
      tpu.wait_dma2 semaphore(%run_scoped3A : memref<!tpu.dma_semaphore, #tpu.memory_space<semaphore_mem>>) src(%dma_wait3A_17 : memref<10240xi32, #tpu.memory_space<hbm>>) dst(%arg5 : memref<10240xi32, #tpu.memory_space<vmem>>)
      tpu.yield
    }) : () -> ()
    %broadcast_in_dim3A = arith.constant 1.000000e+00 : f32
    %broadcast_in_dim3A_1 = vector.broadcast %broadcast_in_dim3A : f32 to vector<16xf32>
    %scan3A = arith.constant 0 : i32
    %scan3A_2 = arith.constant 0 : i32
    %scan3A_3 = arith.constant 640 : i32
    %scan3A_4 = arith.addi %scan3A_2, %scan3A_3 : i32
    %scan3A_5 = arith.constant 1 : i32
    %scan3A_6 = scf.for %scan3A_8 = %scan3A_2 to %scan3A_4 step %scan3A_5 iter_args(%scan3A_9 = %scan3A) -> (i32)  : i32 {
      %mul3A_10 = arith.constant 16 : i32
      %mul3A_11 = arith.muli %scan3A_8, %mul3A_10 : i32
      %get3A = arith.index_cast %mul3A_11 : i32 to index
      %get3A_12 = tpu.vector_load %arg5[%get3A] {strides = array<i32>} : memref<10240xi32, #tpu.memory_space<vmem>>, vector<16xi32>,
      tpu.vector_store_idx %arg6[%get3A_12], %broadcast_in_dim3A_1 {add = true} : memref<10240xf32, #tpu.memory_space<vmem>>[vector<16xi32>], vector<16xf32>,
      %scan3A_13 = arith.constant 0 : i32
      scf.yield %scan3A_13 : i32
    }
    %scan3A_7 = arith.constant 640 : i32
    "tpu.region"() ({
      %run_scoped3A = tpu.sem_alloc : memref<!tpu.dma_semaphore, #tpu.memory_space<semaphore_mem>>
      %dma_start3A = arith.constant 0 : i32
      %dma_start3A_8 = tpu.memref_slice %arg4[%add3A, %dma_start3A] : memref<32x10240xf32, #tpu.memory_space<hbm>> -> memref<1x10240xf32, #tpu.memory_space<hbm>>
      %dma_start3A_9 = tpu.memref_squeeze %dma_start3A_8 : memref<1x10240xf32, #tpu.memory_space<hbm>> -> memref<10240xf32, #tpu.memory_space<hbm>>
      %dma_start3A_10 = arith.constant 0 : i32
      %dma_start3A_11 = tpu.memref_slice %arg4[%add3A, %dma_start3A_10] : memref<32x10240xf32, #tpu.memory_space<hbm>> -> memref<1x10240xf32, #tpu.memory_space<hbm>>
      %dma_start3A_12 = tpu.memref_squeeze %dma_start3A_11 : memref<1x10240xf32, #tpu.memory_space<hbm>> -> memref<10240xf32, #tpu.memory_space<hbm>>
      tpu.enqueue_dma source(%arg6 : memref<10240xf32, #tpu.memory_space<vmem>>) target(%dma_start3A_12 : memref<10240xf32, #tpu.memory_space<hbm>>) target_semaphore(%run_scoped3A : memref<!tpu.dma_semaphore, #tpu.memory_space<semaphore_mem>>)
      %dma_wait3A = arith.constant 0 : i32
      %dma_wait3A_13 = tpu.memref_slice %arg4[%add3A, %dma_wait3A] : memref<32x10240xf32, #tpu.memory_space<hbm>> -> memref<1x10240xf32, #tpu.memory_space<hbm>>
      %dma_wait3A_14 = tpu.memref_squeeze %dma_wait3A_13 : memref<1x10240xf32, #tpu.memory_space<hbm>> -> memref<10240xf32, #tpu.memory_space<hbm>>
      %dma_wait3A_15 = arith.constant 0 : i32
      %dma_wait3A_16 = tpu.memref_slice %arg4[%add3A, %dma_wait3A_15] : memref<32x10240xf32, #tpu.memory_space<hbm>> -> memref<1x10240xf32, #tpu.memory_space<hbm>>
      %dma_wait3A_17 = tpu.memref_squeeze %dma_wait3A_16 : memref<1x10240xf32, #tpu.memory_space<hbm>> -> memref<10240xf32, #tpu.memory_space<hbm>>
      tpu.wait_dma2 semaphore(%run_scoped3A : memref<!tpu.dma_semaphore, #tpu.memory_space<semaphore_mem>>) src(%arg6 : memref<10240xf32, #tpu.memory_space<vmem>>) dst(%dma_wait3A_17 : memref<10240xf32, #tpu.memory_space<hbm>>)
      tpu.yield
    }) : () -> ()
    return
  }
}

#map = affine_map<(d0, d1) -> (0, 0)>
#map1 = affine_map<(d0, d1) -> (0, 0, 0)>
module attributes {stable_mosaic.version = 14 : i64} {
  func.func @body(%arg0: i32, %arg1: i32, %arg2: memref<10240x64xf32, #tpu.memory_space<hbm>>, %arg3: memref<32x80x128xi32, #tpu.memory_space<hbm>>, %arg4: memref<32x80x128xi32, #tpu.memory_space<hbm>>, %arg5: memref<10240x64xf32, #tpu.memory_space<hbm>>, %arg6: memref<2x10240x64xf32, #tpu.memory_space<hbm>>, %arg7: memref<80x128xi32, #tpu.memory_space<vmem>>, %arg8: memref<80x128xi32, #tpu.memory_space<vmem>>, %arg9: memref<128x64xf32, #tpu.memory_space<vmem>>, %arg10: memref<128x64xf32, #tpu.memory_space<vmem>>, %arg11: memref<128x64xf32, #tpu.memory_space<vmem>>, %arg12: memref<128x64xf32, #tpu.memory_space<vmem>>, %arg13: memref<128x64xf32, #tpu.memory_space<vmem>>, %arg14: memref<128x64xf32, #tpu.memory_space<vmem>>, %arg15: memref<128x64xf32, #tpu.memory_space<vmem>>, %arg16: memref<128x64xf32, #tpu.memory_space<vmem>>, %arg17: memref<!tpu.dma_semaphore, #tpu.memory_space<semaphore_mem>>, %arg18: memref<!tpu.dma_semaphore, #tpu.memory_space<semaphore_mem>>, %arg19: memref<!tpu.dma_semaphore, #tpu.memory_space<semaphore_mem>>, %arg20: memref<!tpu.dma_semaphore, #tpu.memory_space<semaphore_mem>>, %arg21: memref<!tpu.dma_semaphore, #tpu.memory_space<semaphore_mem>>, %arg22: memref<!tpu.dma_semaphore, #tpu.memory_space<semaphore_mem>>, %arg23: memref<!tpu.dma_semaphore, #tpu.memory_space<semaphore_mem>>, %arg24: memref<!tpu.dma_semaphore, #tpu.memory_space<semaphore_mem>>, %arg25: memref<10240x64xf32, #tpu.memory_space<vmem_shared>>) attributes {dimension_semantics = [#tpu.dimension_semantics<core_parallel>, #tpu.dimension_semantics<subcore_parallel>], iteration_bounds = array<i64: 2, 16>, scalar_prefetch = 0 : i64, scratch_operands = 19 : i64, tpu.core_type = #tpu.core_type<sc_vector_subcore>, window_params = [{transform_indices = #map}, {transform_indices = #map1}, {transform_indices = #map1}, {transform_indices = #map}, {transform_indices = #map1}]} {
    %mul3A = arith.constant 16 : i32
    %mul3A_0 = arith.muli %arg0, %mul3A : i32
    %add3A = arith.addi %mul3A_0, %arg1 : i32
    %mul3A_1 = arith.constant 640 : i32
    %mul3A_2 = arith.muli %arg1, %mul3A_1 : i32
    "tpu.region"() ({
      %run_scoped3A = tpu.sem_alloc : memref<!tpu.dma_semaphore, #tpu.memory_space<semaphore_mem>>
      %dma_start3A = arith.constant 0 : i32
      %dma_start3A_10 = tpu.memref_slice %arg25[%mul3A_2, %dma_start3A] : memref<10240x64xf32, #tpu.memory_space<vmem_shared>> -> memref<640x64xf32, #tpu.memory_space<vmem_shared>>
      %dma_start3A_11 = arith.constant 0 : i32
      %dma_start3A_12 = tpu.memref_slice %arg5[%mul3A_2, %dma_start3A_11] : memref<10240x64xf32, #tpu.memory_space<hbm>> -> memref<640x64xf32, #tpu.memory_space<hbm>>
      tpu.enqueue_dma source(%dma_start3A_12 : memref<640x64xf32, #tpu.memory_space<hbm>>) target(%dma_start3A_10 : memref<640x64xf32, #tpu.memory_space<vmem_shared>>) target_semaphore(%run_scoped3A : memref<!tpu.dma_semaphore, #tpu.memory_space<semaphore_mem>>)
      %dma_wait3A = arith.constant 0 : i32
      %dma_wait3A_13 = tpu.memref_slice %arg25[%mul3A_2, %dma_wait3A] : memref<10240x64xf32, #tpu.memory_space<vmem_shared>> -> memref<640x64xf32, #tpu.memory_space<vmem_shared>>
      %dma_wait3A_14 = arith.constant 0 : i32
      %dma_wait3A_15 = tpu.memref_slice %arg5[%mul3A_2, %dma_wait3A_14] : memref<10240x64xf32, #tpu.memory_space<hbm>> -> memref<640x64xf32, #tpu.memory_space<hbm>>
      tpu.wait_dma2 semaphore(%run_scoped3A : memref<!tpu.dma_semaphore, #tpu.memory_space<semaphore_mem>>) src(%dma_wait3A_15 : memref<640x64xf32, #tpu.memory_space<hbm>>) dst(%dma_wait3A_13 : memref<640x64xf32, #tpu.memory_space<vmem_shared>>)
      tpu.yield
    }) : () -> ()
    "tpu.region"() ({
      %run_scoped3A = tpu.sem_alloc : memref<!tpu.dma_semaphore, #tpu.memory_space<semaphore_mem>>
      %dma_start3A = arith.constant 0 : i32
      %dma_start3A_10 = arith.constant 0 : i32
      %dma_start3A_11 = tpu.memref_slice %arg3[%add3A, %dma_start3A, %dma_start3A_10] : memref<32x80x128xi32, #tpu.memory_space<hbm>> -> memref<1x80x128xi32, #tpu.memory_space<hbm>>
      %dma_start3A_12 = tpu.memref_squeeze %dma_start3A_11 : memref<1x80x128xi32, #tpu.memory_space<hbm>> -> memref<80x128xi32, #tpu.memory_space<hbm>>
      %dma_start3A_13 = arith.constant 0 : i32
      %dma_start3A_14 = arith.constant 0 : i32
      %dma_start3A_15 = tpu.memref_slice %arg3[%add3A, %dma_start3A_13, %dma_start3A_14] : memref<32x80x128xi32, #tpu.memory_space<hbm>> -> memref<1x80x128xi32, #tpu.memory_space<hbm>>
      %dma_start3A_16 = tpu.memref_squeeze %dma_start3A_15 : memref<1x80x128xi32, #tpu.memory_space<hbm>> -> memref<80x128xi32, #tpu.memory_space<hbm>>
      tpu.enqueue_dma source(%dma_start3A_16 : memref<80x128xi32, #tpu.memory_space<hbm>>) target(%arg7 : memref<80x128xi32, #tpu.memory_space<vmem>>) target_semaphore(%run_scoped3A : memref<!tpu.dma_semaphore, #tpu.memory_space<semaphore_mem>>)
      %dma_wait3A = arith.constant 0 : i32
      %dma_wait3A_17 = arith.constant 0 : i32
      %dma_wait3A_18 = tpu.memref_slice %arg3[%add3A, %dma_wait3A, %dma_wait3A_17] : memref<32x80x128xi32, #tpu.memory_space<hbm>> -> memref<1x80x128xi32, #tpu.memory_space<hbm>>
      %dma_wait3A_19 = tpu.memref_squeeze %dma_wait3A_18 : memref<1x80x128xi32, #tpu.memory_space<hbm>> -> memref<80x128xi32, #tpu.memory_space<hbm>>
      %dma_wait3A_20 = arith.constant 0 : i32
      %dma_wait3A_21 = arith.constant 0 : i32
      %dma_wait3A_22 = tpu.memref_slice %arg3[%add3A, %dma_wait3A_20, %dma_wait3A_21] : memref<32x80x128xi32, #tpu.memory_space<hbm>> -> memref<1x80x128xi32, #tpu.memory_space<hbm>>
      %dma_wait3A_23 = tpu.memref_squeeze %dma_wait3A_22 : memref<1x80x128xi32, #tpu.memory_space<hbm>> -> memref<80x128xi32, #tpu.memory_space<hbm>>
      tpu.wait_dma2 semaphore(%run_scoped3A : memref<!tpu.dma_semaphore, #tpu.memory_space<semaphore_mem>>) src(%dma_wait3A_23 : memref<80x128xi32, #tpu.memory_space<hbm>>) dst(%arg7 : memref<80x128xi32, #tpu.memory_space<vmem>>)
      tpu.yield
    }) : () -> ()
    "tpu.region"() ({
      %run_scoped3A = tpu.sem_alloc : memref<!tpu.dma_semaphore, #tpu.memory_space<semaphore_mem>>
      %dma_start3A = arith.constant 0 : i32
      %dma_start3A_10 = arith.constant 0 : i32
      %dma_start3A_11 = tpu.memref_slice %arg4[%add3A, %dma_start3A, %dma_start3A_10] : memref<32x80x128xi32, #tpu.memory_space<hbm>> -> memref<1x80x128xi32, #tpu.memory_space<hbm>>
      %dma_start3A_12 = tpu.memref_squeeze %dma_start3A_11 : memref<1x80x128xi32, #tpu.memory_space<hbm>> -> memref<80x128xi32, #tpu.memory_space<hbm>>
      %dma_start3A_13 = arith.constant 0 : i32
      %dma_start3A_14 = arith.constant 0 : i32
      %dma_start3A_15 = tpu.memref_slice %arg4[%add3A, %dma_start3A_13, %dma_start3A_14] : memref<32x80x128xi32, #tpu.memory_space<hbm>> -> memref<1x80x128xi32, #tpu.memory_space<hbm>>
      %dma_start3A_16 = tpu.memref_squeeze %dma_start3A_15 : memref<1x80x128xi32, #tpu.memory_space<hbm>> -> memref<80x128xi32, #tpu.memory_space<hbm>>
      tpu.enqueue_dma source(%dma_start3A_16 : memref<80x128xi32, #tpu.memory_space<hbm>>) target(%arg8 : memref<80x128xi32, #tpu.memory_space<vmem>>) target_semaphore(%run_scoped3A : memref<!tpu.dma_semaphore, #tpu.memory_space<semaphore_mem>>)
      %dma_wait3A = arith.constant 0 : i32
      %dma_wait3A_17 = arith.constant 0 : i32
      %dma_wait3A_18 = tpu.memref_slice %arg4[%add3A, %dma_wait3A, %dma_wait3A_17] : memref<32x80x128xi32, #tpu.memory_space<hbm>> -> memref<1x80x128xi32, #tpu.memory_space<hbm>>
      %dma_wait3A_19 = tpu.memref_squeeze %dma_wait3A_18 : memref<1x80x128xi32, #tpu.memory_space<hbm>> -> memref<80x128xi32, #tpu.memory_space<hbm>>
      %dma_wait3A_20 = arith.constant 0 : i32
      %dma_wait3A_21 = arith.constant 0 : i32
      %dma_wait3A_22 = tpu.memref_slice %arg4[%add3A, %dma_wait3A_20, %dma_wait3A_21] : memref<32x80x128xi32, #tpu.memory_space<hbm>> -> memref<1x80x128xi32, #tpu.memory_space<hbm>>
      %dma_wait3A_23 = tpu.memref_squeeze %dma_wait3A_22 : memref<1x80x128xi32, #tpu.memory_space<hbm>> -> memref<80x128xi32, #tpu.memory_space<hbm>>
      tpu.wait_dma2 semaphore(%run_scoped3A : memref<!tpu.dma_semaphore, #tpu.memory_space<semaphore_mem>>) src(%dma_wait3A_23 : memref<80x128xi32, #tpu.memory_space<hbm>>) dst(%arg8 : memref<80x128xi32, #tpu.memory_space<vmem>>)
      tpu.yield
    }) : () -> ()
    %barrier3A = arith.constant 0 : index
    tpu.barrier barrier_id(%barrier3A)
    %scan3A = arith.constant 0 : i32
    %scan3A_3 = arith.constant 0 : i32
    %scan3A_4 = arith.constant 10 : i32
    %scan3A_5 = arith.addi %scan3A_3, %scan3A_4 : i32
    %scan3A_6 = arith.constant 1 : i32
    %scan3A_7 = scf.for %scan3A_10 = %scan3A_3 to %scan3A_5 step %scan3A_6 iter_args(%scan3A_11 = %scan3A) -> (i32)  : i32 {
      %mul3A_12 = arith.constant 8 : i32
      %mul3A_13 = arith.muli %scan3A_10, %mul3A_12 : i32
      %add3A_14 = arith.constant 0 : i32
      %add3A_15 = arith.addi %mul3A_13, %add3A_14 : i32
      %dma_start3A = arith.constant 0 : i32
      %dma_start3A_16 = tpu.memref_slice %arg7[%add3A_15, %dma_start3A] : memref<80x128xi32, #tpu.memory_space<vmem>> -> memref<1x128xi32, #tpu.memory_space<vmem>>
      %dma_start3A_17 = tpu.memref_squeeze %dma_start3A_16 : memref<1x128xi32, #tpu.memory_space<vmem>> -> memref<128xi32, #tpu.memory_space<vmem>>
      %dma_start3A_18 = arith.constant 0 : i32
      %dma_start3A_19 = arith.constant 0 : i32
      %dma_start3A_20 = tpu.memref_slice %arg2[%dma_start3A_18, %dma_start3A_19] : memref<10240x64xf32, #tpu.memory_space<hbm>> -> memref<10240x64xf32, #tpu.memory_space<hbm>>
      tpu.enqueue_indirect_dma source(%dma_start3A_20 : memref<10240x64xf32, #tpu.memory_space<hbm>>) target(%arg9 : memref<128x64xf32, #tpu.memory_space<vmem>>) offsets(%dma_start3A_17 : memref<128xi32, #tpu.memory_space<vmem>>) semaphore(%arg17 : memref<!tpu.dma_semaphore, #tpu.memory_space<semaphore_mem>>)
      %mul3A_21 = arith.constant 8 : i32
      %mul3A_22 = arith.muli %scan3A_10, %mul3A_21 : i32
      %add3A_23 = arith.constant 1 : i32
      %add3A_24 = arith.addi %mul3A_22, %add3A_23 : i32
      %dma_start3A_25 = arith.constant 0 : i32
      %dma_start3A_26 = tpu.memref_slice %arg7[%add3A_24, %dma_start3A_25] : memref<80x128xi32, #tpu.memory_space<vmem>> -> memref<1x128xi32, #tpu.memory_space<vmem>>
      %dma_start3A_27 = tpu.memref_squeeze %dma_start3A_26 : memref<1x128xi32, #tpu.memory_space<vmem>> -> memref<128xi32, #tpu.memory_space<vmem>>
      %dma_start3A_28 = arith.constant 0 : i32
      %dma_start3A_29 = arith.constant 0 : i32
      %dma_start3A_30 = tpu.memref_slice %arg2[%dma_start3A_28, %dma_start3A_29] : memref<10240x64xf32, #tpu.memory_space<hbm>> -> memref<10240x64xf32, #tpu.memory_space<hbm>>
      tpu.enqueue_indirect_dma source(%dma_start3A_30 : memref<10240x64xf32, #tpu.memory_space<hbm>>) target(%arg10 : memref<128x64xf32, #tpu.memory_space<vmem>>) offsets(%dma_start3A_27 : memref<128xi32, #tpu.memory_space<vmem>>) semaphore(%arg18 : memref<!tpu.dma_semaphore, #tpu.memory_space<semaphore_mem>>)
      %mul3A_31 = arith.constant 8 : i32
      %mul3A_32 = arith.muli %scan3A_10, %mul3A_31 : i32
      %add3A_33 = arith.constant 2 : i32
      %add3A_34 = arith.addi %mul3A_32, %add3A_33 : i32
      %dma_start3A_35 = arith.constant 0 : i32
      %dma_start3A_36 = tpu.memref_slice %arg7[%add3A_34, %dma_start3A_35] : memref<80x128xi32, #tpu.memory_space<vmem>> -> memref<1x128xi32, #tpu.memory_space<vmem>>
      %dma_start3A_37 = tpu.memref_squeeze %dma_start3A_36 : memref<1x128xi32, #tpu.memory_space<vmem>> -> memref<128xi32, #tpu.memory_space<vmem>>
      %dma_start3A_38 = arith.constant 0 : i32
      %dma_start3A_39 = arith.constant 0 : i32
      %dma_start3A_40 = tpu.memref_slice %arg2[%dma_start3A_38, %dma_start3A_39] : memref<10240x64xf32, #tpu.memory_space<hbm>> -> memref<10240x64xf32, #tpu.memory_space<hbm>>
      tpu.enqueue_indirect_dma source(%dma_start3A_40 : memref<10240x64xf32, #tpu.memory_space<hbm>>) target(%arg11 : memref<128x64xf32, #tpu.memory_space<vmem>>) offsets(%dma_start3A_37 : memref<128xi32, #tpu.memory_space<vmem>>) semaphore(%arg19 : memref<!tpu.dma_semaphore, #tpu.memory_space<semaphore_mem>>)
      %mul3A_41 = arith.constant 8 : i32
      %mul3A_42 = arith.muli %scan3A_10, %mul3A_41 : i32
      %add3A_43 = arith.constant 3 : i32
      %add3A_44 = arith.addi %mul3A_42, %add3A_43 : i32
      %dma_start3A_45 = arith.constant 0 : i32
      %dma_start3A_46 = tpu.memref_slice %arg7[%add3A_44, %dma_start3A_45] : memref<80x128xi32, #tpu.memory_space<vmem>> -> memref<1x128xi32, #tpu.memory_space<vmem>>
      %dma_start3A_47 = tpu.memref_squeeze %dma_start3A_46 : memref<1x128xi32, #tpu.memory_space<vmem>> -> memref<128xi32, #tpu.memory_space<vmem>>
      %dma_start3A_48 = arith.constant 0 : i32
      %dma_start3A_49 = arith.constant 0 : i32
      %dma_start3A_50 = tpu.memref_slice %arg2[%dma_start3A_48, %dma_start3A_49] : memref<10240x64xf32, #tpu.memory_space<hbm>> -> memref<10240x64xf32, #tpu.memory_space<hbm>>
      tpu.enqueue_indirect_dma source(%dma_start3A_50 : memref<10240x64xf32, #tpu.memory_space<hbm>>) target(%arg12 : memref<128x64xf32, #tpu.memory_space<vmem>>) offsets(%dma_start3A_47 : memref<128xi32, #tpu.memory_space<vmem>>) semaphore(%arg20 : memref<!tpu.dma_semaphore, #tpu.memory_space<semaphore_mem>>)
      %mul3A_51 = arith.constant 8 : i32
      %mul3A_52 = arith.muli %scan3A_10, %mul3A_51 : i32
      %add3A_53 = arith.constant 4 : i32
      %add3A_54 = arith.addi %mul3A_52, %add3A_53 : i32
      %dma_start3A_55 = arith.constant 0 : i32
      %dma_start3A_56 = tpu.memref_slice %arg7[%add3A_54, %dma_start3A_55] : memref<80x128xi32, #tpu.memory_space<vmem>> -> memref<1x128xi32, #tpu.memory_space<vmem>>
      %dma_start3A_57 = tpu.memref_squeeze %dma_start3A_56 : memref<1x128xi32, #tpu.memory_space<vmem>> -> memref<128xi32, #tpu.memory_space<vmem>>
      %dma_start3A_58 = arith.constant 0 : i32
      %dma_start3A_59 = arith.constant 0 : i32
      %dma_start3A_60 = tpu.memref_slice %arg2[%dma_start3A_58, %dma_start3A_59] : memref<10240x64xf32, #tpu.memory_space<hbm>> -> memref<10240x64xf32, #tpu.memory_space<hbm>>
      tpu.enqueue_indirect_dma source(%dma_start3A_60 : memref<10240x64xf32, #tpu.memory_space<hbm>>) target(%arg13 : memref<128x64xf32, #tpu.memory_space<vmem>>) offsets(%dma_start3A_57 : memref<128xi32, #tpu.memory_space<vmem>>) semaphore(%arg21 : memref<!tpu.dma_semaphore, #tpu.memory_space<semaphore_mem>>)
      %mul3A_61 = arith.constant 8 : i32
      %mul3A_62 = arith.muli %scan3A_10, %mul3A_61 : i32
      %add3A_63 = arith.constant 5 : i32
      %add3A_64 = arith.addi %mul3A_62, %add3A_63 : i32
      %dma_start3A_65 = arith.constant 0 : i32
      %dma_start3A_66 = tpu.memref_slice %arg7[%add3A_64, %dma_start3A_65] : memref<80x128xi32, #tpu.memory_space<vmem>> -> memref<1x128xi32, #tpu.memory_space<vmem>>
      %dma_start3A_67 = tpu.memref_squeeze %dma_start3A_66 : memref<1x128xi32, #tpu.memory_space<vmem>> -> memref<128xi32, #tpu.memory_space<vmem>>
      %dma_start3A_68 = arith.constant 0 : i32
      %dma_start3A_69 = arith.constant 0 : i32
      %dma_start3A_70 = tpu.memref_slice %arg2[%dma_start3A_68, %dma_start3A_69] : memref<10240x64xf32, #tpu.memory_space<hbm>> -> memref<10240x64xf32, #tpu.memory_space<hbm>>
      tpu.enqueue_indirect_dma source(%dma_start3A_70 : memref<10240x64xf32, #tpu.memory_space<hbm>>) target(%arg14 : memref<128x64xf32, #tpu.memory_space<vmem>>) offsets(%dma_start3A_67 : memref<128xi32, #tpu.memory_space<vmem>>) semaphore(%arg22 : memref<!tpu.dma_semaphore, #tpu.memory_space<semaphore_mem>>)
      %mul3A_71 = arith.constant 8 : i32
      %mul3A_72 = arith.muli %scan3A_10, %mul3A_71 : i32
      %add3A_73 = arith.constant 6 : i32
      %add3A_74 = arith.addi %mul3A_72, %add3A_73 : i32
      %dma_start3A_75 = arith.constant 0 : i32
      %dma_start3A_76 = tpu.memref_slice %arg7[%add3A_74, %dma_start3A_75] : memref<80x128xi32, #tpu.memory_space<vmem>> -> memref<1x128xi32, #tpu.memory_space<vmem>>
      %dma_start3A_77 = tpu.memref_squeeze %dma_start3A_76 : memref<1x128xi32, #tpu.memory_space<vmem>> -> memref<128xi32, #tpu.memory_space<vmem>>
      %dma_start3A_78 = arith.constant 0 : i32
      %dma_start3A_79 = arith.constant 0 : i32
      %dma_start3A_80 = tpu.memref_slice %arg2[%dma_start3A_78, %dma_start3A_79] : memref<10240x64xf32, #tpu.memory_space<hbm>> -> memref<10240x64xf32, #tpu.memory_space<hbm>>
      tpu.enqueue_indirect_dma source(%dma_start3A_80 : memref<10240x64xf32, #tpu.memory_space<hbm>>) target(%arg15 : memref<128x64xf32, #tpu.memory_space<vmem>>) offsets(%dma_start3A_77 : memref<128xi32, #tpu.memory_space<vmem>>) semaphore(%arg23 : memref<!tpu.dma_semaphore, #tpu.memory_space<semaphore_mem>>)
      %mul3A_81 = arith.constant 8 : i32
      %mul3A_82 = arith.muli %scan3A_10, %mul3A_81 : i32
      %add3A_83 = arith.constant 7 : i32
      %add3A_84 = arith.addi %mul3A_82, %add3A_83 : i32
      %dma_start3A_85 = arith.constant 0 : i32
      %dma_start3A_86 = tpu.memref_slice %arg7[%add3A_84, %dma_start3A_85] : memref<80x128xi32, #tpu.memory_space<vmem>> -> memref<1x128xi32, #tpu.memory_space<vmem>>
      %dma_start3A_87 = tpu.memref_squeeze %dma_start3A_86 : memref<1x128xi32, #tpu.memory_space<vmem>> -> memref<128xi32, #tpu.memory_space<vmem>>
      %dma_start3A_88 = arith.constant 0 : i32
      %dma_start3A_89 = arith.constant 0 : i32
      %dma_start3A_90 = tpu.memref_slice %arg2[%dma_start3A_88, %dma_start3A_89] : memref<10240x64xf32, #tpu.memory_space<hbm>> -> memref<10240x64xf32, #tpu.memory_space<hbm>>
      tpu.enqueue_indirect_dma source(%dma_start3A_90 : memref<10240x64xf32, #tpu.memory_space<hbm>>) target(%arg16 : memref<128x64xf32, #tpu.memory_space<vmem>>) offsets(%dma_start3A_87 : memref<128xi32, #tpu.memory_space<vmem>>) semaphore(%arg24 : memref<!tpu.dma_semaphore, #tpu.memory_space<semaphore_mem>>)
      %mul3A_91 = arith.constant 8 : i32
      %mul3A_92 = arith.muli %scan3A_10, %mul3A_91 : i32
      %add3A_93 = arith.constant 0 : i32
      %add3A_94 = arith.addi %mul3A_92, %add3A_93 : i32
      %dma_wait3A = arith.constant 0 : i32
      %dma_wait3A_95 = tpu.memref_slice %arg7[%add3A_15, %dma_wait3A] : memref<80x128xi32, #tpu.memory_space<vmem>> -> memref<1x128xi32, #tpu.memory_space<vmem>>
      %dma_wait3A_96 = tpu.memref_squeeze %dma_wait3A_95 : memref<1x128xi32, #tpu.memory_space<vmem>> -> memref<128xi32, #tpu.memory_space<vmem>>
      %dma_wait3A_97 = arith.constant 0 : i32
      %dma_wait3A_98 = arith.constant 0 : i32
      %dma_wait3A_99 = tpu.memref_slice %arg2[%dma_wait3A_97, %dma_wait3A_98] : memref<10240x64xf32, #tpu.memory_space<hbm>> -> memref<10240x64xf32, #tpu.memory_space<hbm>>
      tpu.wait_indirect_dma semaphore(%arg17 : memref<!tpu.dma_semaphore, #tpu.memory_space<semaphore_mem>>) src(%dma_wait3A_99 : memref<10240x64xf32, #tpu.memory_space<hbm>>) dst(%arg9 : memref<128x64xf32, #tpu.memory_space<vmem>>)
      "tpu.region"() ({
        %run_scoped3A = tpu.sem_alloc : memref<!tpu.dma_semaphore, #tpu.memory_space<semaphore_mem>>
        %dma_start3A_171 = arith.constant 0 : i32
        %dma_start3A_172 = tpu.memref_slice %arg8[%add3A_94, %dma_start3A_171] : memref<80x128xi32, #tpu.memory_space<vmem>> -> memref<1x128xi32, #tpu.memory_space<vmem>>
        %dma_start3A_173 = tpu.memref_squeeze %dma_start3A_172 : memref<1x128xi32, #tpu.memory_space<vmem>> -> memref<128xi32, #tpu.memory_space<vmem>>
        %dma_start3A_174 = arith.constant 0 : i32
        %dma_start3A_175 = arith.constant 0 : i32
        %dma_start3A_176 = tpu.memref_slice %arg25[%dma_start3A_174, %dma_start3A_175] : memref<10240x64xf32, #tpu.memory_space<vmem_shared>> -> memref<10240x64xf32, #tpu.memory_space<vmem_shared>>
        tpu.enqueue_indirect_dma source(%arg9 : memref<128x64xf32, #tpu.memory_space<vmem>>) target(%dma_start3A_176 : memref<10240x64xf32, #tpu.memory_space<vmem_shared>>) offsets(%dma_start3A_173 : memref<128xi32, #tpu.memory_space<vmem>>) semaphore(%run_scoped3A : memref<!tpu.dma_semaphore, #tpu.memory_space<semaphore_mem>>) {add = true}
        %dma_wait3A_177 = arith.constant 0 : i32
        %dma_wait3A_178 = tpu.memref_slice %arg8[%add3A_94, %dma_wait3A_177] : memref<80x128xi32, #tpu.memory_space<vmem>> -> memref<1x128xi32, #tpu.memory_space<vmem>>
        %dma_wait3A_179 = tpu.memref_squeeze %dma_wait3A_178 : memref<1x128xi32, #tpu.memory_space<vmem>> -> memref<128xi32, #tpu.memory_space<vmem>>
        %dma_wait3A_180 = arith.constant 0 : i32
        %dma_wait3A_181 = arith.constant 0 : i32
        %dma_wait3A_182 = tpu.memref_slice %arg25[%dma_wait3A_180, %dma_wait3A_181] : memref<10240x64xf32, #tpu.memory_space<vmem_shared>> -> memref<10240x64xf32, #tpu.memory_space<vmem_shared>>
        tpu.wait_indirect_dma semaphore(%run_scoped3A : memref<!tpu.dma_semaphore, #tpu.memory_space<semaphore_mem>>) src(%arg9 : memref<128x64xf32, #tpu.memory_space<vmem>>) dst(%dma_wait3A_182 : memref<10240x64xf32, #tpu.memory_space<vmem_shared>>)
        tpu.yield
      }) : () -> ()
      %mul3A_100 = arith.constant 8 : i32
      %mul3A_101 = arith.muli %scan3A_10, %mul3A_100 : i32
      %add3A_102 = arith.constant 1 : i32
      %add3A_103 = arith.addi %mul3A_101, %add3A_102 : i32
      %dma_wait3A_104 = arith.constant 0 : i32
      %dma_wait3A_105 = tpu.memref_slice %arg7[%add3A_24, %dma_wait3A_104] : memref<80x128xi32, #tpu.memory_space<vmem>> -> memref<1x128xi32, #tpu.memory_space<vmem>>
      %dma_wait3A_106 = tpu.memref_squeeze %dma_wait3A_105 : memref<1x128xi32, #tpu.memory_space<vmem>> -> memref<128xi32, #tpu.memory_space<vmem>>
      %dma_wait3A_107 = arith.constant 0 : i32
      %dma_wait3A_108 = arith.constant 0 : i32
      %dma_wait3A_109 = tpu.memref_slice %arg2[%dma_wait3A_107, %dma_wait3A_108] : memref<10240x64xf32, #tpu.memory_space<hbm>> -> memref<10240x64xf32, #tpu.memory_space<hbm>>
      tpu.wait_indirect_dma semaphore(%arg18 : memref<!tpu.dma_semaphore, #tpu.memory_space<semaphore_mem>>) src(%dma_wait3A_109 : memref<10240x64xf32, #tpu.memory_space<hbm>>) dst(%arg10 : memref<128x64xf32, #tpu.memory_space<vmem>>)
      "tpu.region"() ({
        %run_scoped3A = tpu.sem_alloc : memref<!tpu.dma_semaphore, #tpu.memory_space<semaphore_mem>>
        %dma_start3A_171 = arith.constant 0 : i32
        %dma_start3A_172 = tpu.memref_slice %arg8[%add3A_103, %dma_start3A_171] : memref<80x128xi32, #tpu.memory_space<vmem>> -> memref<1x128xi32, #tpu.memory_space<vmem>>
        %dma_start3A_173 = tpu.memref_squeeze %dma_start3A_172 : memref<1x128xi32, #tpu.memory_space<vmem>> -> memref<128xi32, #tpu.memory_space<vmem>>
        %dma_start3A_174 = arith.constant 0 : i32
        %dma_start3A_175 = arith.constant 0 : i32
        %dma_start3A_176 = tpu.memref_slice %arg25[%dma_start3A_174, %dma_start3A_175] : memref<10240x64xf32, #tpu.memory_space<vmem_shared>> -> memref<10240x64xf32, #tpu.memory_space<vmem_shared>>
        tpu.enqueue_indirect_dma source(%arg10 : memref<128x64xf32, #tpu.memory_space<vmem>>) target(%dma_start3A_176 : memref<10240x64xf32, #tpu.memory_space<vmem_shared>>) offsets(%dma_start3A_173 : memref<128xi32, #tpu.memory_space<vmem>>) semaphore(%run_scoped3A : memref<!tpu.dma_semaphore, #tpu.memory_space<semaphore_mem>>) {add = true}
        %dma_wait3A_177 = arith.constant 0 : i32
        %dma_wait3A_178 = tpu.memref_slice %arg8[%add3A_103, %dma_wait3A_177] : memref<80x128xi32, #tpu.memory_space<vmem>> -> memref<1x128xi32, #tpu.memory_space<vmem>>
        %dma_wait3A_179 = tpu.memref_squeeze %dma_wait3A_178 : memref<1x128xi32, #tpu.memory_space<vmem>> -> memref<128xi32, #tpu.memory_space<vmem>>
        %dma_wait3A_180 = arith.constant 0 : i32
        %dma_wait3A_181 = arith.constant 0 : i32
        %dma_wait3A_182 = tpu.memref_slice %arg25[%dma_wait3A_180, %dma_wait3A_181] : memref<10240x64xf32, #tpu.memory_space<vmem_shared>> -> memref<10240x64xf32, #tpu.memory_space<vmem_shared>>
        tpu.wait_indirect_dma semaphore(%run_scoped3A : memref<!tpu.dma_semaphore, #tpu.memory_space<semaphore_mem>>) src(%arg10 : memref<128x64xf32, #tpu.memory_space<vmem>>) dst(%dma_wait3A_182 : memref<10240x64xf32, #tpu.memory_space<vmem_shared>>)
        tpu.yield
      }) : () -> ()
      %mul3A_110 = arith.constant 8 : i32
      %mul3A_111 = arith.muli %scan3A_10, %mul3A_110 : i32
      %add3A_112 = arith.constant 2 : i32
      %add3A_113 = arith.addi %mul3A_111, %add3A_112 : i32
      %dma_wait3A_114 = arith.constant 0 : i32
      %dma_wait3A_115 = tpu.memref_slice %arg7[%add3A_34, %dma_wait3A_114] : memref<80x128xi32, #tpu.memory_space<vmem>> -> memref<1x128xi32, #tpu.memory_space<vmem>>
      %dma_wait3A_116 = tpu.memref_squeeze %dma_wait3A_115 : memref<1x128xi32, #tpu.memory_space<vmem>> -> memref<128xi32, #tpu.memory_space<vmem>>
      %dma_wait3A_117 = arith.constant 0 : i32
      %dma_wait3A_118 = arith.constant 0 : i32
      %dma_wait3A_119 = tpu.memref_slice %arg2[%dma_wait3A_117, %dma_wait3A_118] : memref<10240x64xf32, #tpu.memory_space<hbm>> -> memref<10240x64xf32, #tpu.memory_space<hbm>>
      tpu.wait_indirect_dma semaphore(%arg19 : memref<!tpu.dma_semaphore, #tpu.memory_space<semaphore_mem>>) src(%dma_wait3A_119 : memref<10240x64xf32, #tpu.memory_space<hbm>>) dst(%arg11 : memref<128x64xf32, #tpu.memory_space<vmem>>)
      "tpu.region"() ({
        %run_scoped3A = tpu.sem_alloc : memref<!tpu.dma_semaphore, #tpu.memory_space<semaphore_mem>>
        %dma_start3A_171 = arith.constant 0 : i32
        %dma_start3A_172 = tpu.memref_slice %arg8[%add3A_113, %dma_start3A_171] : memref<80x128xi32, #tpu.memory_space<vmem>> -> memref<1x128xi32, #tpu.memory_space<vmem>>
        %dma_start3A_173 = tpu.memref_squeeze %dma_start3A_172 : memref<1x128xi32, #tpu.memory_space<vmem>> -> memref<128xi32, #tpu.memory_space<vmem>>
        %dma_start3A_174 = arith.constant 0 : i32
        %dma_start3A_175 = arith.constant 0 : i32
        %dma_start3A_176 = tpu.memref_slice %arg25[%dma_start3A_174, %dma_start3A_175] : memref<10240x64xf32, #tpu.memory_space<vmem_shared>> -> memref<10240x64xf32, #tpu.memory_space<vmem_shared>>
        tpu.enqueue_indirect_dma source(%arg11 : memref<128x64xf32, #tpu.memory_space<vmem>>) target(%dma_start3A_176 : memref<10240x64xf32, #tpu.memory_space<vmem_shared>>) offsets(%dma_start3A_173 : memref<128xi32, #tpu.memory_space<vmem>>) semaphore(%run_scoped3A : memref<!tpu.dma_semaphore, #tpu.memory_space<semaphore_mem>>) {add = true}
        %dma_wait3A_177 = arith.constant 0 : i32
        %dma_wait3A_178 = tpu.memref_slice %arg8[%add3A_113, %dma_wait3A_177] : memref<80x128xi32, #tpu.memory_space<vmem>> -> memref<1x128xi32, #tpu.memory_space<vmem>>
        %dma_wait3A_179 = tpu.memref_squeeze %dma_wait3A_178 : memref<1x128xi32, #tpu.memory_space<vmem>> -> memref<128xi32, #tpu.memory_space<vmem>>
        %dma_wait3A_180 = arith.constant 0 : i32
        %dma_wait3A_181 = arith.constant 0 : i32
        %dma_wait3A_182 = tpu.memref_slice %arg25[%dma_wait3A_180, %dma_wait3A_181] : memref<10240x64xf32, #tpu.memory_space<vmem_shared>> -> memref<10240x64xf32, #tpu.memory_space<vmem_shared>>
        tpu.wait_indirect_dma semaphore(%run_scoped3A : memref<!tpu.dma_semaphore, #tpu.memory_space<semaphore_mem>>) src(%arg11 : memref<128x64xf32, #tpu.memory_space<vmem>>) dst(%dma_wait3A_182 : memref<10240x64xf32, #tpu.memory_space<vmem_shared>>)
        tpu.yield
      }) : () -> ()
      %mul3A_120 = arith.constant 8 : i32
      %mul3A_121 = arith.muli %scan3A_10, %mul3A_120 : i32
      %add3A_122 = arith.constant 3 : i32
      %add3A_123 = arith.addi %mul3A_121, %add3A_122 : i32
      %dma_wait3A_124 = arith.constant 0 : i32
      %dma_wait3A_125 = tpu.memref_slice %arg7[%add3A_44, %dma_wait3A_124] : memref<80x128xi32, #tpu.memory_space<vmem>> -> memref<1x128xi32, #tpu.memory_space<vmem>>
      %dma_wait3A_126 = tpu.memref_squeeze %dma_wait3A_125 : memref<1x128xi32, #tpu.memory_space<vmem>> -> memref<128xi32, #tpu.memory_space<vmem>>
      %dma_wait3A_127 = arith.constant 0 : i32
      %dma_wait3A_128 = arith.constant 0 : i32
      %dma_wait3A_129 = tpu.memref_slice %arg2[%dma_wait3A_127, %dma_wait3A_128] : memref<10240x64xf32, #tpu.memory_space<hbm>> -> memref<10240x64xf32, #tpu.memory_space<hbm>>
      tpu.wait_indirect_dma semaphore(%arg20 : memref<!tpu.dma_semaphore, #tpu.memory_space<semaphore_mem>>) src(%dma_wait3A_129 : memref<10240x64xf32, #tpu.memory_space<hbm>>) dst(%arg12 : memref<128x64xf32, #tpu.memory_space<vmem>>)
      "tpu.region"() ({
        %run_scoped3A = tpu.sem_alloc : memref<!tpu.dma_semaphore, #tpu.memory_space<semaphore_mem>>
        %dma_start3A_171 = arith.constant 0 : i32
        %dma_start3A_172 = tpu.memref_slice %arg8[%add3A_123, %dma_start3A_171] : memref<80x128xi32, #tpu.memory_space<vmem>> -> memref<1x128xi32, #tpu.memory_space<vmem>>
        %dma_start3A_173 = tpu.memref_squeeze %dma_start3A_172 : memref<1x128xi32, #tpu.memory_space<vmem>> -> memref<128xi32, #tpu.memory_space<vmem>>
        %dma_start3A_174 = arith.constant 0 : i32
        %dma_start3A_175 = arith.constant 0 : i32
        %dma_start3A_176 = tpu.memref_slice %arg25[%dma_start3A_174, %dma_start3A_175] : memref<10240x64xf32, #tpu.memory_space<vmem_shared>> -> memref<10240x64xf32, #tpu.memory_space<vmem_shared>>
        tpu.enqueue_indirect_dma source(%arg12 : memref<128x64xf32, #tpu.memory_space<vmem>>) target(%dma_start3A_176 : memref<10240x64xf32, #tpu.memory_space<vmem_shared>>) offsets(%dma_start3A_173 : memref<128xi32, #tpu.memory_space<vmem>>) semaphore(%run_scoped3A : memref<!tpu.dma_semaphore, #tpu.memory_space<semaphore_mem>>) {add = true}
        %dma_wait3A_177 = arith.constant 0 : i32
        %dma_wait3A_178 = tpu.memref_slice %arg8[%add3A_123, %dma_wait3A_177] : memref<80x128xi32, #tpu.memory_space<vmem>> -> memref<1x128xi32, #tpu.memory_space<vmem>>
        %dma_wait3A_179 = tpu.memref_squeeze %dma_wait3A_178 : memref<1x128xi32, #tpu.memory_space<vmem>> -> memref<128xi32, #tpu.memory_space<vmem>>
        %dma_wait3A_180 = arith.constant 0 : i32
        %dma_wait3A_181 = arith.constant 0 : i32
        %dma_wait3A_182 = tpu.memref_slice %arg25[%dma_wait3A_180, %dma_wait3A_181] : memref<10240x64xf32, #tpu.memory_space<vmem_shared>> -> memref<10240x64xf32, #tpu.memory_space<vmem_shared>>
        tpu.wait_indirect_dma semaphore(%run_scoped3A : memref<!tpu.dma_semaphore, #tpu.memory_space<semaphore_mem>>) src(%arg12 : memref<128x64xf32, #tpu.memory_space<vmem>>) dst(%dma_wait3A_182 : memref<10240x64xf32, #tpu.memory_space<vmem_shared>>)
        tpu.yield
      }) : () -> ()
      %mul3A_130 = arith.constant 8 : i32
      %mul3A_131 = arith.muli %scan3A_10, %mul3A_130 : i32
      %add3A_132 = arith.constant 4 : i32
      %add3A_133 = arith.addi %mul3A_131, %add3A_132 : i32
      %dma_wait3A_134 = arith.constant 0 : i32
      %dma_wait3A_135 = tpu.memref_slice %arg7[%add3A_54, %dma_wait3A_134] : memref<80x128xi32, #tpu.memory_space<vmem>> -> memref<1x128xi32, #tpu.memory_space<vmem>>
      %dma_wait3A_136 = tpu.memref_squeeze %dma_wait3A_135 : memref<1x128xi32, #tpu.memory_space<vmem>> -> memref<128xi32, #tpu.memory_space<vmem>>
      %dma_wait3A_137 = arith.constant 0 : i32
      %dma_wait3A_138 = arith.constant 0 : i32
      %dma_wait3A_139 = tpu.memref_slice %arg2[%dma_wait3A_137, %dma_wait3A_138] : memref<10240x64xf32, #tpu.memory_space<hbm>> -> memref<10240x64xf32, #tpu.memory_space<hbm>>
      tpu.wait_indirect_dma semaphore(%arg21 : memref<!tpu.dma_semaphore, #tpu.memory_space<semaphore_mem>>) src(%dma_wait3A_139 : memref<10240x64xf32, #tpu.memory_space<hbm>>) dst(%arg13 : memref<128x64xf32, #tpu.memory_space<vmem>>)
      "tpu.region"() ({
        %run_scoped3A = tpu.sem_alloc : memref<!tpu.dma_semaphore, #tpu.memory_space<semaphore_mem>>
        %dma_start3A_171 = arith.constant 0 : i32
        %dma_start3A_172 = tpu.memref_slice %arg8[%add3A_133, %dma_start3A_171] : memref<80x128xi32, #tpu.memory_space<vmem>> -> memref<1x128xi32, #tpu.memory_space<vmem>>
        %dma_start3A_173 = tpu.memref_squeeze %dma_start3A_172 : memref<1x128xi32, #tpu.memory_space<vmem>> -> memref<128xi32, #tpu.memory_space<vmem>>
        %dma_start3A_174 = arith.constant 0 : i32
        %dma_start3A_175 = arith.constant 0 : i32
        %dma_start3A_176 = tpu.memref_slice %arg25[%dma_start3A_174, %dma_start3A_175] : memref<10240x64xf32, #tpu.memory_space<vmem_shared>> -> memref<10240x64xf32, #tpu.memory_space<vmem_shared>>
        tpu.enqueue_indirect_dma source(%arg13 : memref<128x64xf32, #tpu.memory_space<vmem>>) target(%dma_start3A_176 : memref<10240x64xf32, #tpu.memory_space<vmem_shared>>) offsets(%dma_start3A_173 : memref<128xi32, #tpu.memory_space<vmem>>) semaphore(%run_scoped3A : memref<!tpu.dma_semaphore, #tpu.memory_space<semaphore_mem>>) {add = true}
        %dma_wait3A_177 = arith.constant 0 : i32
        %dma_wait3A_178 = tpu.memref_slice %arg8[%add3A_133, %dma_wait3A_177] : memref<80x128xi32, #tpu.memory_space<vmem>> -> memref<1x128xi32, #tpu.memory_space<vmem>>
        %dma_wait3A_179 = tpu.memref_squeeze %dma_wait3A_178 : memref<1x128xi32, #tpu.memory_space<vmem>> -> memref<128xi32, #tpu.memory_space<vmem>>
        %dma_wait3A_180 = arith.constant 0 : i32
        %dma_wait3A_181 = arith.constant 0 : i32
        %dma_wait3A_182 = tpu.memref_slice %arg25[%dma_wait3A_180, %dma_wait3A_181] : memref<10240x64xf32, #tpu.memory_space<vmem_shared>> -> memref<10240x64xf32, #tpu.memory_space<vmem_shared>>
        tpu.wait_indirect_dma semaphore(%run_scoped3A : memref<!tpu.dma_semaphore, #tpu.memory_space<semaphore_mem>>) src(%arg13 : memref<128x64xf32, #tpu.memory_space<vmem>>) dst(%dma_wait3A_182 : memref<10240x64xf32, #tpu.memory_space<vmem_shared>>)
        tpu.yield
      }) : () -> ()
      %mul3A_140 = arith.constant 8 : i32
      %mul3A_141 = arith.muli %scan3A_10, %mul3A_140 : i32
      %add3A_142 = arith.constant 5 : i32
      %add3A_143 = arith.addi %mul3A_141, %add3A_142 : i32
      %dma_wait3A_144 = arith.constant 0 : i32
      %dma_wait3A_145 = tpu.memref_slice %arg7[%add3A_64, %dma_wait3A_144] : memref<80x128xi32, #tpu.memory_space<vmem>> -> memref<1x128xi32, #tpu.memory_space<vmem>>
      %dma_wait3A_146 = tpu.memref_squeeze %dma_wait3A_145 : memref<1x128xi32, #tpu.memory_space<vmem>> -> memref<128xi32, #tpu.memory_space<vmem>>
      %dma_wait3A_147 = arith.constant 0 : i32
      %dma_wait3A_148 = arith.constant 0 : i32
      %dma_wait3A_149 = tpu.memref_slice %arg2[%dma_wait3A_147, %dma_wait3A_148] : memref<10240x64xf32, #tpu.memory_space<hbm>> -> memref<10240x64xf32, #tpu.memory_space<hbm>>
      tpu.wait_indirect_dma semaphore(%arg22 : memref<!tpu.dma_semaphore, #tpu.memory_space<semaphore_mem>>) src(%dma_wait3A_149 : memref<10240x64xf32, #tpu.memory_space<hbm>>) dst(%arg14 : memref<128x64xf32, #tpu.memory_space<vmem>>)
      "tpu.region"() ({
        %run_scoped3A = tpu.sem_alloc : memref<!tpu.dma_semaphore, #tpu.memory_space<semaphore_mem>>
        %dma_start3A_171 = arith.constant 0 : i32
        %dma_start3A_172 = tpu.memref_slice %arg8[%add3A_143, %dma_start3A_171] : memref<80x128xi32, #tpu.memory_space<vmem>> -> memref<1x128xi32, #tpu.memory_space<vmem>>
        %dma_start3A_173 = tpu.memref_squeeze %dma_start3A_172 : memref<1x128xi32, #tpu.memory_space<vmem>> -> memref<128xi32, #tpu.memory_space<vmem>>
        %dma_start3A_174 = arith.constant 0 : i32
        %dma_start3A_175 = arith.constant 0 : i32
        %dma_start3A_176 = tpu.memref_slice %arg25[%dma_start3A_174, %dma_start3A_175] : memref<10240x64xf32, #tpu.memory_space<vmem_shared>> -> memref<10240x64xf32, #tpu.memory_space<vmem_shared>>
        tpu.enqueue_indirect_dma source(%arg14 : memref<128x64xf32, #tpu.memory_space<vmem>>) target(%dma_start3A_176 : memref<10240x64xf32, #tpu.memory_space<vmem_shared>>) offsets(%dma_start3A_173 : memref<128xi32, #tpu.memory_space<vmem>>) semaphore(%run_scoped3A : memref<!tpu.dma_semaphore, #tpu.memory_space<semaphore_mem>>) {add = true}
        %dma_wait3A_177 = arith.constant 0 : i32
        %dma_wait3A_178 = tpu.memref_slice %arg8[%add3A_143, %dma_wait3A_177] : memref<80x128xi32, #tpu.memory_space<vmem>> -> memref<1x128xi32, #tpu.memory_space<vmem>>
        %dma_wait3A_179 = tpu.memref_squeeze %dma_wait3A_178 : memref<1x128xi32, #tpu.memory_space<vmem>> -> memref<128xi32, #tpu.memory_space<vmem>>
        %dma_wait3A_180 = arith.constant 0 : i32
        %dma_wait3A_181 = arith.constant 0 : i32
        %dma_wait3A_182 = tpu.memref_slice %arg25[%dma_wait3A_180, %dma_wait3A_181] : memref<10240x64xf32, #tpu.memory_space<vmem_shared>> -> memref<10240x64xf32, #tpu.memory_space<vmem_shared>>
        tpu.wait_indirect_dma semaphore(%run_scoped3A : memref<!tpu.dma_semaphore, #tpu.memory_space<semaphore_mem>>) src(%arg14 : memref<128x64xf32, #tpu.memory_space<vmem>>) dst(%dma_wait3A_182 : memref<10240x64xf32, #tpu.memory_space<vmem_shared>>)
        tpu.yield
      }) : () -> ()
      %mul3A_150 = arith.constant 8 : i32
      %mul3A_151 = arith.muli %scan3A_10, %mul3A_150 : i32
      %add3A_152 = arith.constant 6 : i32
      %add3A_153 = arith.addi %mul3A_151, %add3A_152 : i32
      %dma_wait3A_154 = arith.constant 0 : i32
      %dma_wait3A_155 = tpu.memref_slice %arg7[%add3A_74, %dma_wait3A_154] : memref<80x128xi32, #tpu.memory_space<vmem>> -> memref<1x128xi32, #tpu.memory_space<vmem>>
      %dma_wait3A_156 = tpu.memref_squeeze %dma_wait3A_155 : memref<1x128xi32, #tpu.memory_space<vmem>> -> memref<128xi32, #tpu.memory_space<vmem>>
      %dma_wait3A_157 = arith.constant 0 : i32
      %dma_wait3A_158 = arith.constant 0 : i32
      %dma_wait3A_159 = tpu.memref_slice %arg2[%dma_wait3A_157, %dma_wait3A_158] : memref<10240x64xf32, #tpu.memory_space<hbm>> -> memref<10240x64xf32, #tpu.memory_space<hbm>>
      tpu.wait_indirect_dma semaphore(%arg23 : memref<!tpu.dma_semaphore, #tpu.memory_space<semaphore_mem>>) src(%dma_wait3A_159 : memref<10240x64xf32, #tpu.memory_space<hbm>>) dst(%arg15 : memref<128x64xf32, #tpu.memory_space<vmem>>)
      "tpu.region"() ({
        %run_scoped3A = tpu.sem_alloc : memref<!tpu.dma_semaphore, #tpu.memory_space<semaphore_mem>>
        %dma_start3A_171 = arith.constant 0 : i32
        %dma_start3A_172 = tpu.memref_slice %arg8[%add3A_153, %dma_start3A_171] : memref<80x128xi32, #tpu.memory_space<vmem>> -> memref<1x128xi32, #tpu.memory_space<vmem>>
        %dma_start3A_173 = tpu.memref_squeeze %dma_start3A_172 : memref<1x128xi32, #tpu.memory_space<vmem>> -> memref<128xi32, #tpu.memory_space<vmem>>
        %dma_start3A_174 = arith.constant 0 : i32
        %dma_start3A_175 = arith.constant 0 : i32
        %dma_start3A_176 = tpu.memref_slice %arg25[%dma_start3A_174, %dma_start3A_175] : memref<10240x64xf32, #tpu.memory_space<vmem_shared>> -> memref<10240x64xf32, #tpu.memory_space<vmem_shared>>
        tpu.enqueue_indirect_dma source(%arg15 : memref<128x64xf32, #tpu.memory_space<vmem>>) target(%dma_start3A_176 : memref<10240x64xf32, #tpu.memory_space<vmem_shared>>) offsets(%dma_start3A_173 : memref<128xi32, #tpu.memory_space<vmem>>) semaphore(%run_scoped3A : memref<!tpu.dma_semaphore, #tpu.memory_space<semaphore_mem>>) {add = true}
        %dma_wait3A_177 = arith.constant 0 : i32
        %dma_wait3A_178 = tpu.memref_slice %arg8[%add3A_153, %dma_wait3A_177] : memref<80x128xi32, #tpu.memory_space<vmem>> -> memref<1x128xi32, #tpu.memory_space<vmem>>
        %dma_wait3A_179 = tpu.memref_squeeze %dma_wait3A_178 : memref<1x128xi32, #tpu.memory_space<vmem>> -> memref<128xi32, #tpu.memory_space<vmem>>
        %dma_wait3A_180 = arith.constant 0 : i32
        %dma_wait3A_181 = arith.constant 0 : i32
        %dma_wait3A_182 = tpu.memref_slice %arg25[%dma_wait3A_180, %dma_wait3A_181] : memref<10240x64xf32, #tpu.memory_space<vmem_shared>> -> memref<10240x64xf32, #tpu.memory_space<vmem_shared>>
        tpu.wait_indirect_dma semaphore(%run_scoped3A : memref<!tpu.dma_semaphore, #tpu.memory_space<semaphore_mem>>) src(%arg15 : memref<128x64xf32, #tpu.memory_space<vmem>>) dst(%dma_wait3A_182 : memref<10240x64xf32, #tpu.memory_space<vmem_shared>>)
        tpu.yield
      }) : () -> ()
      %mul3A_160 = arith.constant 8 : i32
      %mul3A_161 = arith.muli %scan3A_10, %mul3A_160 : i32
      %add3A_162 = arith.constant 7 : i32
      %add3A_163 = arith.addi %mul3A_161, %add3A_162 : i32
      %dma_wait3A_164 = arith.constant 0 : i32
      %dma_wait3A_165 = tpu.memref_slice %arg7[%add3A_84, %dma_wait3A_164] : memref<80x128xi32, #tpu.memory_space<vmem>> -> memref<1x128xi32, #tpu.memory_space<vmem>>
      %dma_wait3A_166 = tpu.memref_squeeze %dma_wait3A_165 : memref<1x128xi32, #tpu.memory_space<vmem>> -> memref<128xi32, #tpu.memory_space<vmem>>
      %dma_wait3A_167 = arith.constant 0 : i32
      %dma_wait3A_168 = arith.constant 0 : i32
      %dma_wait3A_169 = tpu.memref_slice %arg2[%dma_wait3A_167, %dma_wait3A_168] : memref<10240x64xf32, #tpu.memory_space<hbm>> -> memref<10240x64xf32, #tpu.memory_space<hbm>>
      tpu.wait_indirect_dma semaphore(%arg24 : memref<!tpu.dma_semaphore, #tpu.memory_space<semaphore_mem>>) src(%dma_wait3A_169 : memref<10240x64xf32, #tpu.memory_space<hbm>>) dst(%arg16 : memref<128x64xf32, #tpu.memory_space<vmem>>)
      "tpu.region"() ({
        %run_scoped3A = tpu.sem_alloc : memref<!tpu.dma_semaphore, #tpu.memory_space<semaphore_mem>>
        %dma_start3A_171 = arith.constant 0 : i32
        %dma_start3A_172 = tpu.memref_slice %arg8[%add3A_163, %dma_start3A_171] : memref<80x128xi32, #tpu.memory_space<vmem>> -> memref<1x128xi32, #tpu.memory_space<vmem>>
        %dma_start3A_173 = tpu.memref_squeeze %dma_start3A_172 : memref<1x128xi32, #tpu.memory_space<vmem>> -> memref<128xi32, #tpu.memory_space<vmem>>
        %dma_start3A_174 = arith.constant 0 : i32
        %dma_start3A_175 = arith.constant 0 : i32
        %dma_start3A_176 = tpu.memref_slice %arg25[%dma_start3A_174, %dma_start3A_175] : memref<10240x64xf32, #tpu.memory_space<vmem_shared>> -> memref<10240x64xf32, #tpu.memory_space<vmem_shared>>
        tpu.enqueue_indirect_dma source(%arg16 : memref<128x64xf32, #tpu.memory_space<vmem>>) target(%dma_start3A_176 : memref<10240x64xf32, #tpu.memory_space<vmem_shared>>) offsets(%dma_start3A_173 : memref<128xi32, #tpu.memory_space<vmem>>) semaphore(%run_scoped3A : memref<!tpu.dma_semaphore, #tpu.memory_space<semaphore_mem>>) {add = true}
        %dma_wait3A_177 = arith.constant 0 : i32
        %dma_wait3A_178 = tpu.memref_slice %arg8[%add3A_163, %dma_wait3A_177] : memref<80x128xi32, #tpu.memory_space<vmem>> -> memref<1x128xi32, #tpu.memory_space<vmem>>
        %dma_wait3A_179 = tpu.memref_squeeze %dma_wait3A_178 : memref<1x128xi32, #tpu.memory_space<vmem>> -> memref<128xi32, #tpu.memory_space<vmem>>
        %dma_wait3A_180 = arith.constant 0 : i32
        %dma_wait3A_181 = arith.constant 0 : i32
        %dma_wait3A_182 = tpu.memref_slice %arg25[%dma_wait3A_180, %dma_wait3A_181] : memref<10240x64xf32, #tpu.memory_space<vmem_shared>> -> memref<10240x64xf32, #tpu.memory_space<vmem_shared>>
        tpu.wait_indirect_dma semaphore(%run_scoped3A : memref<!tpu.dma_semaphore, #tpu.memory_space<semaphore_mem>>) src(%arg16 : memref<128x64xf32, #tpu.memory_space<vmem>>) dst(%dma_wait3A_182 : memref<10240x64xf32, #tpu.memory_space<vmem_shared>>)
        tpu.yield
      }) : () -> ()
      %scan3A_170 = arith.constant 0 : i32
      scf.yield %scan3A_170 : i32
    }
    %scan3A_8 = arith.constant 10 : i32
    %barrier3A_9 = arith.constant 0 : index
    tpu.barrier barrier_id(%barrier3A_9)
    "tpu.region"() ({
      %run_scoped3A = tpu.sem_alloc : memref<!tpu.dma_semaphore, #tpu.memory_space<semaphore_mem>>
      %dma_start3A = arith.constant 0 : i32
      %dma_start3A_10 = tpu.memref_slice %arg6[%arg0, %mul3A_2, %dma_start3A] : memref<2x10240x64xf32, #tpu.memory_space<hbm>> -> memref<1x640x64xf32, #tpu.memory_space<hbm>>
      %dma_start3A_11 = tpu.memref_squeeze %dma_start3A_10 : memref<1x640x64xf32, #tpu.memory_space<hbm>> -> memref<640x64xf32, #tpu.memory_space<hbm>>
      %dma_start3A_12 = arith.constant 0 : i32
      %dma_start3A_13 = tpu.memref_slice %arg25[%mul3A_2, %dma_start3A_12] : memref<10240x64xf32, #tpu.memory_space<vmem_shared>> -> memref<640x64xf32, #tpu.memory_space<vmem_shared>>
      tpu.enqueue_dma source(%dma_start3A_13 : memref<640x64xf32, #tpu.memory_space<vmem_shared>>) target(%dma_start3A_11 : memref<640x64xf32, #tpu.memory_space<hbm>>) target_semaphore(%run_scoped3A : memref<!tpu.dma_semaphore, #tpu.memory_space<semaphore_mem>>)
      %dma_wait3A = arith.constant 0 : i32
      %dma_wait3A_14 = tpu.memref_slice %arg6[%arg0, %mul3A_2, %dma_wait3A] : memref<2x10240x64xf32, #tpu.memory_space<hbm>> -> memref<1x640x64xf32, #tpu.memory_space<hbm>>
      %dma_wait3A_15 = tpu.memref_squeeze %dma_wait3A_14 : memref<1x640x64xf32, #tpu.memory_space<hbm>> -> memref<640x64xf32, #tpu.memory_space<hbm>>
      %dma_wait3A_16 = arith.constant 0 : i32
      %dma_wait3A_17 = tpu.memref_slice %arg25[%mul3A_2, %dma_wait3A_16] : memref<10240x64xf32, #tpu.memory_space<vmem_shared>> -> memref<640x64xf32, #tpu.memory_space<vmem_shared>>
      tpu.wait_dma2 semaphore(%run_scoped3A : memref<!tpu.dma_semaphore, #tpu.memory_space<semaphore_mem>>) src(%dma_wait3A_17 : memref<640x64xf32, #tpu.memory_space<vmem_shared>>) dst(%dma_wait3A_15 : memref<640x64xf32, #tpu.memory_space<hbm>>)
      tpu.yield
    }) : () -> ()
    return
  }
}

#map = affine_map<(d0, d1) -> (0, 0)>
#map1 = affine_map<(d0, d1) -> (0, 0, 0)>
module attributes {stable_mosaic.version = 14 : i64} {
  func.func @body(%arg0: i32, %arg1: i32, %arg2: memref<10240x64xf32, #tpu.memory_space<hbm>>, %arg3: memref<32x80x128xi32, #tpu.memory_space<hbm>>, %arg4: memref<32x80x128xi32, #tpu.memory_space<hbm>>, %arg5: memref<10240x64xf32, #tpu.memory_space<hbm>>, %arg6: memref<2x10240x64xf32, #tpu.memory_space<hbm>>, %arg7: memref<80x128xi32, #tpu.memory_space<vmem>>, %arg8: memref<80x128xi32, #tpu.memory_space<vmem>>, %arg9: memref<128x64xf32, #tpu.memory_space<vmem>>, %arg10: memref<128x64xf32, #tpu.memory_space<vmem>>, %arg11: memref<128x64xf32, #tpu.memory_space<vmem>>, %arg12: memref<128x64xf32, #tpu.memory_space<vmem>>, %arg13: memref<128x64xf32, #tpu.memory_space<vmem>>, %arg14: memref<128x64xf32, #tpu.memory_space<vmem>>, %arg15: memref<128x64xf32, #tpu.memory_space<vmem>>, %arg16: memref<128x64xf32, #tpu.memory_space<vmem>>, %arg17: memref<!tpu.dma_semaphore, #tpu.memory_space<semaphore_mem>>, %arg18: memref<!tpu.dma_semaphore, #tpu.memory_space<semaphore_mem>>, %arg19: memref<!tpu.dma_semaphore, #tpu.memory_space<semaphore_mem>>, %arg20: memref<!tpu.dma_semaphore, #tpu.memory_space<semaphore_mem>>, %arg21: memref<!tpu.dma_semaphore, #tpu.memory_space<semaphore_mem>>, %arg22: memref<!tpu.dma_semaphore, #tpu.memory_space<semaphore_mem>>, %arg23: memref<!tpu.dma_semaphore, #tpu.memory_space<semaphore_mem>>, %arg24: memref<!tpu.dma_semaphore, #tpu.memory_space<semaphore_mem>>, %arg25: memref<10240x64xf32, #tpu.memory_space<vmem_shared>>) attributes {dimension_semantics = [#tpu.dimension_semantics<core_parallel>, #tpu.dimension_semantics<subcore_parallel>], iteration_bounds = array<i64: 2, 16>, scalar_prefetch = 0 : i64, scratch_operands = 19 : i64, tpu.core_type = #tpu.core_type<sc_vector_subcore>, window_params = [{transform_indices = #map}, {transform_indices = #map1}, {transform_indices = #map1}, {transform_indices = #map}, {transform_indices = #map1}]} {
    %mul3A = arith.constant 16 : i32
    %mul3A_0 = arith.muli %arg0, %mul3A : i32
    %add3A = arith.addi %mul3A_0, %arg1 : i32
    %mul3A_1 = arith.constant 640 : i32
    %mul3A_2 = arith.muli %arg1, %mul3A_1 : i32
    "tpu.region"() ({
      %run_scoped3A = tpu.sem_alloc : memref<!tpu.dma_semaphore, #tpu.memory_space<semaphore_mem>>
      %dma_start3A = arith.constant 0 : i32
      %dma_start3A_10 = tpu.memref_slice %arg25[%mul3A_2, %dma_start3A] : memref<10240x64xf32, #tpu.memory_space<vmem_shared>> -> memref<640x64xf32, #tpu.memory_space<vmem_shared>>
      %dma_start3A_11 = arith.constant 0 : i32
      %dma_start3A_12 = tpu.memref_slice %arg5[%mul3A_2, %dma_start3A_11] : memref<10240x64xf32, #tpu.memory_space<hbm>> -> memref<640x64xf32, #tpu.memory_space<hbm>>
      tpu.enqueue_dma source(%dma_start3A_12 : memref<640x64xf32, #tpu.memory_space<hbm>>) target(%dma_start3A_10 : memref<640x64xf32, #tpu.memory_space<vmem_shared>>) target_semaphore(%run_scoped3A : memref<!tpu.dma_semaphore, #tpu.memory_space<semaphore_mem>>)
      %dma_wait3A = arith.constant 0 : i32
      %dma_wait3A_13 = tpu.memref_slice %arg25[%mul3A_2, %dma_wait3A] : memref<10240x64xf32, #tpu.memory_space<vmem_shared>> -> memref<640x64xf32, #tpu.memory_space<vmem_shared>>
      %dma_wait3A_14 = arith.constant 0 : i32
      %dma_wait3A_15 = tpu.memref_slice %arg5[%mul3A_2, %dma_wait3A_14] : memref<10240x64xf32, #tpu.memory_space<hbm>> -> memref<640x64xf32, #tpu.memory_space<hbm>>
      tpu.wait_dma2 semaphore(%run_scoped3A : memref<!tpu.dma_semaphore, #tpu.memory_space<semaphore_mem>>) src(%dma_wait3A_15 : memref<640x64xf32, #tpu.memory_space<hbm>>) dst(%dma_wait3A_13 : memref<640x64xf32, #tpu.memory_space<vmem_shared>>)
      tpu.yield
    }) : () -> ()
    "tpu.region"() ({
      %run_scoped3A = tpu.sem_alloc : memref<!tpu.dma_semaphore, #tpu.memory_space<semaphore_mem>>
      %dma_start3A = arith.constant 0 : i32
      %dma_start3A_10 = arith.constant 0 : i32
      %dma_start3A_11 = tpu.memref_slice %arg3[%add3A, %dma_start3A, %dma_start3A_10] : memref<32x80x128xi32, #tpu.memory_space<hbm>> -> memref<1x80x128xi32, #tpu.memory_space<hbm>>
      %dma_start3A_12 = tpu.memref_squeeze %dma_start3A_11 : memref<1x80x128xi32, #tpu.memory_space<hbm>> -> memref<80x128xi32, #tpu.memory_space<hbm>>
      %dma_start3A_13 = arith.constant 0 : i32
      %dma_start3A_14 = arith.constant 0 : i32
      %dma_start3A_15 = tpu.memref_slice %arg3[%add3A, %dma_start3A_13, %dma_start3A_14] : memref<32x80x128xi32, #tpu.memory_space<hbm>> -> memref<1x80x128xi32, #tpu.memory_space<hbm>>
      %dma_start3A_16 = tpu.memref_squeeze %dma_start3A_15 : memref<1x80x128xi32, #tpu.memory_space<hbm>> -> memref<80x128xi32, #tpu.memory_space<hbm>>
      tpu.enqueue_dma source(%dma_start3A_16 : memref<80x128xi32, #tpu.memory_space<hbm>>) target(%arg7 : memref<80x128xi32, #tpu.memory_space<vmem>>) target_semaphore(%run_scoped3A : memref<!tpu.dma_semaphore, #tpu.memory_space<semaphore_mem>>)
      %dma_wait3A = arith.constant 0 : i32
      %dma_wait3A_17 = arith.constant 0 : i32
      %dma_wait3A_18 = tpu.memref_slice %arg3[%add3A, %dma_wait3A, %dma_wait3A_17] : memref<32x80x128xi32, #tpu.memory_space<hbm>> -> memref<1x80x128xi32, #tpu.memory_space<hbm>>
      %dma_wait3A_19 = tpu.memref_squeeze %dma_wait3A_18 : memref<1x80x128xi32, #tpu.memory_space<hbm>> -> memref<80x128xi32, #tpu.memory_space<hbm>>
      %dma_wait3A_20 = arith.constant 0 : i32
      %dma_wait3A_21 = arith.constant 0 : i32
      %dma_wait3A_22 = tpu.memref_slice %arg3[%add3A, %dma_wait3A_20, %dma_wait3A_21] : memref<32x80x128xi32, #tpu.memory_space<hbm>> -> memref<1x80x128xi32, #tpu.memory_space<hbm>>
      %dma_wait3A_23 = tpu.memref_squeeze %dma_wait3A_22 : memref<1x80x128xi32, #tpu.memory_space<hbm>> -> memref<80x128xi32, #tpu.memory_space<hbm>>
      tpu.wait_dma2 semaphore(%run_scoped3A : memref<!tpu.dma_semaphore, #tpu.memory_space<semaphore_mem>>) src(%dma_wait3A_23 : memref<80x128xi32, #tpu.memory_space<hbm>>) dst(%arg7 : memref<80x128xi32, #tpu.memory_space<vmem>>)
      tpu.yield
    }) : () -> ()
    "tpu.region"() ({
      %run_scoped3A = tpu.sem_alloc : memref<!tpu.dma_semaphore, #tpu.memory_space<semaphore_mem>>
      %dma_start3A = arith.constant 0 : i32
      %dma_start3A_10 = arith.constant 0 : i32
      %dma_start3A_11 = tpu.memref_slice %arg4[%add3A, %dma_start3A, %dma_start3A_10] : memref<32x80x128xi32, #tpu.memory_space<hbm>> -> memref<1x80x128xi32, #tpu.memory_space<hbm>>
      %dma_start3A_12 = tpu.memref_squeeze %dma_start3A_11 : memref<1x80x128xi32, #tpu.memory_space<hbm>> -> memref<80x128xi32, #tpu.memory_space<hbm>>
      %dma_start3A_13 = arith.constant 0 : i32
      %dma_start3A_14 = arith.constant 0 : i32
      %dma_start3A_15 = tpu.memref_slice %arg4[%add3A, %dma_start3A_13, %dma_start3A_14] : memref<32x80x128xi32, #tpu.memory_space<hbm>> -> memref<1x80x128xi32, #tpu.memory_space<hbm>>
      %dma_start3A_16 = tpu.memref_squeeze %dma_start3A_15 : memref<1x80x128xi32, #tpu.memory_space<hbm>> -> memref<80x128xi32, #tpu.memory_space<hbm>>
      tpu.enqueue_dma source(%dma_start3A_16 : memref<80x128xi32, #tpu.memory_space<hbm>>) target(%arg8 : memref<80x128xi32, #tpu.memory_space<vmem>>) target_semaphore(%run_scoped3A : memref<!tpu.dma_semaphore, #tpu.memory_space<semaphore_mem>>)
      %dma_wait3A = arith.constant 0 : i32
      %dma_wait3A_17 = arith.constant 0 : i32
      %dma_wait3A_18 = tpu.memref_slice %arg4[%add3A, %dma_wait3A, %dma_wait3A_17] : memref<32x80x128xi32, #tpu.memory_space<hbm>> -> memref<1x80x128xi32, #tpu.memory_space<hbm>>
      %dma_wait3A_19 = tpu.memref_squeeze %dma_wait3A_18 : memref<1x80x128xi32, #tpu.memory_space<hbm>> -> memref<80x128xi32, #tpu.memory_space<hbm>>
      %dma_wait3A_20 = arith.constant 0 : i32
      %dma_wait3A_21 = arith.constant 0 : i32
      %dma_wait3A_22 = tpu.memref_slice %arg4[%add3A, %dma_wait3A_20, %dma_wait3A_21] : memref<32x80x128xi32, #tpu.memory_space<hbm>> -> memref<1x80x128xi32, #tpu.memory_space<hbm>>
      %dma_wait3A_23 = tpu.memref_squeeze %dma_wait3A_22 : memref<1x80x128xi32, #tpu.memory_space<hbm>> -> memref<80x128xi32, #tpu.memory_space<hbm>>
      tpu.wait_dma2 semaphore(%run_scoped3A : memref<!tpu.dma_semaphore, #tpu.memory_space<semaphore_mem>>) src(%dma_wait3A_23 : memref<80x128xi32, #tpu.memory_space<hbm>>) dst(%arg8 : memref<80x128xi32, #tpu.memory_space<vmem>>)
      tpu.yield
    }) : () -> ()
    %barrier3A = arith.constant 0 : index
    tpu.barrier barrier_id(%barrier3A)
    %scan3A = arith.constant 0 : i32
    %scan3A_3 = arith.constant 0 : i32
    %scan3A_4 = arith.constant 10 : i32
    %scan3A_5 = arith.addi %scan3A_3, %scan3A_4 : i32
    %scan3A_6 = arith.constant 1 : i32
    %scan3A_7 = scf.for %scan3A_10 = %scan3A_3 to %scan3A_5 step %scan3A_6 iter_args(%scan3A_11 = %scan3A) -> (i32)  : i32 {
      %mul3A_12 = arith.constant 8 : i32
      %mul3A_13 = arith.muli %scan3A_10, %mul3A_12 : i32
      %add3A_14 = arith.constant 0 : i32
      %add3A_15 = arith.addi %mul3A_13, %add3A_14 : i32
      %dma_start3A = arith.constant 0 : i32
      %dma_start3A_16 = tpu.memref_slice %arg7[%add3A_15, %dma_start3A] : memref<80x128xi32, #tpu.memory_space<vmem>> -> memref<1x128xi32, #tpu.memory_space<vmem>>
      %dma_start3A_17 = tpu.memref_squeeze %dma_start3A_16 : memref<1x128xi32, #tpu.memory_space<vmem>> -> memref<128xi32, #tpu.memory_space<vmem>>
      %dma_start3A_18 = arith.constant 0 : i32
      %dma_start3A_19 = arith.constant 0 : i32
      %dma_start3A_20 = tpu.memref_slice %arg2[%dma_start3A_18, %dma_start3A_19] : memref<10240x64xf32, #tpu.memory_space<hbm>> -> memref<10240x64xf32, #tpu.memory_space<hbm>>
      tpu.enqueue_indirect_dma source(%dma_start3A_20 : memref<10240x64xf32, #tpu.memory_space<hbm>>) target(%arg9 : memref<128x64xf32, #tpu.memory_space<vmem>>) offsets(%dma_start3A_17 : memref<128xi32, #tpu.memory_space<vmem>>) semaphore(%arg17 : memref<!tpu.dma_semaphore, #tpu.memory_space<semaphore_mem>>)
      %mul3A_21 = arith.constant 8 : i32
      %mul3A_22 = arith.muli %scan3A_10, %mul3A_21 : i32
      %add3A_23 = arith.constant 1 : i32
      %add3A_24 = arith.addi %mul3A_22, %add3A_23 : i32
      %dma_start3A_25 = arith.constant 0 : i32
      %dma_start3A_26 = tpu.memref_slice %arg7[%add3A_24, %dma_start3A_25] : memref<80x128xi32, #tpu.memory_space<vmem>> -> memref<1x128xi32, #tpu.memory_space<vmem>>
      %dma_start3A_27 = tpu.memref_squeeze %dma_start3A_26 : memref<1x128xi32, #tpu.memory_space<vmem>> -> memref<128xi32, #tpu.memory_space<vmem>>
      %dma_start3A_28 = arith.constant 0 : i32
      %dma_start3A_29 = arith.constant 0 : i32
      %dma_start3A_30 = tpu.memref_slice %arg2[%dma_start3A_28, %dma_start3A_29] : memref<10240x64xf32, #tpu.memory_space<hbm>> -> memref<10240x64xf32, #tpu.memory_space<hbm>>
      tpu.enqueue_indirect_dma source(%dma_start3A_30 : memref<10240x64xf32, #tpu.memory_space<hbm>>) target(%arg10 : memref<128x64xf32, #tpu.memory_space<vmem>>) offsets(%dma_start3A_27 : memref<128xi32, #tpu.memory_space<vmem>>) semaphore(%arg18 : memref<!tpu.dma_semaphore, #tpu.memory_space<semaphore_mem>>)
      %mul3A_31 = arith.constant 8 : i32
      %mul3A_32 = arith.muli %scan3A_10, %mul3A_31 : i32
      %add3A_33 = arith.constant 2 : i32
      %add3A_34 = arith.addi %mul3A_32, %add3A_33 : i32
      %dma_start3A_35 = arith.constant 0 : i32
      %dma_start3A_36 = tpu.memref_slice %arg7[%add3A_34, %dma_start3A_35] : memref<80x128xi32, #tpu.memory_space<vmem>> -> memref<1x128xi32, #tpu.memory_space<vmem>>
      %dma_start3A_37 = tpu.memref_squeeze %dma_start3A_36 : memref<1x128xi32, #tpu.memory_space<vmem>> -> memref<128xi32, #tpu.memory_space<vmem>>
      %dma_start3A_38 = arith.constant 0 : i32
      %dma_start3A_39 = arith.constant 0 : i32
      %dma_start3A_40 = tpu.memref_slice %arg2[%dma_start3A_38, %dma_start3A_39] : memref<10240x64xf32, #tpu.memory_space<hbm>> -> memref<10240x64xf32, #tpu.memory_space<hbm>>
      tpu.enqueue_indirect_dma source(%dma_start3A_40 : memref<10240x64xf32, #tpu.memory_space<hbm>>) target(%arg11 : memref<128x64xf32, #tpu.memory_space<vmem>>) offsets(%dma_start3A_37 : memref<128xi32, #tpu.memory_space<vmem>>) semaphore(%arg19 : memref<!tpu.dma_semaphore, #tpu.memory_space<semaphore_mem>>)
      %mul3A_41 = arith.constant 8 : i32
      %mul3A_42 = arith.muli %scan3A_10, %mul3A_41 : i32
      %add3A_43 = arith.constant 3 : i32
      %add3A_44 = arith.addi %mul3A_42, %add3A_43 : i32
      %dma_start3A_45 = arith.constant 0 : i32
      %dma_start3A_46 = tpu.memref_slice %arg7[%add3A_44, %dma_start3A_45] : memref<80x128xi32, #tpu.memory_space<vmem>> -> memref<1x128xi32, #tpu.memory_space<vmem>>
      %dma_start3A_47 = tpu.memref_squeeze %dma_start3A_46 : memref<1x128xi32, #tpu.memory_space<vmem>> -> memref<128xi32, #tpu.memory_space<vmem>>
      %dma_start3A_48 = arith.constant 0 : i32
      %dma_start3A_49 = arith.constant 0 : i32
      %dma_start3A_50 = tpu.memref_slice %arg2[%dma_start3A_48, %dma_start3A_49] : memref<10240x64xf32, #tpu.memory_space<hbm>> -> memref<10240x64xf32, #tpu.memory_space<hbm>>
      tpu.enqueue_indirect_dma source(%dma_start3A_50 : memref<10240x64xf32, #tpu.memory_space<hbm>>) target(%arg12 : memref<128x64xf32, #tpu.memory_space<vmem>>) offsets(%dma_start3A_47 : memref<128xi32, #tpu.memory_space<vmem>>) semaphore(%arg20 : memref<!tpu.dma_semaphore, #tpu.memory_space<semaphore_mem>>)
      %mul3A_51 = arith.constant 8 : i32
      %mul3A_52 = arith.muli %scan3A_10, %mul3A_51 : i32
      %add3A_53 = arith.constant 4 : i32
      %add3A_54 = arith.addi %mul3A_52, %add3A_53 : i32
      %dma_start3A_55 = arith.constant 0 : i32
      %dma_start3A_56 = tpu.memref_slice %arg7[%add3A_54, %dma_start3A_55] : memref<80x128xi32, #tpu.memory_space<vmem>> -> memref<1x128xi32, #tpu.memory_space<vmem>>
      %dma_start3A_57 = tpu.memref_squeeze %dma_start3A_56 : memref<1x128xi32, #tpu.memory_space<vmem>> -> memref<128xi32, #tpu.memory_space<vmem>>
      %dma_start3A_58 = arith.constant 0 : i32
      %dma_start3A_59 = arith.constant 0 : i32
      %dma_start3A_60 = tpu.memref_slice %arg2[%dma_start3A_58, %dma_start3A_59] : memref<10240x64xf32, #tpu.memory_space<hbm>> -> memref<10240x64xf32, #tpu.memory_space<hbm>>
      tpu.enqueue_indirect_dma source(%dma_start3A_60 : memref<10240x64xf32, #tpu.memory_space<hbm>>) target(%arg13 : memref<128x64xf32, #tpu.memory_space<vmem>>) offsets(%dma_start3A_57 : memref<128xi32, #tpu.memory_space<vmem>>) semaphore(%arg21 : memref<!tpu.dma_semaphore, #tpu.memory_space<semaphore_mem>>)
      %mul3A_61 = arith.constant 8 : i32
      %mul3A_62 = arith.muli %scan3A_10, %mul3A_61 : i32
      %add3A_63 = arith.constant 5 : i32
      %add3A_64 = arith.addi %mul3A_62, %add3A_63 : i32
      %dma_start3A_65 = arith.constant 0 : i32
      %dma_start3A_66 = tpu.memref_slice %arg7[%add3A_64, %dma_start3A_65] : memref<80x128xi32, #tpu.memory_space<vmem>> -> memref<1x128xi32, #tpu.memory_space<vmem>>
      %dma_start3A_67 = tpu.memref_squeeze %dma_start3A_66 : memref<1x128xi32, #tpu.memory_space<vmem>> -> memref<128xi32, #tpu.memory_space<vmem>>
      %dma_start3A_68 = arith.constant 0 : i32
      %dma_start3A_69 = arith.constant 0 : i32
      %dma_start3A_70 = tpu.memref_slice %arg2[%dma_start3A_68, %dma_start3A_69] : memref<10240x64xf32, #tpu.memory_space<hbm>> -> memref<10240x64xf32, #tpu.memory_space<hbm>>
      tpu.enqueue_indirect_dma source(%dma_start3A_70 : memref<10240x64xf32, #tpu.memory_space<hbm>>) target(%arg14 : memref<128x64xf32, #tpu.memory_space<vmem>>) offsets(%dma_start3A_67 : memref<128xi32, #tpu.memory_space<vmem>>) semaphore(%arg22 : memref<!tpu.dma_semaphore, #tpu.memory_space<semaphore_mem>>)
      %mul3A_71 = arith.constant 8 : i32
      %mul3A_72 = arith.muli %scan3A_10, %mul3A_71 : i32
      %add3A_73 = arith.constant 6 : i32
      %add3A_74 = arith.addi %mul3A_72, %add3A_73 : i32
      %dma_start3A_75 = arith.constant 0 : i32
      %dma_start3A_76 = tpu.memref_slice %arg7[%add3A_74, %dma_start3A_75] : memref<80x128xi32, #tpu.memory_space<vmem>> -> memref<1x128xi32, #tpu.memory_space<vmem>>
      %dma_start3A_77 = tpu.memref_squeeze %dma_start3A_76 : memref<1x128xi32, #tpu.memory_space<vmem>> -> memref<128xi32, #tpu.memory_space<vmem>>
      %dma_start3A_78 = arith.constant 0 : i32
      %dma_start3A_79 = arith.constant 0 : i32
      %dma_start3A_80 = tpu.memref_slice %arg2[%dma_start3A_78, %dma_start3A_79] : memref<10240x64xf32, #tpu.memory_space<hbm>> -> memref<10240x64xf32, #tpu.memory_space<hbm>>
      tpu.enqueue_indirect_dma source(%dma_start3A_80 : memref<10240x64xf32, #tpu.memory_space<hbm>>) target(%arg15 : memref<128x64xf32, #tpu.memory_space<vmem>>) offsets(%dma_start3A_77 : memref<128xi32, #tpu.memory_space<vmem>>) semaphore(%arg23 : memref<!tpu.dma_semaphore, #tpu.memory_space<semaphore_mem>>)
      %mul3A_81 = arith.constant 8 : i32
      %mul3A_82 = arith.muli %scan3A_10, %mul3A_81 : i32
      %add3A_83 = arith.constant 7 : i32
      %add3A_84 = arith.addi %mul3A_82, %add3A_83 : i32
      %dma_start3A_85 = arith.constant 0 : i32
      %dma_start3A_86 = tpu.memref_slice %arg7[%add3A_84, %dma_start3A_85] : memref<80x128xi32, #tpu.memory_space<vmem>> -> memref<1x128xi32, #tpu.memory_space<vmem>>
      %dma_start3A_87 = tpu.memref_squeeze %dma_start3A_86 : memref<1x128xi32, #tpu.memory_space<vmem>> -> memref<128xi32, #tpu.memory_space<vmem>>
      %dma_start3A_88 = arith.constant 0 : i32
      %dma_start3A_89 = arith.constant 0 : i32
      %dma_start3A_90 = tpu.memref_slice %arg2[%dma_start3A_88, %dma_start3A_89] : memref<10240x64xf32, #tpu.memory_space<hbm>> -> memref<10240x64xf32, #tpu.memory_space<hbm>>
      tpu.enqueue_indirect_dma source(%dma_start3A_90 : memref<10240x64xf32, #tpu.memory_space<hbm>>) target(%arg16 : memref<128x64xf32, #tpu.memory_space<vmem>>) offsets(%dma_start3A_87 : memref<128xi32, #tpu.memory_space<vmem>>) semaphore(%arg24 : memref<!tpu.dma_semaphore, #tpu.memory_space<semaphore_mem>>)
      %mul3A_91 = arith.constant 8 : i32
      %mul3A_92 = arith.muli %scan3A_10, %mul3A_91 : i32
      %add3A_93 = arith.constant 0 : i32
      %add3A_94 = arith.addi %mul3A_92, %add3A_93 : i32
      %dma_wait3A = arith.constant 0 : i32
      %dma_wait3A_95 = tpu.memref_slice %arg7[%add3A_15, %dma_wait3A] : memref<80x128xi32, #tpu.memory_space<vmem>> -> memref<1x128xi32, #tpu.memory_space<vmem>>
      %dma_wait3A_96 = tpu.memref_squeeze %dma_wait3A_95 : memref<1x128xi32, #tpu.memory_space<vmem>> -> memref<128xi32, #tpu.memory_space<vmem>>
      %dma_wait3A_97 = arith.constant 0 : i32
      %dma_wait3A_98 = arith.constant 0 : i32
      %dma_wait3A_99 = tpu.memref_slice %arg2[%dma_wait3A_97, %dma_wait3A_98] : memref<10240x64xf32, #tpu.memory_space<hbm>> -> memref<10240x64xf32, #tpu.memory_space<hbm>>
      tpu.wait_indirect_dma semaphore(%arg17 : memref<!tpu.dma_semaphore, #tpu.memory_space<semaphore_mem>>) src(%dma_wait3A_99 : memref<10240x64xf32, #tpu.memory_space<hbm>>) dst(%arg9 : memref<128x64xf32, #tpu.memory_space<vmem>>)
      "tpu.region"() ({
        %run_scoped3A = tpu.sem_alloc : memref<!tpu.dma_semaphore, #tpu.memory_space<semaphore_mem>>
        %dma_start3A_171 = arith.constant 0 : i32
        %dma_start3A_172 = tpu.memref_slice %arg8[%add3A_94, %dma_start3A_171] : memref<80x128xi32, #tpu.memory_space<vmem>> -> memref<1x128xi32, #tpu.memory_space<vmem>>
        %dma_start3A_173 = tpu.memref_squeeze %dma_start3A_172 : memref<1x128xi32, #tpu.memory_space<vmem>> -> memref<128xi32, #tpu.memory_space<vmem>>
        %dma_start3A_174 = arith.constant 0 : i32
        %dma_start3A_175 = arith.constant 0 : i32
        %dma_start3A_176 = tpu.memref_slice %arg25[%dma_start3A_174, %dma_start3A_175] : memref<10240x64xf32, #tpu.memory_space<vmem_shared>> -> memref<10240x64xf32, #tpu.memory_space<vmem_shared>>
        tpu.enqueue_indirect_dma source(%arg9 : memref<128x64xf32, #tpu.memory_space<vmem>>) target(%dma_start3A_176 : memref<10240x64xf32, #tpu.memory_space<vmem_shared>>) offsets(%dma_start3A_173 : memref<128xi32, #tpu.memory_space<vmem>>) semaphore(%run_scoped3A : memref<!tpu.dma_semaphore, #tpu.memory_space<semaphore_mem>>) {add = true}
        %dma_wait3A_177 = arith.constant 0 : i32
        %dma_wait3A_178 = tpu.memref_slice %arg8[%add3A_94, %dma_wait3A_177] : memref<80x128xi32, #tpu.memory_space<vmem>> -> memref<1x128xi32, #tpu.memory_space<vmem>>
        %dma_wait3A_179 = tpu.memref_squeeze %dma_wait3A_178 : memref<1x128xi32, #tpu.memory_space<vmem>> -> memref<128xi32, #tpu.memory_space<vmem>>
        %dma_wait3A_180 = arith.constant 0 : i32
        %dma_wait3A_181 = arith.constant 0 : i32
        %dma_wait3A_182 = tpu.memref_slice %arg25[%dma_wait3A_180, %dma_wait3A_181] : memref<10240x64xf32, #tpu.memory_space<vmem_shared>> -> memref<10240x64xf32, #tpu.memory_space<vmem_shared>>
        tpu.wait_indirect_dma semaphore(%run_scoped3A : memref<!tpu.dma_semaphore, #tpu.memory_space<semaphore_mem>>) src(%arg9 : memref<128x64xf32, #tpu.memory_space<vmem>>) dst(%dma_wait3A_182 : memref<10240x64xf32, #tpu.memory_space<vmem_shared>>)
        tpu.yield
      }) : () -> ()
      %mul3A_100 = arith.constant 8 : i32
      %mul3A_101 = arith.muli %scan3A_10, %mul3A_100 : i32
      %add3A_102 = arith.constant 1 : i32
      %add3A_103 = arith.addi %mul3A_101, %add3A_102 : i32
      %dma_wait3A_104 = arith.constant 0 : i32
      %dma_wait3A_105 = tpu.memref_slice %arg7[%add3A_24, %dma_wait3A_104] : memref<80x128xi32, #tpu.memory_space<vmem>> -> memref<1x128xi32, #tpu.memory_space<vmem>>
      %dma_wait3A_106 = tpu.memref_squeeze %dma_wait3A_105 : memref<1x128xi32, #tpu.memory_space<vmem>> -> memref<128xi32, #tpu.memory_space<vmem>>
      %dma_wait3A_107 = arith.constant 0 : i32
      %dma_wait3A_108 = arith.constant 0 : i32
      %dma_wait3A_109 = tpu.memref_slice %arg2[%dma_wait3A_107, %dma_wait3A_108] : memref<10240x64xf32, #tpu.memory_space<hbm>> -> memref<10240x64xf32, #tpu.memory_space<hbm>>
      tpu.wait_indirect_dma semaphore(%arg18 : memref<!tpu.dma_semaphore, #tpu.memory_space<semaphore_mem>>) src(%dma_wait3A_109 : memref<10240x64xf32, #tpu.memory_space<hbm>>) dst(%arg10 : memref<128x64xf32, #tpu.memory_space<vmem>>)
      "tpu.region"() ({
        %run_scoped3A = tpu.sem_alloc : memref<!tpu.dma_semaphore, #tpu.memory_space<semaphore_mem>>
        %dma_start3A_171 = arith.constant 0 : i32
        %dma_start3A_172 = tpu.memref_slice %arg8[%add3A_103, %dma_start3A_171] : memref<80x128xi32, #tpu.memory_space<vmem>> -> memref<1x128xi32, #tpu.memory_space<vmem>>
        %dma_start3A_173 = tpu.memref_squeeze %dma_start3A_172 : memref<1x128xi32, #tpu.memory_space<vmem>> -> memref<128xi32, #tpu.memory_space<vmem>>
        %dma_start3A_174 = arith.constant 0 : i32
        %dma_start3A_175 = arith.constant 0 : i32
        %dma_start3A_176 = tpu.memref_slice %arg25[%dma_start3A_174, %dma_start3A_175] : memref<10240x64xf32, #tpu.memory_space<vmem_shared>> -> memref<10240x64xf32, #tpu.memory_space<vmem_shared>>
        tpu.enqueue_indirect_dma source(%arg10 : memref<128x64xf32, #tpu.memory_space<vmem>>) target(%dma_start3A_176 : memref<10240x64xf32, #tpu.memory_space<vmem_shared>>) offsets(%dma_start3A_173 : memref<128xi32, #tpu.memory_space<vmem>>) semaphore(%run_scoped3A : memref<!tpu.dma_semaphore, #tpu.memory_space<semaphore_mem>>) {add = true}
        %dma_wait3A_177 = arith.constant 0 : i32
        %dma_wait3A_178 = tpu.memref_slice %arg8[%add3A_103, %dma_wait3A_177] : memref<80x128xi32, #tpu.memory_space<vmem>> -> memref<1x128xi32, #tpu.memory_space<vmem>>
        %dma_wait3A_179 = tpu.memref_squeeze %dma_wait3A_178 : memref<1x128xi32, #tpu.memory_space<vmem>> -> memref<128xi32, #tpu.memory_space<vmem>>
        %dma_wait3A_180 = arith.constant 0 : i32
        %dma_wait3A_181 = arith.constant 0 : i32
        %dma_wait3A_182 = tpu.memref_slice %arg25[%dma_wait3A_180, %dma_wait3A_181] : memref<10240x64xf32, #tpu.memory_space<vmem_shared>> -> memref<10240x64xf32, #tpu.memory_space<vmem_shared>>
        tpu.wait_indirect_dma semaphore(%run_scoped3A : memref<!tpu.dma_semaphore, #tpu.memory_space<semaphore_mem>>) src(%arg10 : memref<128x64xf32, #tpu.memory_space<vmem>>) dst(%dma_wait3A_182 : memref<10240x64xf32, #tpu.memory_space<vmem_shared>>)
        tpu.yield
      }) : () -> ()
      %mul3A_110 = arith.constant 8 : i32
      %mul3A_111 = arith.muli %scan3A_10, %mul3A_110 : i32
      %add3A_112 = arith.constant 2 : i32
      %add3A_113 = arith.addi %mul3A_111, %add3A_112 : i32
      %dma_wait3A_114 = arith.constant 0 : i32
      %dma_wait3A_115 = tpu.memref_slice %arg7[%add3A_34, %dma_wait3A_114] : memref<80x128xi32, #tpu.memory_space<vmem>> -> memref<1x128xi32, #tpu.memory_space<vmem>>
      %dma_wait3A_116 = tpu.memref_squeeze %dma_wait3A_115 : memref<1x128xi32, #tpu.memory_space<vmem>> -> memref<128xi32, #tpu.memory_space<vmem>>
      %dma_wait3A_117 = arith.constant 0 : i32
      %dma_wait3A_118 = arith.constant 0 : i32
      %dma_wait3A_119 = tpu.memref_slice %arg2[%dma_wait3A_117, %dma_wait3A_118] : memref<10240x64xf32, #tpu.memory_space<hbm>> -> memref<10240x64xf32, #tpu.memory_space<hbm>>
      tpu.wait_indirect_dma semaphore(%arg19 : memref<!tpu.dma_semaphore, #tpu.memory_space<semaphore_mem>>) src(%dma_wait3A_119 : memref<10240x64xf32, #tpu.memory_space<hbm>>) dst(%arg11 : memref<128x64xf32, #tpu.memory_space<vmem>>)
      "tpu.region"() ({
        %run_scoped3A = tpu.sem_alloc : memref<!tpu.dma_semaphore, #tpu.memory_space<semaphore_mem>>
        %dma_start3A_171 = arith.constant 0 : i32
        %dma_start3A_172 = tpu.memref_slice %arg8[%add3A_113, %dma_start3A_171] : memref<80x128xi32, #tpu.memory_space<vmem>> -> memref<1x128xi32, #tpu.memory_space<vmem>>
        %dma_start3A_173 = tpu.memref_squeeze %dma_start3A_172 : memref<1x128xi32, #tpu.memory_space<vmem>> -> memref<128xi32, #tpu.memory_space<vmem>>
        %dma_start3A_174 = arith.constant 0 : i32
        %dma_start3A_175 = arith.constant 0 : i32
        %dma_start3A_176 = tpu.memref_slice %arg25[%dma_start3A_174, %dma_start3A_175] : memref<10240x64xf32, #tpu.memory_space<vmem_shared>> -> memref<10240x64xf32, #tpu.memory_space<vmem_shared>>
        tpu.enqueue_indirect_dma source(%arg11 : memref<128x64xf32, #tpu.memory_space<vmem>>) target(%dma_start3A_176 : memref<10240x64xf32, #tpu.memory_space<vmem_shared>>) offsets(%dma_start3A_173 : memref<128xi32, #tpu.memory_space<vmem>>) semaphore(%run_scoped3A : memref<!tpu.dma_semaphore, #tpu.memory_space<semaphore_mem>>) {add = true}
        %dma_wait3A_177 = arith.constant 0 : i32
        %dma_wait3A_178 = tpu.memref_slice %arg8[%add3A_113, %dma_wait3A_177] : memref<80x128xi32, #tpu.memory_space<vmem>> -> memref<1x128xi32, #tpu.memory_space<vmem>>
        %dma_wait3A_179 = tpu.memref_squeeze %dma_wait3A_178 : memref<1x128xi32, #tpu.memory_space<vmem>> -> memref<128xi32, #tpu.memory_space<vmem>>
        %dma_wait3A_180 = arith.constant 0 : i32
        %dma_wait3A_181 = arith.constant 0 : i32
        %dma_wait3A_182 = tpu.memref_slice %arg25[%dma_wait3A_180, %dma_wait3A_181] : memref<10240x64xf32, #tpu.memory_space<vmem_shared>> -> memref<10240x64xf32, #tpu.memory_space<vmem_shared>>
        tpu.wait_indirect_dma semaphore(%run_scoped3A : memref<!tpu.dma_semaphore, #tpu.memory_space<semaphore_mem>>) src(%arg11 : memref<128x64xf32, #tpu.memory_space<vmem>>) dst(%dma_wait3A_182 : memref<10240x64xf32, #tpu.memory_space<vmem_shared>>)
        tpu.yield
      }) : () -> ()
      %mul3A_120 = arith.constant 8 : i32
      %mul3A_121 = arith.muli %scan3A_10, %mul3A_120 : i32
      %add3A_122 = arith.constant 3 : i32
      %add3A_123 = arith.addi %mul3A_121, %add3A_122 : i32
      %dma_wait3A_124 = arith.constant 0 : i32
      %dma_wait3A_125 = tpu.memref_slice %arg7[%add3A_44, %dma_wait3A_124] : memref<80x128xi32, #tpu.memory_space<vmem>> -> memref<1x128xi32, #tpu.memory_space<vmem>>
      %dma_wait3A_126 = tpu.memref_squeeze %dma_wait3A_125 : memref<1x128xi32, #tpu.memory_space<vmem>> -> memref<128xi32, #tpu.memory_space<vmem>>
      %dma_wait3A_127 = arith.constant 0 : i32
      %dma_wait3A_128 = arith.constant 0 : i32
      %dma_wait3A_129 = tpu.memref_slice %arg2[%dma_wait3A_127, %dma_wait3A_128] : memref<10240x64xf32, #tpu.memory_space<hbm>> -> memref<10240x64xf32, #tpu.memory_space<hbm>>
      tpu.wait_indirect_dma semaphore(%arg20 : memref<!tpu.dma_semaphore, #tpu.memory_space<semaphore_mem>>) src(%dma_wait3A_129 : memref<10240x64xf32, #tpu.memory_space<hbm>>) dst(%arg12 : memref<128x64xf32, #tpu.memory_space<vmem>>)
      "tpu.region"() ({
        %run_scoped3A = tpu.sem_alloc : memref<!tpu.dma_semaphore, #tpu.memory_space<semaphore_mem>>
        %dma_start3A_171 = arith.constant 0 : i32
        %dma_start3A_172 = tpu.memref_slice %arg8[%add3A_123, %dma_start3A_171] : memref<80x128xi32, #tpu.memory_space<vmem>> -> memref<1x128xi32, #tpu.memory_space<vmem>>
        %dma_start3A_173 = tpu.memref_squeeze %dma_start3A_172 : memref<1x128xi32, #tpu.memory_space<vmem>> -> memref<128xi32, #tpu.memory_space<vmem>>
        %dma_start3A_174 = arith.constant 0 : i32
        %dma_start3A_175 = arith.constant 0 : i32
        %dma_start3A_176 = tpu.memref_slice %arg25[%dma_start3A_174, %dma_start3A_175] : memref<10240x64xf32, #tpu.memory_space<vmem_shared>> -> memref<10240x64xf32, #tpu.memory_space<vmem_shared>>
        tpu.enqueue_indirect_dma source(%arg12 : memref<128x64xf32, #tpu.memory_space<vmem>>) target(%dma_start3A_176 : memref<10240x64xf32, #tpu.memory_space<vmem_shared>>) offsets(%dma_start3A_173 : memref<128xi32, #tpu.memory_space<vmem>>) semaphore(%run_scoped3A : memref<!tpu.dma_semaphore, #tpu.memory_space<semaphore_mem>>) {add = true}
        %dma_wait3A_177 = arith.constant 0 : i32
        %dma_wait3A_178 = tpu.memref_slice %arg8[%add3A_123, %dma_wait3A_177] : memref<80x128xi32, #tpu.memory_space<vmem>> -> memref<1x128xi32, #tpu.memory_space<vmem>>
        %dma_wait3A_179 = tpu.memref_squeeze %dma_wait3A_178 : memref<1x128xi32, #tpu.memory_space<vmem>> -> memref<128xi32, #tpu.memory_space<vmem>>
        %dma_wait3A_180 = arith.constant 0 : i32
        %dma_wait3A_181 = arith.constant 0 : i32
        %dma_wait3A_182 = tpu.memref_slice %arg25[%dma_wait3A_180, %dma_wait3A_181] : memref<10240x64xf32, #tpu.memory_space<vmem_shared>> -> memref<10240x64xf32, #tpu.memory_space<vmem_shared>>
        tpu.wait_indirect_dma semaphore(%run_scoped3A : memref<!tpu.dma_semaphore, #tpu.memory_space<semaphore_mem>>) src(%arg12 : memref<128x64xf32, #tpu.memory_space<vmem>>) dst(%dma_wait3A_182 : memref<10240x64xf32, #tpu.memory_space<vmem_shared>>)
        tpu.yield
      }) : () -> ()
      %mul3A_130 = arith.constant 8 : i32
      %mul3A_131 = arith.muli %scan3A_10, %mul3A_130 : i32
      %add3A_132 = arith.constant 4 : i32
      %add3A_133 = arith.addi %mul3A_131, %add3A_132 : i32
      %dma_wait3A_134 = arith.constant 0 : i32
      %dma_wait3A_135 = tpu.memref_slice %arg7[%add3A_54, %dma_wait3A_134] : memref<80x128xi32, #tpu.memory_space<vmem>> -> memref<1x128xi32, #tpu.memory_space<vmem>>
      %dma_wait3A_136 = tpu.memref_squeeze %dma_wait3A_135 : memref<1x128xi32, #tpu.memory_space<vmem>> -> memref<128xi32, #tpu.memory_space<vmem>>
      %dma_wait3A_137 = arith.constant 0 : i32
      %dma_wait3A_138 = arith.constant 0 : i32
      %dma_wait3A_139 = tpu.memref_slice %arg2[%dma_wait3A_137, %dma_wait3A_138] : memref<10240x64xf32, #tpu.memory_space<hbm>> -> memref<10240x64xf32, #tpu.memory_space<hbm>>
      tpu.wait_indirect_dma semaphore(%arg21 : memref<!tpu.dma_semaphore, #tpu.memory_space<semaphore_mem>>) src(%dma_wait3A_139 : memref<10240x64xf32, #tpu.memory_space<hbm>>) dst(%arg13 : memref<128x64xf32, #tpu.memory_space<vmem>>)
      "tpu.region"() ({
        %run_scoped3A = tpu.sem_alloc : memref<!tpu.dma_semaphore, #tpu.memory_space<semaphore_mem>>
        %dma_start3A_171 = arith.constant 0 : i32
        %dma_start3A_172 = tpu.memref_slice %arg8[%add3A_133, %dma_start3A_171] : memref<80x128xi32, #tpu.memory_space<vmem>> -> memref<1x128xi32, #tpu.memory_space<vmem>>
        %dma_start3A_173 = tpu.memref_squeeze %dma_start3A_172 : memref<1x128xi32, #tpu.memory_space<vmem>> -> memref<128xi32, #tpu.memory_space<vmem>>
        %dma_start3A_174 = arith.constant 0 : i32
        %dma_start3A_175 = arith.constant 0 : i32
        %dma_start3A_176 = tpu.memref_slice %arg25[%dma_start3A_174, %dma_start3A_175] : memref<10240x64xf32, #tpu.memory_space<vmem_shared>> -> memref<10240x64xf32, #tpu.memory_space<vmem_shared>>
        tpu.enqueue_indirect_dma source(%arg13 : memref<128x64xf32, #tpu.memory_space<vmem>>) target(%dma_start3A_176 : memref<10240x64xf32, #tpu.memory_space<vmem_shared>>) offsets(%dma_start3A_173 : memref<128xi32, #tpu.memory_space<vmem>>) semaphore(%run_scoped3A : memref<!tpu.dma_semaphore, #tpu.memory_space<semaphore_mem>>) {add = true}
        %dma_wait3A_177 = arith.constant 0 : i32
        %dma_wait3A_178 = tpu.memref_slice %arg8[%add3A_133, %dma_wait3A_177] : memref<80x128xi32, #tpu.memory_space<vmem>> -> memref<1x128xi32, #tpu.memory_space<vmem>>
        %dma_wait3A_179 = tpu.memref_squeeze %dma_wait3A_178 : memref<1x128xi32, #tpu.memory_space<vmem>> -> memref<128xi32, #tpu.memory_space<vmem>>
        %dma_wait3A_180 = arith.constant 0 : i32
        %dma_wait3A_181 = arith.constant 0 : i32
        %dma_wait3A_182 = tpu.memref_slice %arg25[%dma_wait3A_180, %dma_wait3A_181] : memref<10240x64xf32, #tpu.memory_space<vmem_shared>> -> memref<10240x64xf32, #tpu.memory_space<vmem_shared>>
        tpu.wait_indirect_dma semaphore(%run_scoped3A : memref<!tpu.dma_semaphore, #tpu.memory_space<semaphore_mem>>) src(%arg13 : memref<128x64xf32, #tpu.memory_space<vmem>>) dst(%dma_wait3A_182 : memref<10240x64xf32, #tpu.memory_space<vmem_shared>>)
        tpu.yield
      }) : () -> ()
      %mul3A_140 = arith.constant 8 : i32
      %mul3A_141 = arith.muli %scan3A_10, %mul3A_140 : i32
      %add3A_142 = arith.constant 5 : i32
      %add3A_143 = arith.addi %mul3A_141, %add3A_142 : i32
      %dma_wait3A_144 = arith.constant 0 : i32
      %dma_wait3A_145 = tpu.memref_slice %arg7[%add3A_64, %dma_wait3A_144] : memref<80x128xi32, #tpu.memory_space<vmem>> -> memref<1x128xi32, #tpu.memory_space<vmem>>
      %dma_wait3A_146 = tpu.memref_squeeze %dma_wait3A_145 : memref<1x128xi32, #tpu.memory_space<vmem>> -> memref<128xi32, #tpu.memory_space<vmem>>
      %dma_wait3A_147 = arith.constant 0 : i32
      %dma_wait3A_148 = arith.constant 0 : i32
      %dma_wait3A_149 = tpu.memref_slice %arg2[%dma_wait3A_147, %dma_wait3A_148] : memref<10240x64xf32, #tpu.memory_space<hbm>> -> memref<10240x64xf32, #tpu.memory_space<hbm>>
      tpu.wait_indirect_dma semaphore(%arg22 : memref<!tpu.dma_semaphore, #tpu.memory_space<semaphore_mem>>) src(%dma_wait3A_149 : memref<10240x64xf32, #tpu.memory_space<hbm>>) dst(%arg14 : memref<128x64xf32, #tpu.memory_space<vmem>>)
      "tpu.region"() ({
        %run_scoped3A = tpu.sem_alloc : memref<!tpu.dma_semaphore, #tpu.memory_space<semaphore_mem>>
        %dma_start3A_171 = arith.constant 0 : i32
        %dma_start3A_172 = tpu.memref_slice %arg8[%add3A_143, %dma_start3A_171] : memref<80x128xi32, #tpu.memory_space<vmem>> -> memref<1x128xi32, #tpu.memory_space<vmem>>
        %dma_start3A_173 = tpu.memref_squeeze %dma_start3A_172 : memref<1x128xi32, #tpu.memory_space<vmem>> -> memref<128xi32, #tpu.memory_space<vmem>>
        %dma_start3A_174 = arith.constant 0 : i32
        %dma_start3A_175 = arith.constant 0 : i32
        %dma_start3A_176 = tpu.memref_slice %arg25[%dma_start3A_174, %dma_start3A_175] : memref<10240x64xf32, #tpu.memory_space<vmem_shared>> -> memref<10240x64xf32, #tpu.memory_space<vmem_shared>>
        tpu.enqueue_indirect_dma source(%arg14 : memref<128x64xf32, #tpu.memory_space<vmem>>) target(%dma_start3A_176 : memref<10240x64xf32, #tpu.memory_space<vmem_shared>>) offsets(%dma_start3A_173 : memref<128xi32, #tpu.memory_space<vmem>>) semaphore(%run_scoped3A : memref<!tpu.dma_semaphore, #tpu.memory_space<semaphore_mem>>) {add = true}
        %dma_wait3A_177 = arith.constant 0 : i32
        %dma_wait3A_178 = tpu.memref_slice %arg8[%add3A_143, %dma_wait3A_177] : memref<80x128xi32, #tpu.memory_space<vmem>> -> memref<1x128xi32, #tpu.memory_space<vmem>>
        %dma_wait3A_179 = tpu.memref_squeeze %dma_wait3A_178 : memref<1x128xi32, #tpu.memory_space<vmem>> -> memref<128xi32, #tpu.memory_space<vmem>>
        %dma_wait3A_180 = arith.constant 0 : i32
        %dma_wait3A_181 = arith.constant 0 : i32
        %dma_wait3A_182 = tpu.memref_slice %arg25[%dma_wait3A_180, %dma_wait3A_181] : memref<10240x64xf32, #tpu.memory_space<vmem_shared>> -> memref<10240x64xf32, #tpu.memory_space<vmem_shared>>
        tpu.wait_indirect_dma semaphore(%run_scoped3A : memref<!tpu.dma_semaphore, #tpu.memory_space<semaphore_mem>>) src(%arg14 : memref<128x64xf32, #tpu.memory_space<vmem>>) dst(%dma_wait3A_182 : memref<10240x64xf32, #tpu.memory_space<vmem_shared>>)
        tpu.yield
      }) : () -> ()
      %mul3A_150 = arith.constant 8 : i32
      %mul3A_151 = arith.muli %scan3A_10, %mul3A_150 : i32
      %add3A_152 = arith.constant 6 : i32
      %add3A_153 = arith.addi %mul3A_151, %add3A_152 : i32
      %dma_wait3A_154 = arith.constant 0 : i32
      %dma_wait3A_155 = tpu.memref_slice %arg7[%add3A_74, %dma_wait3A_154] : memref<80x128xi32, #tpu.memory_space<vmem>> -> memref<1x128xi32, #tpu.memory_space<vmem>>
      %dma_wait3A_156 = tpu.memref_squeeze %dma_wait3A_155 : memref<1x128xi32, #tpu.memory_space<vmem>> -> memref<128xi32, #tpu.memory_space<vmem>>
      %dma_wait3A_157 = arith.constant 0 : i32
      %dma_wait3A_158 = arith.constant 0 : i32
      %dma_wait3A_159 = tpu.memref_slice %arg2[%dma_wait3A_157, %dma_wait3A_158] : memref<10240x64xf32, #tpu.memory_space<hbm>> -> memref<10240x64xf32, #tpu.memory_space<hbm>>
      tpu.wait_indirect_dma semaphore(%arg23 : memref<!tpu.dma_semaphore, #tpu.memory_space<semaphore_mem>>) src(%dma_wait3A_159 : memref<10240x64xf32, #tpu.memory_space<hbm>>) dst(%arg15 : memref<128x64xf32, #tpu.memory_space<vmem>>)
      "tpu.region"() ({
        %run_scoped3A = tpu.sem_alloc : memref<!tpu.dma_semaphore, #tpu.memory_space<semaphore_mem>>
        %dma_start3A_171 = arith.constant 0 : i32
        %dma_start3A_172 = tpu.memref_slice %arg8[%add3A_153, %dma_start3A_171] : memref<80x128xi32, #tpu.memory_space<vmem>> -> memref<1x128xi32, #tpu.memory_space<vmem>>
        %dma_start3A_173 = tpu.memref_squeeze %dma_start3A_172 : memref<1x128xi32, #tpu.memory_space<vmem>> -> memref<128xi32, #tpu.memory_space<vmem>>
        %dma_start3A_174 = arith.constant 0 : i32
        %dma_start3A_175 = arith.constant 0 : i32
        %dma_start3A_176 = tpu.memref_slice %arg25[%dma_start3A_174, %dma_start3A_175] : memref<10240x64xf32, #tpu.memory_space<vmem_shared>> -> memref<10240x64xf32, #tpu.memory_space<vmem_shared>>
        tpu.enqueue_indirect_dma source(%arg15 : memref<128x64xf32, #tpu.memory_space<vmem>>) target(%dma_start3A_176 : memref<10240x64xf32, #tpu.memory_space<vmem_shared>>) offsets(%dma_start3A_173 : memref<128xi32, #tpu.memory_space<vmem>>) semaphore(%run_scoped3A : memref<!tpu.dma_semaphore, #tpu.memory_space<semaphore_mem>>) {add = true}
        %dma_wait3A_177 = arith.constant 0 : i32
        %dma_wait3A_178 = tpu.memref_slice %arg8[%add3A_153, %dma_wait3A_177] : memref<80x128xi32, #tpu.memory_space<vmem>> -> memref<1x128xi32, #tpu.memory_space<vmem>>
        %dma_wait3A_179 = tpu.memref_squeeze %dma_wait3A_178 : memref<1x128xi32, #tpu.memory_space<vmem>> -> memref<128xi32, #tpu.memory_space<vmem>>
        %dma_wait3A_180 = arith.constant 0 : i32
        %dma_wait3A_181 = arith.constant 0 : i32
        %dma_wait3A_182 = tpu.memref_slice %arg25[%dma_wait3A_180, %dma_wait3A_181] : memref<10240x64xf32, #tpu.memory_space<vmem_shared>> -> memref<10240x64xf32, #tpu.memory_space<vmem_shared>>
        tpu.wait_indirect_dma semaphore(%run_scoped3A : memref<!tpu.dma_semaphore, #tpu.memory_space<semaphore_mem>>) src(%arg15 : memref<128x64xf32, #tpu.memory_space<vmem>>) dst(%dma_wait3A_182 : memref<10240x64xf32, #tpu.memory_space<vmem_shared>>)
        tpu.yield
      }) : () -> ()
      %mul3A_160 = arith.constant 8 : i32
      %mul3A_161 = arith.muli %scan3A_10, %mul3A_160 : i32
      %add3A_162 = arith.constant 7 : i32
      %add3A_163 = arith.addi %mul3A_161, %add3A_162 : i32
      %dma_wait3A_164 = arith.constant 0 : i32
      %dma_wait3A_165 = tpu.memref_slice %arg7[%add3A_84, %dma_wait3A_164] : memref<80x128xi32, #tpu.memory_space<vmem>> -> memref<1x128xi32, #tpu.memory_space<vmem>>
      %dma_wait3A_166 = tpu.memref_squeeze %dma_wait3A_165 : memref<1x128xi32, #tpu.memory_space<vmem>> -> memref<128xi32, #tpu.memory_space<vmem>>
      %dma_wait3A_167 = arith.constant 0 : i32
      %dma_wait3A_168 = arith.constant 0 : i32
      %dma_wait3A_169 = tpu.memref_slice %arg2[%dma_wait3A_167, %dma_wait3A_168] : memref<10240x64xf32, #tpu.memory_space<hbm>> -> memref<10240x64xf32, #tpu.memory_space<hbm>>
      tpu.wait_indirect_dma semaphore(%arg24 : memref<!tpu.dma_semaphore, #tpu.memory_space<semaphore_mem>>) src(%dma_wait3A_169 : memref<10240x64xf32, #tpu.memory_space<hbm>>) dst(%arg16 : memref<128x64xf32, #tpu.memory_space<vmem>>)
      "tpu.region"() ({
        %run_scoped3A = tpu.sem_alloc : memref<!tpu.dma_semaphore, #tpu.memory_space<semaphore_mem>>
        %dma_start3A_171 = arith.constant 0 : i32
        %dma_start3A_172 = tpu.memref_slice %arg8[%add3A_163, %dma_start3A_171] : memref<80x128xi32, #tpu.memory_space<vmem>> -> memref<1x128xi32, #tpu.memory_space<vmem>>
        %dma_start3A_173 = tpu.memref_squeeze %dma_start3A_172 : memref<1x128xi32, #tpu.memory_space<vmem>> -> memref<128xi32, #tpu.memory_space<vmem>>
        %dma_start3A_174 = arith.constant 0 : i32
        %dma_start3A_175 = arith.constant 0 : i32
        %dma_start3A_176 = tpu.memref_slice %arg25[%dma_start3A_174, %dma_start3A_175] : memref<10240x64xf32, #tpu.memory_space<vmem_shared>> -> memref<10240x64xf32, #tpu.memory_space<vmem_shared>>
        tpu.enqueue_indirect_dma source(%arg16 : memref<128x64xf32, #tpu.memory_space<vmem>>) target(%dma_start3A_176 : memref<10240x64xf32, #tpu.memory_space<vmem_shared>>) offsets(%dma_start3A_173 : memref<128xi32, #tpu.memory_space<vmem>>) semaphore(%run_scoped3A : memref<!tpu.dma_semaphore, #tpu.memory_space<semaphore_mem>>) {add = true}
        %dma_wait3A_177 = arith.constant 0 : i32
        %dma_wait3A_178 = tpu.memref_slice %arg8[%add3A_163, %dma_wait3A_177] : memref<80x128xi32, #tpu.memory_space<vmem>> -> memref<1x128xi32, #tpu.memory_space<vmem>>
        %dma_wait3A_179 = tpu.memref_squeeze %dma_wait3A_178 : memref<1x128xi32, #tpu.memory_space<vmem>> -> memref<128xi32, #tpu.memory_space<vmem>>
        %dma_wait3A_180 = arith.constant 0 : i32
        %dma_wait3A_181 = arith.constant 0 : i32
        %dma_wait3A_182 = tpu.memref_slice %arg25[%dma_wait3A_180, %dma_wait3A_181] : memref<10240x64xf32, #tpu.memory_space<vmem_shared>> -> memref<10240x64xf32, #tpu.memory_space<vmem_shared>>
        tpu.wait_indirect_dma semaphore(%run_scoped3A : memref<!tpu.dma_semaphore, #tpu.memory_space<semaphore_mem>>) src(%arg16 : memref<128x64xf32, #tpu.memory_space<vmem>>) dst(%dma_wait3A_182 : memref<10240x64xf32, #tpu.memory_space<vmem_shared>>)
        tpu.yield
      }) : () -> ()
      %scan3A_170 = arith.constant 0 : i32
      scf.yield %scan3A_170 : i32
    }
    %scan3A_8 = arith.constant 10 : i32
    %barrier3A_9 = arith.constant 0 : index
    tpu.barrier barrier_id(%barrier3A_9)
    "tpu.region"() ({
      %run_scoped3A = tpu.sem_alloc : memref<!tpu.dma_semaphore, #tpu.memory_space<semaphore_mem>>
      %dma_start3A = arith.constant 0 : i32
      %dma_start3A_10 = tpu.memref_slice %arg6[%arg0, %mul3A_2, %dma_start3A] : memref<2x10240x64xf32, #tpu.memory_space<hbm>> -> memref<1x640x64xf32, #tpu.memory_space<hbm>>
      %dma_start3A_11 = tpu.memref_squeeze %dma_start3A_10 : memref<1x640x64xf32, #tpu.memory_space<hbm>> -> memref<640x64xf32, #tpu.memory_space<hbm>>
      %dma_start3A_12 = arith.constant 0 : i32
      %dma_start3A_13 = tpu.memref_slice %arg25[%mul3A_2, %dma_start3A_12] : memref<10240x64xf32, #tpu.memory_space<vmem_shared>> -> memref<640x64xf32, #tpu.memory_space<vmem_shared>>
      tpu.enqueue_dma source(%dma_start3A_13 : memref<640x64xf32, #tpu.memory_space<vmem_shared>>) target(%dma_start3A_11 : memref<640x64xf32, #tpu.memory_space<hbm>>) target_semaphore(%run_scoped3A : memref<!tpu.dma_semaphore, #tpu.memory_space<semaphore_mem>>)
      %dma_wait3A = arith.constant 0 : i32
      %dma_wait3A_14 = tpu.memref_slice %arg6[%arg0, %mul3A_2, %dma_wait3A] : memref<2x10240x64xf32, #tpu.memory_space<hbm>> -> memref<1x640x64xf32, #tpu.memory_space<hbm>>
      %dma_wait3A_15 = tpu.memref_squeeze %dma_wait3A_14 : memref<1x640x64xf32, #tpu.memory_space<hbm>> -> memref<640x64xf32, #tpu.memory_space<hbm>>
      %dma_wait3A_16 = arith.constant 0 : i32
      %dma_wait3A_17 = tpu.memref_slice %arg25[%mul3A_2, %dma_wait3A_16] : memref<10240x64xf32, #tpu.memory_space<vmem_shared>> -> memref<640x64xf32, #tpu.memory_space<vmem_shared>>
      tpu.wait_dma2 semaphore(%run_scoped3A : memref<!tpu.dma_semaphore, #tpu.memory_space<semaphore_mem>>) src(%dma_wait3A_17 : memref<640x64xf32, #tpu.memory_space<vmem_shared>>) dst(%dma_wait3A_15 : memref<640x64xf32, #tpu.memory_space<hbm>>)
      tpu.yield
    }) : () -> ()
    return
  }
}

module attributes {stable_mosaic.version = 14 : i64} {
  func.func @_tc1_body(%arg0: i32, %arg1: memref<32x1024xf32, #tpu.memory_space<vmem>>, %arg2: memref<1024x128xf32, #tpu.memory_space<vmem>>, %arg3: memref<128x64xf32, #tpu.memory_space<vmem>>, %arg4: memref<1024x64xf32, #tpu.memory_space<vmem>>, %arg5: memref<1024x1xf32, #tpu.memory_space<vmem>>) attributes {dimension_semantics = [#tpu.dimension_semantics<arbitrary>], iteration_bounds = array<i64: 10>, scalar_prefetch = 0 : i64, scratch_operands = 0 : i64, tpu.core_type = #tpu.core_type<tc>, window_params = [{transform_indices = @transform_0, window_bounds = array<i64: 32, 1024>}, {transform_indices = @transform_1, window_bounds = array<i64: 1024, 128>}, {pipeline_mode = #tpu.pipeline_mode<synchronous>, transform_indices = @transform_2, window_bounds = array<i64: 128, 64>}, {transform_indices = @transform_3, window_bounds = array<i64: 1024, 64>}, {transform_indices = @transform_4, window_bounds = array<i64: 1024, 1>}]} {
    %get3A = arith.constant 0 : index
    %get3A_0 = arith.constant 0 : index
    %get3A_1 = vector.load %arg1[%get3A, %get3A_0] : memref<32x1024xf32, #tpu.memory_space<vmem>>, vector<32x1024xf32>
    %reduce_sum3A = arith.constant dense<0.000000e+00> : vector<1024xf32>
    %reduce_sum3A_2 = vector.multi_reduction <add>, %get3A_1, %reduce_sum3A [0] : vector<32x1024xf32> to vector<1024xf32>
    %broadcast_in_dim3A = vector.shape_cast %reduce_sum3A_2 : vector<1024xf32> to vector<1x1024xf32>
    %add3A = arith.constant 1.000000e+00 : f32
    %add3A_3 = vector.broadcast %add3A : f32 to vector<1x1024xf32>
    %add3A_4 = arith.addf %broadcast_in_dim3A, %add3A_3 : vector<1x1024xf32>
    %rsqrt3A = math.rsqrt %add3A_4 : vector<1x1024xf32>
    %transpose3A = tpu.transpose %rsqrt3A, [1, 0] : vector<1x1024xf32> -> vector<1024x1xf32>
    %mul3A = arith.constant 1024 : i32
    %mul3A_5 = arith.muli %arg0, %mul3A : i32
    %iota3A = tpu.iota {dimensions = array<i32: 0>} : vector<1024x1xi32>
    %add3A_6 = vector.broadcast %mul3A_5 : i32 to vector<1024x1xi32>
    %add3A_7 = arith.addi %add3A_6, %iota3A : vector<1024x1xi32>
    %lt3A = arith.constant 10000 : i32
    %lt3A_8 = vector.broadcast %lt3A : i32 to vector<1024x1xi32>
    %lt3A_9 = arith.cmpi slt, %add3A_7, %lt3A_8 : vector<1024x1xi32>
    %jit3A = arith.constant 0.000000e+00 : f32
    %broadcast_in_dim3A_10 = vector.broadcast %jit3A : f32 to vector<1024x1xf32>
    %select_n3A = arith.select %lt3A_9, %transpose3A, %broadcast_in_dim3A_10 : vector<1024x1xi1>, vector<1024x1xf32>
    %get3A_11 = arith.constant 0 : index
    %get3A_12 = arith.constant 0 : index
    %get3A_13 = vector.load %arg2[%get3A_11, %get3A_12] : memref<1024x128xf32, #tpu.memory_space<vmem>>, vector<1024x128xf32>
    %get3A_14 = arith.constant 0 : index
    %get3A_15 = arith.constant 0 : index
    %get3A_16 = vector.load %arg3[%get3A_14, %get3A_15] : memref<128x64xf32, #tpu.memory_space<vmem>>, vector<128x64xf32>
    %dot_general3A = arith.constant dense<0.000000e+00> : vector<1024x64xf32>
    %dot_general3A_17 = tpu.matmul %get3A_13, %get3A_16, %dot_general3A {dimension_numbers = #tpu.dot_dimension_numbers<[1], [0], [0], [1], [0, 0, 1, 1], [], []>, transpose_lhs_hint = false} : vector<1024x128xf32>, vector<128x64xf32>, vector<1024x64xf32> -> vector<1024x64xf32>
    %mul3A_18 = vector.broadcast %select_n3A : vector<1024x1xf32> to vector<1024x64xf32>
    %mul3A_19 = arith.mulf %dot_general3A_17, %mul3A_18 : vector<1024x64xf32>
    %jit3A_20 = arith.constant 0.000000e+00 : f32
    %broadcast_in_dim3A_21 = vector.shape_cast %lt3A_9 : vector<1024x1xi1> to vector<1024x1xi1>
    %broadcast_in_dim3A_22 = vector.broadcast %broadcast_in_dim3A_21 : vector<1024x1xi1> to vector<1024x64xi1>
    %broadcast_in_dim3A_23 = vector.broadcast %jit3A_20 : f32 to vector<1024x64xf32>
    %select_n3A_24 = arith.select %broadcast_in_dim3A_22, %mul3A_19, %broadcast_in_dim3A_23 : vector<1024x64xi1>, vector<1024x64xf32>
    %swap3A = arith.constant 0 : index
    %swap3A_25 = arith.constant 0 : index
    %swap3A_26 = vector.load %arg4[%swap3A, %swap3A_25] : memref<1024x64xf32, #tpu.memory_space<vmem>>, vector<1024x64xf32>
    tpu.vector_store %arg4[%swap3A, %swap3A_25], %select_n3A_24 {strides = array<i32>} : memref<1024x64xf32, #tpu.memory_space<vmem>>, vector<1024x64xf32>,
    %swap3A_27 = arith.constant 0 : index
    %swap3A_28 = arith.constant 0 : index
    %swap3A_29 = vector.load %arg5[%swap3A_27, %swap3A_28] : memref<1024x1xf32, #tpu.memory_space<vmem>>, vector<1024x1xf32>
    tpu.vector_store %arg5[%swap3A_27, %swap3A_28], %select_n3A {strides = array<i32>} : memref<1024x1xf32, #tpu.memory_space<vmem>>, vector<1024x1xf32>,
    return
  }
  func.func @transform_0(%arg0: i32) -> (i32, i32) {
    %c0_i32 = arith.constant 0 : i32
    %c0_i32_0 = arith.constant 0 : i32
    return %c0_i32, %arg0 : i32, i32
  }
  func.func @transform_1(%arg0: i32) -> (i32, i32) {
    %c0_i32 = arith.constant 0 : i32
    %c0_i32_0 = arith.constant 0 : i32
    return %arg0, %c0_i32 : i32, i32
  }
  func.func @transform_2(%arg0: i32) -> (i32, i32) {
    %c0_i32 = arith.constant 0 : i32
    %c0_i32_0 = arith.constant 0 : i32
    %c0_i32_1 = arith.constant 0 : i32
    return %c0_i32, %c0_i32_0 : i32, i32
  }
  func.func @transform_3(%arg0: i32) -> (i32, i32) {
    %c0_i32 = arith.constant 0 : i32
    %c0_i32_0 = arith.constant 0 : i32
    return %arg0, %c0_i32 : i32, i32
  }
  func.func @transform_4(%arg0: i32) -> (i32, i32) {
    %c0_i32 = arith.constant 0 : i32
    %c0_i32_0 = arith.constant 0 : i32
    return %arg0, %c0_i32 : i32, i32
  }
}

module attributes {stable_mosaic.version = 14 : i64} {
  func.func @_tc2_body(%arg0: i32, %arg1: memref<2x1024x64xf32, #tpu.memory_space<vmem>>, %arg2: memref<1024x64xf32, #tpu.memory_space<vmem>>, %arg3: memref<1024x1xf32, #tpu.memory_space<vmem>>, %arg4: memref<1x64xf32, #tpu.memory_space<vmem>>, %arg5: memref<64x64xf32, #tpu.memory_space<vmem>>, %arg6: memref<1024x64xf32, #tpu.memory_space<vmem>>) attributes {dimension_semantics = [#tpu.dimension_semantics<arbitrary>], iteration_bounds = array<i64: 10>, scalar_prefetch = 0 : i64, scratch_operands = 0 : i64, tpu.core_type = #tpu.core_type<tc>, window_params = [{transform_indices = @transform_0, window_bounds = array<i64: 2, 1024, 64>}, {transform_indices = @transform_1, window_bounds = array<i64: 1024, 64>}, {transform_indices = @transform_2, window_bounds = array<i64: 1024, 1>}, {pipeline_mode = #tpu.pipeline_mode<synchronous>, transform_indices = @transform_3, window_bounds = array<i64: 1, 64>}, {pipeline_mode = #tpu.pipeline_mode<synchronous>, transform_indices = @transform_4, window_bounds = array<i64: 64, 64>}, {transform_indices = @transform_5, window_bounds = array<i64: 1024, 64>}]} {
    %get3A = arith.constant 0 : index
    %get3A_0 = arith.constant 0 : index
    %get3A_1 = arith.constant 0 : index
    %get3A_2 = vector.load %arg1[%get3A, %get3A_0, %get3A_1] : memref<2x1024x64xf32, #tpu.memory_space<vmem>>, vector<1x1024x64xf32>
    %get3A_3 = vector.shape_cast %get3A_2 : vector<1x1024x64xf32> to vector<1024x64xf32>
    %get3A_4 = arith.constant 1 : index
    %get3A_5 = arith.constant 0 : index
    %get3A_6 = arith.constant 0 : index
    %get3A_7 = vector.load %arg1[%get3A_4, %get3A_5, %get3A_6] : memref<2x1024x64xf32, #tpu.memory_space<vmem>>, vector<1x1024x64xf32>
    %get3A_8 = vector.shape_cast %get3A_7 : vector<1x1024x64xf32> to vector<1024x64xf32>
    %add3A = arith.addf %get3A_3, %get3A_8 : vector<1024x64xf32>
    %get3A_9 = arith.constant 0 : index
    %get3A_10 = arith.constant 0 : index
    %get3A_11 = vector.load %arg2[%get3A_9, %get3A_10] : memref<1024x64xf32, #tpu.memory_space<vmem>>, vector<1024x64xf32>
    %add3A_12 = arith.addf %add3A, %get3A_11 : vector<1024x64xf32>
    %get3A_13 = arith.constant 0 : index
    %get3A_14 = arith.constant 0 : index
    %get3A_15 = vector.load %arg3[%get3A_13, %get3A_14] : memref<1024x1xf32, #tpu.memory_space<vmem>>, vector<1024x1xf32>
    %mul3A = vector.broadcast %get3A_15 : vector<1024x1xf32> to vector<1024x64xf32>
    %mul3A_16 = arith.mulf %add3A_12, %mul3A : vector<1024x64xf32>
    %get3A_17 = arith.constant 0 : index
    %get3A_18 = arith.constant 0 : index
    %get3A_19 = vector.load %arg4[%get3A_17, %get3A_18] : memref<1x64xf32, #tpu.memory_space<vmem>>, vector<1x64xf32>
    %add3A_20 = vector.broadcast %get3A_19 : vector<1x64xf32> to vector<1024x64xf32>
    %add3A_21 = arith.addf %mul3A_16, %add3A_20 : vector<1024x64xf32>
    %max3A = arith.constant 0.000000e+00 : f32
    %max3A_22 = vector.broadcast %max3A : f32 to vector<1024x64xf32>
    %max3A_23 = arith.maximumf %add3A_21, %max3A_22 : vector<1024x64xf32>
    %get3A_24 = arith.constant 0 : index
    %get3A_25 = arith.constant 0 : index
    %get3A_26 = vector.load %arg5[%get3A_24, %get3A_25] : memref<64x64xf32, #tpu.memory_space<vmem>>, vector<64x64xf32>
    %dot_general3A = arith.constant dense<0.000000e+00> : vector<1024x64xf32>
    %dot_general3A_27 = tpu.matmul %max3A_23, %get3A_26, %dot_general3A {dimension_numbers = #tpu.dot_dimension_numbers<[1], [0], [0], [1], [0, 0, 1, 1], [], []>, transpose_lhs_hint = false} : vector<1024x64xf32>, vector<64x64xf32>, vector<1024x64xf32> -> vector<1024x64xf32>
    %get3A_28 = arith.constant 0 : index
    %get3A_29 = arith.constant 0 : index
    %get3A_30 = vector.load %arg3[%get3A_28, %get3A_29] : memref<1024x1xf32, #tpu.memory_space<vmem>>, vector<1024x1xf32>
    %mul3A_31 = vector.broadcast %get3A_30 : vector<1024x1xf32> to vector<1024x64xf32>
    %mul3A_32 = arith.mulf %dot_general3A_27, %mul3A_31 : vector<1024x64xf32>
    %swap3A = arith.constant 0 : index
    %swap3A_33 = arith.constant 0 : index
    %swap3A_34 = vector.load %arg6[%swap3A, %swap3A_33] : memref<1024x64xf32, #tpu.memory_space<vmem>>, vector<1024x64xf32>
    tpu.vector_store %arg6[%swap3A, %swap3A_33], %mul3A_32 {strides = array<i32>} : memref<1024x64xf32, #tpu.memory_space<vmem>>, vector<1024x64xf32>,
    return
  }
  func.func @transform_0(%arg0: i32) -> (i32, i32, i32) {
    %c0_i32 = arith.constant 0 : i32
    %c0_i32_0 = arith.constant 0 : i32
    %c0_i32_1 = arith.constant 0 : i32
    return %c0_i32, %arg0, %c0_i32_0 : i32, i32, i32
  }
  func.func @transform_1(%arg0: i32) -> (i32, i32) {
    %c0_i32 = arith.constant 0 : i32
    %c0_i32_0 = arith.constant 0 : i32
    return %arg0, %c0_i32 : i32, i32
  }
  func.func @transform_2(%arg0: i32) -> (i32, i32) {
    %c0_i32 = arith.constant 0 : i32
    %c0_i32_0 = arith.constant 0 : i32
    return %arg0, %c0_i32 : i32, i32
  }
  func.func @transform_3(%arg0: i32) -> (i32, i32) {
    %c0_i32 = arith.constant 0 : i32
    %c0_i32_0 = arith.constant 0 : i32
    %c0_i32_1 = arith.constant 0 : i32
    return %c0_i32, %c0_i32_0 : i32, i32
  }
  func.func @transform_4(%arg0: i32) -> (i32, i32) {
    %c0_i32 = arith.constant 0 : i32
    %c0_i32_0 = arith.constant 0 : i32
    %c0_i32_1 = arith.constant 0 : i32
    return %c0_i32, %c0_i32_0 : i32, i32
  }
  func.func @transform_5(%arg0: i32) -> (i32, i32) {
    %c0_i32 = arith.constant 0 : i32
    %c0_i32_0 = arith.constant 0 : i32
    return %arg0, %c0_i32 : i32, i32
  }
}

module attributes {stable_mosaic.version = 14 : i64} {
  func.func @_tc3_body(%arg0: i32, %arg1: memref<2x1024x64xf32, #tpu.memory_space<vmem>>, %arg2: memref<1024x64xf32, #tpu.memory_space<vmem>>, %arg3: memref<1024x1xf32, #tpu.memory_space<vmem>>, %arg4: memref<1x64xf32, #tpu.memory_space<vmem>>, %arg5: memref<1024x1xi32, #tpu.memory_space<vmem>>, %arg6: memref<64x1xf32, #tpu.memory_space<vmem>>, %arg7: memref<1x1xf32, #tpu.memory_space<vmem>>, %arg8: memref<64x1xf32, #tpu.memory_space<vmem>>, %arg9: memref<64x64xf32, #tpu.memory_space<vmem>>, %arg10: memref<64x1xf32, #tpu.memory_space<vmem>>) attributes {dimension_semantics = [#tpu.dimension_semantics<arbitrary>], iteration_bounds = array<i64: 10>, scalar_prefetch = 0 : i64, scratch_operands = 2 : i64, tpu.core_type = #tpu.core_type<tc>, window_params = [{transform_indices = @transform_0, window_bounds = array<i64: 2, 1024, 64>}, {transform_indices = @transform_1, window_bounds = array<i64: 1024, 64>}, {transform_indices = @transform_2, window_bounds = array<i64: 1024, 1>}, {pipeline_mode = #tpu.pipeline_mode<synchronous>, transform_indices = @transform_3, window_bounds = array<i64: 1, 64>}, {transform_indices = @transform_4, window_bounds = array<i64: 1024, 1>}, {pipeline_mode = #tpu.pipeline_mode<synchronous>, transform_indices = @transform_5, window_bounds = array<i64: 64, 1>}, {pipeline_mode = #tpu.pipeline_mode<synchronous>, transform_indices = @transform_6, window_bounds = array<i64: 1, 1>}, {pipeline_mode = #tpu.pipeline_mode<synchronous>, transform_indices = @transform_7, window_bounds = array<i64: 64, 1>}]} {
    %eq3A = arith.constant 0 : i32
    %eq3A_0 = arith.cmpi eq, %arg0, %eq3A : i32
    %convert_element_type3A = arith.extui %eq3A_0 : i1 to i32
    %cond3A = arith.constant 0 : i32
    %cond3A_1 = arith.cmpi ne, %convert_element_type3A, %cond3A : i32
    scf.if %cond3A_1 {
      %broadcast_in_dim3A_55 = arith.constant 0.000000e+00 : f32
      %broadcast_in_dim3A_56 = vector.broadcast %broadcast_in_dim3A_55 : f32 to vector<64x64xf32>
      %swap3A_57 = arith.constant 0 : index
      %swap3A_58 = arith.constant 0 : index
      %swap3A_59 = vector.load %arg9[%swap3A_57, %swap3A_58] : memref<64x64xf32, #tpu.memory_space<vmem>>, vector<64x64xf32>
      tpu.vector_store %arg9[%swap3A_57, %swap3A_58], %broadcast_in_dim3A_56 {strides = array<i32>} : memref<64x64xf32, #tpu.memory_space<vmem>>, vector<64x64xf32>,
      %broadcast_in_dim3A_60 = arith.constant 0.000000e+00 : f32
      %broadcast_in_dim3A_61 = vector.broadcast %broadcast_in_dim3A_60 : f32 to vector<64x1xf32>
      %swap3A_62 = arith.constant 0 : index
      %swap3A_63 = arith.constant 0 : index
      %swap3A_64 = vector.load %arg10[%swap3A_62, %swap3A_63] : memref<64x1xf32, #tpu.memory_space<vmem>>, vector<64x1xf32>
      tpu.vector_store %arg10[%swap3A_62, %swap3A_63], %broadcast_in_dim3A_61 {strides = array<i32>} : memref<64x1xf32, #tpu.memory_space<vmem>>, vector<64x1xf32>,
    } else {
    }
    %get3A = arith.constant 0 : index
    %get3A_2 = arith.constant 0 : index
    %get3A_3 = arith.constant 0 : index
    %get3A_4 = vector.load %arg1[%get3A, %get3A_2, %get3A_3] : memref<2x1024x64xf32, #tpu.memory_space<vmem>>, vector<1x1024x64xf32>
    %get3A_5 = vector.shape_cast %get3A_4 : vector<1x1024x64xf32> to vector<1024x64xf32>
    %get3A_6 = arith.constant 1 : index
    %get3A_7 = arith.constant 0 : index
    %get3A_8 = arith.constant 0 : index
    %get3A_9 = vector.load %arg1[%get3A_6, %get3A_7, %get3A_8] : memref<2x1024x64xf32, #tpu.memory_space<vmem>>, vector<1x1024x64xf32>
    %get3A_10 = vector.shape_cast %get3A_9 : vector<1x1024x64xf32> to vector<1024x64xf32>
    %add3A = arith.addf %get3A_5, %get3A_10 : vector<1024x64xf32>
    %get3A_11 = arith.constant 0 : index
    %get3A_12 = arith.constant 0 : index
    %get3A_13 = vector.load %arg2[%get3A_11, %get3A_12] : memref<1024x64xf32, #tpu.memory_space<vmem>>, vector<1024x64xf32>
    %add3A_14 = arith.addf %add3A, %get3A_13 : vector<1024x64xf32>
    %get3A_15 = arith.constant 0 : index
    %get3A_16 = arith.constant 0 : index
    %get3A_17 = vector.load %arg3[%get3A_15, %get3A_16] : memref<1024x1xf32, #tpu.memory_space<vmem>>, vector<1024x1xf32>
    %mul3A = vector.broadcast %get3A_17 : vector<1024x1xf32> to vector<1024x64xf32>
    %mul3A_18 = arith.mulf %add3A_14, %mul3A : vector<1024x64xf32>
    %get3A_19 = arith.constant 0 : index
    %get3A_20 = arith.constant 0 : index
    %get3A_21 = vector.load %arg4[%get3A_19, %get3A_20] : memref<1x64xf32, #tpu.memory_space<vmem>>, vector<1x64xf32>
    %add3A_22 = vector.broadcast %get3A_21 : vector<1x64xf32> to vector<1024x64xf32>
    %add3A_23 = arith.addf %mul3A_18, %add3A_22 : vector<1024x64xf32>
    %max3A = arith.constant 0.000000e+00 : f32
    %max3A_24 = vector.broadcast %max3A : f32 to vector<1024x64xf32>
    %max3A_25 = arith.maximumf %add3A_23, %max3A_24 : vector<1024x64xf32>
    %iota3A = tpu.iota {dimensions = array<i32: 1>} : vector<1024x64xi32>
    %get3A_26 = arith.constant 0 : index
    %get3A_27 = arith.constant 0 : index
    %get3A_28 = vector.load %arg5[%get3A_26, %get3A_27] : memref<1024x1xi32, #tpu.memory_space<vmem>>, vector<1024x1xi32>
    %eq3A_29 = vector.broadcast %get3A_28 : vector<1024x1xi32> to vector<1024x64xi32>
    %eq3A_30 = arith.cmpi eq, %eq3A_29, %iota3A : vector<1024x64xi32>
    %convert_element_type3A_31 = arith.extui %eq3A_30 : vector<1024x64xi1> to vector<1024x64xi32>
    %convert_element_type3A_32 = arith.sitofp %convert_element_type3A_31 : vector<1024x64xi32> to vector<1024x64xf32>
    %get3A_33 = arith.constant 0 : index
    %get3A_34 = arith.constant 0 : index
    %get3A_35 = vector.load %arg9[%get3A_33, %get3A_34] : memref<64x64xf32, #tpu.memory_space<vmem>>, vector<64x64xf32>
    %dot_general3A = arith.constant dense<0.000000e+00> : vector<64x64xf32>
    %dot_general3A_36 = tpu.matmul %convert_element_type3A_32, %max3A_25, %dot_general3A {dimension_numbers = #tpu.dot_dimension_numbers<[0], [0], [1], [1], [0, 1, 1, 1], [], []>, transpose_lhs_hint = false} : vector<1024x64xf32>, vector<1024x64xf32>, vector<64x64xf32> -> vector<64x64xf32>
    %add3A_37 = arith.addf %get3A_35, %dot_general3A_36 : vector<64x64xf32>
    %swap3A = arith.constant 0 : index
    %swap3A_38 = arith.constant 0 : index
    %swap3A_39 = vector.load %arg9[%swap3A, %swap3A_38] : memref<64x64xf32, #tpu.memory_space<vmem>>, vector<64x64xf32>
    tpu.vector_store %arg9[%swap3A, %swap3A_38], %add3A_37 {strides = array<i32>} : memref<64x64xf32, #tpu.memory_space<vmem>>, vector<64x64xf32>,
    %get3A_40 = arith.constant 0 : index
    %get3A_41 = arith.constant 0 : index
    %get3A_42 = vector.load %arg10[%get3A_40, %get3A_41] : memref<64x1xf32, #tpu.memory_space<vmem>>, vector<64x1xf32>
    %broadcast_in_dim3A = arith.constant 1.000000e+00 : f32
    %broadcast_in_dim3A_43 = vector.broadcast %broadcast_in_dim3A : f32 to vector<1024x1xf32>
    %dot_general3A_44 = arith.constant dense<0.000000e+00> : vector<64x1xf32>
    %dot_general3A_45 = tpu.matmul %convert_element_type3A_32, %broadcast_in_dim3A_43, %dot_general3A_44 {dimension_numbers = #tpu.dot_dimension_numbers<[0], [0], [1], [1], [0, 1, 1, 1], [], []>, transpose_lhs_hint = false} : vector<1024x64xf32>, vector<1024x1xf32>, vector<64x1xf32> -> vector<64x1xf32>
    %add3A_46 = arith.addf %get3A_42, %dot_general3A_45 : vector<64x1xf32>
    %swap3A_47 = arith.constant 0 : index
    %swap3A_48 = arith.constant 0 : index
    %swap3A_49 = vector.load %arg10[%swap3A_47, %swap3A_48] : memref<64x1xf32, #tpu.memory_space<vmem>>, vector<64x1xf32>
    tpu.vector_store %arg10[%swap3A_47, %swap3A_48], %add3A_46 {strides = array<i32>} : memref<64x1xf32, #tpu.memory_space<vmem>>, vector<64x1xf32>,
    %eq3A_50 = arith.constant 9 : i32
    %eq3A_51 = arith.cmpi eq, %arg0, %eq3A_50 : i32
    %convert_element_type3A_52 = arith.extui %eq3A_51 : i1 to i32
    %cond3A_53 = arith.constant 0 : i32
    %cond3A_54 = arith.cmpi ne, %convert_element_type3A_52, %cond3A_53 : i32
    scf.if %cond3A_54 {
      %get3A_55 = arith.constant 0 : index
      %get3A_56 = arith.constant 0 : index
      %get3A_57 = vector.load %arg9[%get3A_55, %get3A_56] : memref<64x64xf32, #tpu.memory_space<vmem>>, vector<64x64xf32>
      %get3A_58 = arith.constant 0 : index
      %get3A_59 = arith.constant 0 : index
      %get3A_60 = vector.load %arg10[%get3A_58, %get3A_59] : memref<64x1xf32, #tpu.memory_space<vmem>>, vector<64x1xf32>
      %max3A_61 = arith.constant 1.000000e+00 : f32
      %max3A_62 = vector.broadcast %max3A_61 : f32 to vector<64x1xf32>
      %max3A_63 = arith.maximumf %get3A_60, %max3A_62 : vector<64x1xf32>
      %div3A = vector.broadcast %max3A_63 : vector<64x1xf32> to vector<64x64xf32>
      %div3A_64 = arith.divf %get3A_57, %div3A : vector<64x64xf32>
      %get3A_65 = arith.constant 0 : index
      %get3A_66 = arith.constant 0 : index
      %get3A_67 = vector.load %arg6[%get3A_65, %get3A_66] : memref<64x1xf32, #tpu.memory_space<vmem>>, vector<64x1xf32>
      %dot_general3A_68 = arith.constant dense<0.000000e+00> : vector<64x1xf32>
      %dot_general3A_69 = tpu.matmul %div3A_64, %get3A_67, %dot_general3A_68 {dimension_numbers = #tpu.dot_dimension_numbers<[1], [0], [0], [1], [0, 0, 1, 1], [], []>, transpose_lhs_hint = false} : vector<64x64xf32>, vector<64x1xf32>, vector<64x1xf32> -> vector<64x1xf32>
      %get3A_70 = arith.constant 0 : index
      %get3A_71 = arith.constant 0 : index
      %get3A_72 = vector.load %arg7[%get3A_70, %get3A_71] : memref<1x1xf32, #tpu.memory_space<vmem>>, vector<1x1xf32>
      %add3A_73 = vector.broadcast %get3A_72 : vector<1x1xf32> to vector<64x1xf32>
      %add3A_74 = arith.addf %dot_general3A_69, %add3A_73 : vector<64x1xf32>
      %logistic3A = arith.negf %add3A_74 : vector<64x1xf32>
      %logistic3A_75 = math.exp %logistic3A : vector<64x1xf32>
      %logistic3A_76 = arith.constant 1.000000e+00 : f32
      %logistic3A_77 = vector.broadcast %logistic3A_76 : f32 to vector<64x1xf32>
      %logistic3A_78 = arith.addf %logistic3A_77, %logistic3A_75 : vector<64x1xf32>
      %logistic3A_79 = arith.divf %logistic3A_77, %logistic3A_78 : vector<64x1xf32>
      %swap3A_80 = arith.constant 0 : index
      %swap3A_81 = arith.constant 0 : index
      %swap3A_82 = vector.load %arg8[%swap3A_80, %swap3A_81] : memref<64x1xf32, #tpu.memory_space<vmem>>, vector<64x1xf32>
      tpu.vector_store %arg8[%swap3A_80, %swap3A_81], %logistic3A_79 {strides = array<i32>} : memref<64x1xf32, #tpu.memory_space<vmem>>, vector<64x1xf32>,
    } else {
    }
    return
  }
  func.func @transform_0(%arg0: i32) -> (i32, i32, i32) {
    %c0_i32 = arith.constant 0 : i32
    %c0_i32_0 = arith.constant 0 : i32
    %c0_i32_1 = arith.constant 0 : i32
    return %c0_i32, %arg0, %c0_i32_0 : i32, i32, i32
  }
  func.func @transform_1(%arg0: i32) -> (i32, i32) {
    %c0_i32 = arith.constant 0 : i32
    %c0_i32_0 = arith.constant 0 : i32
    return %arg0, %c0_i32 : i32, i32
  }
  func.func @transform_2(%arg0: i32) -> (i32, i32) {
    %c0_i32 = arith.constant 0 : i32
    %c0_i32_0 = arith.constant 0 : i32
    return %arg0, %c0_i32 : i32, i32
  }
  func.func @transform_3(%arg0: i32) -> (i32, i32) {
    %c0_i32 = arith.constant 0 : i32
    %c0_i32_0 = arith.constant 0 : i32
    %c0_i32_1 = arith.constant 0 : i32
    return %c0_i32, %c0_i32_0 : i32, i32
  }
  func.func @transform_4(%arg0: i32) -> (i32, i32) {
    %c0_i32 = arith.constant 0 : i32
    %c0_i32_0 = arith.constant 0 : i32
    return %arg0, %c0_i32 : i32, i32
  }
  func.func @transform_5(%arg0: i32) -> (i32, i32) {
    %c0_i32 = arith.constant 0 : i32
    %c0_i32_0 = arith.constant 0 : i32
    %c0_i32_1 = arith.constant 0 : i32
    return %c0_i32, %c0_i32_0 : i32, i32
  }
  func.func @transform_6(%arg0: i32) -> (i32, i32) {
    %c0_i32 = arith.constant 0 : i32
    %c0_i32_0 = arith.constant 0 : i32
    %c0_i32_1 = arith.constant 0 : i32
    return %c0_i32, %c0_i32_0 : i32, i32
  }
  func.func @transform_7(%arg0: i32) -> (i32, i32) {
    %c0_i32 = arith.constant 0 : i32
    %c0_i32_0 = arith.constant 0 : i32
    %c0_i32_1 = arith.constant 0 : i32
    return %c0_i32, %c0_i32_0 : i32, i32
  }
}

</mosaic_0001>

<sc_bundles>
// kernel: kernel.11.cloned.1.call-start
scs
__scs_entry_jumppad:
0x0: {  	(pc) =	sbr.rel $0x88, $3  }
0x1: {  	(tag) =	ssettag $0x0;
	lr =	simm.s32 $0x1  }
0x2: {  	[smem:$0x3F98] =	sst lr;
	_ =	strace $0xD0000000  }
0x3: {  	_ = 	snop  }
0x4: {  	_ = 	snop  }
0x5: {  	_ = 	snop  }
0x6: {  	_ = 	snop  }
0x7: {  	_ = 	snop  }
__scs_overlays_trampoline_lowered:
0x8: {  	[smem:$0x3FA7] =	sst s0  }
0x9: {  	[smem:$0x3FA8] =	sst s1  }
0xa: {  	[smem:$0x3FA9] =	sst s2  }
0xb: {  	[smem:$0x3FAA] =	sst s3  }
0xc: {  	[smem:$0x3FAB] =	sst s4  }
0xd: {  	[smem:$0x3FAC] =	sst s5  }
0xe: {  	[smem:$0x3FAD] =	sst s6  }
0xf: {  	[smem:$0x3FAE] =	sst s7  }
0x10: {  	[smem:$0x3FAF] =	sst s8  }
0x11: {  	[smem:$0x3FB0] =	sst s9;
	s0 =	simm.s32 @!p0 $0x0  }
0x12: {  	s1 =	sld [smem:$0x3F96];
	s0 =	simm.s32 @p0 $0x1  }
0x13: {  	[smem:$0x3FB1] =	sst s0;
	s0 =	simm.s32 @!p1 $0x0  }
0x14: {  	s2 =	sld [smem:$0x3F95];
	s0 =	simm.s32 @p1 $0x1  }
0x15: {  	[smem:$0x3FB2] =	sst s0;
	s0 =	simm.s32 @!p2 $0x0  }
0x16: {  	s3 =	sld [smem:$0x3FDB];
	s0 =	simm.s32 @p2 $0x1  }
0x17: {  	s4 =	simm.s32 $0x1BF5;
	[smem:$0x3FB4] =	sst s0  }
0x18: {  	s0 =	sld [smem:$0x3F97];
	_ =	swait.ge [sflag:s4], $0x0  }
0x19: {  	s7 =	sld [smem:$0x3F98]  }
0x1a: {  	s8 =	sadd.s32 $0xFFFFE003, lr  }
0x1b: {  	s9 =	sadd.s32 $0xFFFFFEF7, lr;
	s5 =	simm.s32 $0xFFFFFFFF;
	p2 =	slt.u32 s8, $0xFFFFF086  }
0x1c: {  	p1 =	slt.u32 s9, $0xF7A;
	s5 =	simm.s32 @!p2 $0x0  }
0x1d: {  	s5 =	simm.s32 @p1 $0x1;
	p0 =	seq.s32 s7, s2  }
0x1e: {  	s7 =	smul.u32 @!p0 $0xF7A, s2;
	p2 =	seq.s32 @!p0 s5, $0x0  }
0x1f: {  	s9 =	smul.u32 $0xF7A, s1;
	s8 =	simm.s32 @!p0 $0x1BF5;
	p2 =	por !p2, p0  }
0x20: {  	[sflag:s8] =	ssyncset.s32 @!p0 $0xFFFFF086;
	s6 =	sadd.s32 @!p0 s3, s7;
	s7 =	simm.s32 @!p0 $0x108  }
0x21: {  	s3 =	sadd.s32 s3, s9;
	s6 =	sadd.s32 @!p0 $0x88, s6;
	s7 =	simm.s32 @p2 $0x1082  }
0x22: {  	[simem:s7], [sflag:s8] =	dma.local @!p0 [hbm:s6], $0xF7A  }
0x23: {  	s9 =	sor.u32 $0xD0000000, s2;
	s6 =	simm.s32 $0x108;
	_ =	swait.ge @!p0 [sflag:s8], $0x0  }
0x24: {  	s3 =	sadd.s32 $0x88, s3;
	s6 =	simm.s32 @!p1 $0x1082;
	[sflag:s4] =	ssyncset.s32 $0xFFFFF086  }
0x25: {  	[simem:s6], [sflag:s4] =	dma.local [hbm:s3], $0xF7A  }
0x26: {  	[smem:$0x3F98] =	sst s1;
	(tag) =	ssettag s2;
	_ =	strace s9  }
0x27: {  	s1 =	sld [smem:$0x3FA8]  }
0x28: {  	s2 =	sld [smem:$0x3FA9]  }
0x29: {  	s4 =	sld [smem:$0x3FAB]  }
0x2a: {  	p0 =	seq.s32 s5, $0x0;
	s5 =	sld [smem:$0x3FAC]  }
0x2b: {  	s6 =	sld [smem:$0x3FAD]  }
0x2c: {  	s7 =	sld [smem:$0x3FAE]  }
0x2d: {  	s3 =	simm.s32 $0x108;
	s8 =	sld [smem:$0x3FAF]  }
0x2e: {  	s3 =	simm.s32 @!p0 $0x1082;
	s9 =	sld [smem:$0x3FB0]  }
0x2f: {  	lr =	sadd.s32 s0, s3;
	s0 =	sld [smem:$0x3FA7]  }
0x30: {  	s3 =	sld [smem:$0x3FAA]  }
0x31: {  	[smem:$0x3FB3] =	sst s10  }
0x32: {  	s10 =	sld [smem:$0x3FB1];
	_ =	sdelay $0x3  }
0x33: {  	p0 =	seq.s32 s10, $0x1;
	s10 =	sld [smem:$0x3FB3];
	_ =	sdelay $0x3  }
0x34: {  	[smem:$0x3FB3] =	sst s10  }
0x35: {  	s10 =	sld [smem:$0x3FB2];
	_ =	sdelay $0x3  }
0x36: {  	p1 =	seq.s32 s10, $0x1;
	s10 =	sld [smem:$0x3FB3];
	_ =	sdelay $0x3  }
0x37: {  	[smem:$0x3FB3] =	sst s10  }
0x38: {  	s10 =	sld [smem:$0x3FB4]  }
0x39: {  	_ = 	snop;
	(pc) =	sbr.ind lr, $3  }
0x3a: {  	_ = 	snop  }
0x3b: {  	_ = 	snop  }
0x3c: {  	p2 =	seq.s32 s10, $0x1;
	s10 =	sld [smem:$0x3FB3]  }
0x3d: {  	_ =	shalt  }
0x3e: {  	_ =	shalt  }
0x3f: {  	_ =	shalt  }
0x40: {  	_ =	shalt  }
0x41: {  	_ =	shalt  }
0x42: {  	_ =	shalt  }
0x43: {  	_ =	shalt  }
0x44: {  	_ =	shalt  }
0x45: {  	_ =	shalt  }
0x46: {  	_ =	shalt  }
0x47: {  	_ =	shalt  }
0x48: {  	_ =	shalt  }
0x49: {  	_ =	shalt  }
0x4a: {  	_ =	shalt  }
0x4b: {  	_ =	shalt  }
0x4c: {  	_ =	shalt  }
0x4d: {  	_ =	shalt  }
0x4e: {  	_ =	shalt  }
0x4f: {  	_ =	shalt  }
0x50: {  	_ =	shalt  }
0x51: {  	_ =	shalt  }
0x52: {  	_ =	shalt  }
0x53: {  	_ =	shalt  }
0x54: {  	_ =	shalt  }
0x55: {  	_ =	shalt  }
0x56: {  	_ =	shalt  }
0x57: {  	_ =	shalt  }
0x58: {  	_ =	shalt  }
0x59: {  	_ =	shalt  }
0x5a: {  	_ =	shalt  }
0x5b: {  	_ =	shalt  }
0x5c: {  	_ =	shalt  }
0x5d: {  	_ =	shalt  }
0x5e: {  	_ =	shalt  }
0x5f: {  	_ =	shalt  }
0x60: {  	_ =	shalt  }
0x61: {  	_ =	shalt  }
0x62: {  	_ =	shalt  }
0x63: {  	_ =	shalt  }
0x64: {  	_ =	shalt  }
0x65: {  	_ =	shalt  }
0x66: {  	_ =	shalt  }
0x67: {  	_ =	shalt  }
0x68: {  	_ =	shalt  }
0x69: {  	_ =	shalt  }
0x6a: {  	_ =	shalt  }
0x6b: {  	_ =	shalt  }
0x6c: {  	_ =	shalt  }
0x6d: {  	_ =	shalt  }
0x6e: {  	_ =	shalt  }
0x6f: {  	_ =	shalt  }
0x70: {  	_ =	shalt  }
0x71: {  	_ =	shalt  }
0x72: {  	_ =	shalt  }
0x73: {  	_ =	shalt  }
0x74: {  	_ =	shalt  }
0x75: {  	_ =	shalt  }
0x76: {  	_ =	shalt  }
0x77: {  	_ =	shalt  }
0x78: {  	_ =	shalt  }
0x79: {  	_ =	shalt  }
0x7a: {  	_ =	shalt  }
0x7b: {  	_ =	shalt  }
0x7c: {  	_ =	shalt  }
0x7d: {  	_ =	shalt  }
0x7e: {  	_ =	shalt  }
0x7f: {  	_ =	shalt  }
0x80: {  	_ =	shalt  }
0x81: {  	_ =	shalt  }
0x82: {  	_ =	shalt  }
0x83: {  	_ =	shalt  }
0x84: {  	_ =	shalt  }
0x85: {  	_ =	shalt  }
0x86: {  	_ =	shalt  }
0x87: {  	_ =	shalt  }
.Lfunc_end0:
.L_simem_size_0:
called_computation.1_lowered:
.L_overlay_start_0:
0x88: {  	s2 =	sld [smem:$0x3FD9]  }
0x89: {  	s3 =	sld [smem:$0x3FFE];
	_ =	sdelay $0x1  }
0x8a: {  	s1 =	srdreg.scid  }
0x8b: {  	s0 =	sand.u32 $0x1, s1  }
0x8c: {  	s16 =	sshll.u32 s0, $0xA;
	s2 =	sadd.s32 s3, s2  }
0x8d: {  	s2 =	sadd.s32 s2, s16  }
0x8e: {  	[smem:$0x3FBF] =	sst s2  }
0x8f: {  	_ = 	snop  }
0x90: {  	(tm) =	ssettm $0x1  }
0x91: {  	s17 =	sld [smem:$0x3FFB];
	_ =	sdelay $0x3  }
0x92: {  	_ =	strace s17  }
0x93: {  	s2 =	sld [smem:$0x3FFC];
	_ =	sdelay $0x3  }
0x94: {  	_ =	strace s2  }
0x95: {  	s2 =	sld [smem:$0x3FFD];
	_ =	sdelay $0x3  }
0x96: {  	_ =	strace s2  }
0x97: {  	_ =	strace $0x8FFFFFFF  }
0x98: {  	s18 =	sld [smem:$0x3FDB];
	_ =	sdelay $0x1  }
0x99: {  	s19 =	simm.s32 $_scs_section_size  }
0x9a: {  	s4 =	simm.s32 $_size__tile_overlayer_lowered;
	s5 =	simm.s32 $_tile_overlayer_lowered  }
0x9b: {  	s22 =	simm.s32 $0x1BFF;
	s21 =	sshll.u32 s5, $0x1;
	s2 =	sadd.s32 s19, s18  }
0x9c: {  	s6 =	simm.s32 $0x0;
	s20 =	sshll.u32 s4, $0x1;
	s4 =	sadd.s32 s21, s2  }
0x9d: {  	[timem:s6], [sflag:s22] =	dma.local [hbm:s4], s20  }
0x9e: {  	_ =	swait.ge [sflag:s22], s20  }
0x9f: {  	s3 =	ssub.s32 $0x0, s20;
	[sflag:s22] =	ssyncset.done $0x0  }
0xa0: {  	[sflag:s22] =	ssyncadd.s32 s3;
	_ =	sdelay $0x1  }
0xa1: {  	s23 =	simm.s32 $0x1B8B  }
0xa2: {  	_ =	swait.ge [sflag:s23], $0x1  }
0xa3: {  	[sflag:s23] =	ssyncset.done $0x0  }
0xa4: {  	s25 =	simm.s32 $0x1B8E;
	s24 =	sld [smem:$0x3FFE];
	[sflag:s23] =	ssyncadd.s32 $0xFFFFFFFF  }
0xa5: {  	s26 =	simm.s32 $execute0_lowered;
	[smem:$0x3FD2] =	sst s25  }
0xa6: {  	s4 =	sshll.u32 s26, $0x1;
	_ =	strace $0x80000049;
	[dreg:$0x1] =	wrdreg $0xFFFFFFFF  }
0xa7: {  	s28 =	simm.s32 $_size_execute0_lowered;
	s2 =	sadd.s32 s2, s4;
	[dreg:$0x0] =	wrdreg $0x0  }
0xa8: {  	s4 =	sshll.u32 s28, $0x1;
	[dreg:$0x2] =	wrdreg s2  }
0xa9: {  	[dreg:$0x3] =	wrdreg s4  }
0xaa: {  	[dreg:$0x4] =	wrdreg $0xC0  }
0xab: {  	_ =	task [dreg:s6], $0x5FFFF  }
0xac: {  	[dreg:$0x1] =	wrdreg $0xFFFFFFFF  }
0xad: {  	[dreg:$0x0] =	wrdreg $0x60  }
0xae: {  	[dreg:$0x2] =	wrdreg s24  }
0xaf: {  	[dreg:$0x3] =	wrdreg $0x150000  }
0xb0: {  	[dreg:$0x4] =	wrdreg $0x9  }
0xb1: {  	_ =	task.clear_ibuf [dreg:s6], $0x5FFFF;
	_ =	strace $0x90000049  }
0xb2: {  	s29 =	simm.s32 $0x9;
	_ =	strace $0x8000004B  }
0xb3: {  	_ =	swait.ge [sflag:s29], $0x1  }
0xb4: {  	[sflag:s29] =	ssyncadd.s32 $0xFFFFFFFF  }
0xb5: {  	_ =	strace $0x9000004B  }
0xb6: {  	_ =	sfence  }
0xb7: {  	s30 =	sld [smem:$0x0];
	_ =	sdelay $0x2  }
0xb8: {  	s31 =	sshll.u32 s1, $0xD;
	s1 =	sshrl.u32 s1, $0x2  }
0xb9: {  	s3 =	sand.u32 $0x4000, s31;
	s1 =	sadd.s32 s1, s30  }
0xba: {  	s0 =	sor.u32 s3, s0;
	s1 =	sshll.u32 s1, $0x11  }
0xbb: {  	s0 =	sor.u32 s1, s0  }
0xbc: {  	s0 =	sadd.s32 $0x8F2B, s0  }
0xbd: {  	[sflag:s0] =	ssyncadd.remote.s32 $0x1  }
0xbe: {  	_ =	sfence.sel $0xFFFF  }
0xbf: {  	[dreg:$0x0] =	wrdreg $0xFFFFFFFF;
	(pc) =	sbr.abs _section_cstart, $3  }
0xc0: {  	[dreg:$0x1] =	wrdreg $0xFFFFFFFF  }
0xc1: {  	_ =	task.clear_ibuf [dreg:s6], $0x2FFFF;
	_ =	strace $0x9FFFFFFF  }
0xc2: {  	(tm) =	ssettm $0x7FFFFFFF  }
0xc3: {  	_ =	shalt  }
tec
execute0_lowered:
.L_overlay_start_1:
0x0: {  	(tag) =	ssettag $0x1  }
0x1: {  	s0 =	srdreg.scid;
	s3 =	rddreg [dreg:$0x0]  }
0x2: {  	s8 =	stileid.u32;
	s2 =	rddreg [dreg:$0x1]  }
0x3: {  	s4 =	simm.s32 $0x0;
	s12 =	simm.s32 $0x9;
	s14 =	simm.s32 $0x80  }
0x4: {  	s15 =	simm.s32 $0x5000;
	s16 =	simm.s32 $0x7000;
	s17 =	simm.s32 $0x9000  }
0x5: {  	s18 =	simm.s32 $0xB000;
	s19 =	simm.s32 $0xD000;
	s20 =	simm.s32 $0xF000  }
0x6: {  	s21 =	simm.s32 $0x11000;
	s22 =	simm.s32 $0x13000;
	s23 =	simm.s32 $0x1  }
0x7: {  	s24 =	simm.s32 $0x2;
	s28 =	simm.s32 $0x5;
	s29 =	simm.s32 $0x6  }
0x8: {  	s30 =	simm.s32 $0x7;
	s31 =	simm.s32 $0x8;
	s0 =	sand.u32 $0x1, s0  }
0x9: {  	s5 =	smul.u32 $0xA000, s8;
	[smem:$0x7FF] =	sst s4;
	s4 =	sadd.s32 $0x16000, s3  }
0xa: {  	s26 =	sshll.u32 s8, $0x6;
	s1 =	sshll.u32 s0, $0x4;
	s6 =	smul.u32 $0xA0000, s0  }
0xb: {  	_ =	strace $0x8000004A;
	s0 =	ssub.s32 $0x2, s0;
	s1 =	sor.u32 s8, s1  }
0xc: {  	s7 =	sshrl.u32 s5, $0x3;
	s25 =	sshrl.u32 s0, $0x1;
	s1 =	smul.u32 $0x500, s1  }
0xd: {  	s6 =	sadd.s32 s5, s6;
	s7 =	sadd.s32 s7, s3;
	s0 =	ssub.s32 s0, s25  }
0xe: {  	s5 =	sadd.s32 s5, s2;
	s25 =	simm.s32 $0x3;
	s6 =	sshrl.u32 s6, $0x3  }
0xf: {  	s7 =	sadd.s32 $0x2A000, s7;
	s10 =	smax.u32 s0, $0x1;
	s11 =	sshrl.u32 s5, $0x3  }
0x10: {  	s1 =	sadd.s32 s1, s3;
	s3 =	sadd.s32 s6, s3;
	[dreg:$0x3] =	wrdreg s7  }
0x11: {  	s6 =	sor.u32 $0x1C09, s26;
	s26 =	simm.s32 $0x4;
	s7 =	sadd.s32 $0x2000, s1  }
0x12: {  	s8 =	sadd.s32 $0xC000, s1;
	s9 =	sadd.s32 $0x3E000, s3;
	s1 =	simm.s32 $0x0  }
.LBB2_1:
0x13: {  	s0 =	rddreg [dreg:$0x3]  }
0x14: {  	[spmem:s11], [sflag:s6] =	dma.local [hbm:s0], $0x1400  }
0x15: {  	_ =	swait.ge [sflag:s12], $0x1400  }
0x16: {  	[sflag:s12] =	ssyncset.done $0x0  }
0x17: {  	s5 =	simm.s32 $0x0;
	[sflag:s12] =	ssyncadd.s32 $0xFFFFEC00  }
0x18: {  	[tilespmem:s5], [sflag:$0x9] =	stream.linear.gather [hbm4b:s7+s5], $0x2800, $0x38;
	[tilespmem:$0x1F000] =	vst v63  }
0x19: {  	_ =	swait.ge [sflag:s12], $0x2800  }
0x1a: {  	[sflag:s12] =	ssyncset.done $0x0  }
0x1b: {  	s3 =	simm.s32 $0x2800;
	[sflag:s12] =	ssyncadd.s32 $0xFFFFD800  }
0x1c: {  	[tilespmem:s3], [sflag:$0x9] =	stream.linear.gather [hbm4b:s8+s5], $0x2800, $0x38;
	[tilespmem:$0x1F000] =	vst v63  }
0x1d: {  	_ =	swait.ge [sflag:s12], $0x2800  }
0x1e: {  	[sflag:s12] =	ssyncset.done $0x0  }
0x1f: {  	[sflag:s12] =	ssyncadd.s32 $0xFFFFD800  }
0x20: {  	s13 =	simm.s32 $0x0;
	[bflag:$0x0] =	sbarrier.arrive $0xFFFF  }
0x21: {  	[tilespmem:s15], [sflag:$0x1] =	stream.indirect.gather [hbm4b:s4+s14], $0x40, s13, s14, $0xb8;
	[tilespmem:$0x1F000] =	vst v63  }
0x22: {  	s3 =	simm.s32 $0x80  }
0x23: {  	[tilespmem:s16], [sflag:$0x2] =	stream.indirect.gather [hbm4b:s4+s14], $0x40, s3, s14, $0xb8;
	[tilespmem:$0x1F000] =	vst v63  }
0x24: {  	s5 =	simm.s32 $0x100  }
0x25: {  	[tilespmem:s17], [sflag:$0x3] =	stream.indirect.gather [hbm4b:s4+s14], $0x40, s5, s14, $0xb8;
	[tilespmem:$0x1F000] =	vst v63  }
0x26: {  	s13 =	simm.s32 $0x180  }
0x27: {  	[tilespmem:s18], [sflag:$0x4] =	stream.indirect.gather [hbm4b:s4+s14], $0x40, s13, s14, $0xb8;
	[tilespmem:$0x1F000] =	vst v63  }
0x28: {  	s3 =	simm.s32 $0x200  }
0x29: {  	[tilespmem:s19], [sflag:$0x5] =	stream.indirect.gather [hbm4b:s4+s14], $0x40, s3, s14, $0xb8;
	[tilespmem:$0x1F000] =	vst v63  }
0x2a: {  	s5 =	simm.s32 $0x280  }
0x2b: {  	[tilespmem:s20], [sflag:$0x6] =	stream.indirect.gather [hbm4b:s4+s14], $0x40, s5, s14, $0xb8;
	[tilespmem:$0x1F000] =	vst v63  }
0x2c: {  	s13 =	simm.s32 $0x300  }
0x2d: {  	[tilespmem:s21], [sflag:$0x7] =	stream.indirect.gather [hbm4b:s4+s14], $0x40, s13, s14, $0xb8;
	[tilespmem:$0x1F000] =	vst v63  }
0x2e: {  	s3 =	simm.s32 $0x380  }
0x2f: {  	[tilespmem:s22], [sflag:$0x8] =	stream.indirect.gather [hbm4b:s4+s14], $0x40, s3, s14, $0xb8;
	[tilespmem:$0x1F000] =	vst v63  }
0x30: {  	_ =	swait.ge [sflag:s23], $0x2000  }
0x31: {  	[sflag:s23] =	ssyncset.done $0x0  }
0x32: {  	s5 =	simm.s32 $0x2800;
	[sflag:s23] =	ssyncadd.s32 $0xFFFFE000  }
0x33: {  	[spmem:s2] =	stream.indirect.scatter.add.f32 [tilespmem:s15], [sflag:$0x9], $0x40, s5, s14, $0xb8;
	[tilespmem:$0x1F000] =	vst v63  }
0x34: {  	_ =	swait.ge [sflag:s12], $0x2000  }
0x35: {  	[sflag:s12] =	ssyncset.done $0x0  }
0x36: {  	[sflag:s12] =	ssyncadd.s32 $0xFFFFE000  }
0x37: {  	_ =	swait.ge [sflag:s24], $0x2000  }
0x38: {  	[sflag:s24] =	ssyncset.done $0x0  }
0x39: {  	s13 =	simm.s32 $0x2880;
	[sflag:s24] =	ssyncadd.s32 $0xFFFFE000  }
0x3a: {  	[spmem:s2] =	stream.indirect.scatter.add.f32 [tilespmem:s16], [sflag:$0x9], $0x40, s13, s14, $0xb8;
	[tilespmem:$0x1F000] =	vst v63  }
0x3b: {  	_ =	swait.ge [sflag:s12], $0x2000  }
0x3c: {  	[sflag:s12] =	ssyncset.done $0x0  }
0x3d: {  	[sflag:s12] =	ssyncadd.s32 $0xFFFFE000  }
0x3e: {  	_ =	swait.ge [sflag:s25], $0x2000  }
0x3f: {  	[sflag:s25] =	ssyncset.done $0x0  }
0x40: {  	s3 =	simm.s32 $0x2900;
	[sflag:s25] =	ssyncadd.s32 $0xFFFFE000  }
0x41: {  	[spmem:s2] =	stream.indirect.scatter.add.f32 [tilespmem:s17], [sflag:$0x9], $0x40, s3, s14, $0xb8;
	[tilespmem:$0x1F000] =	vst v63  }
0x42: {  	_ =	swait.ge [sflag:s12], $0x2000  }
0x43: {  	[sflag:s12] =	ssyncset.done $0x0  }
0x44: {  	[sflag:s12] =	ssyncadd.s32 $0xFFFFE000  }
0x45: {  	_ =	swait.ge [sflag:s26], $0x2000  }
0x46: {  	[sflag:s26] =	ssyncset.done $0x0  }
0x47: {  	s5 =	simm.s32 $0x2980;
	[sflag:s26] =	ssyncadd.s32 $0xFFFFE000  }
0x48: {  	[spmem:s2] =	stream.indirect.scatter.add.f32 [tilespmem:s18], [sflag:$0x9], $0x40, s5, s14, $0xb8;
	[tilespmem:$0x1F000] =	vst v63  }
0x49: {  	_ =	swait.ge [sflag:s12], $0x2000  }
0x4a: {  	[sflag:s12] =	ssyncset.done $0x0  }
0x4b: {  	[sflag:s12] =	ssyncadd.s32 $0xFFFFE000  }
0x4c: {  	_ =	swait.ge [sflag:s28], $0x2000  }
0x4d: {  	[sflag:s28] =	ssyncset.done $0x0  }
0x4e: {  	s13 =	simm.s32 $0x2A00;
	[sflag:s28] =	ssyncadd.s32 $0xFFFFE000  }
0x4f: {  	[spmem:s2] =	stream.indirect.scatter.add.f32 [tilespmem:s19], [sflag:$0x9], $0x40, s13, s14, $0xb8;
	[tilespmem:$0x1F000] =	vst v63  }
0x50: {  	_ =	swait.ge [sflag:s12], $0x2000  }
0x51: {  	[sflag:s12] =	ssyncset.done $0x0  }
0x52: {  	[sflag:s12] =	ssyncadd.s32 $0xFFFFE000  }
0x53: {  	_ =	swait.ge [sflag:s29], $0x2000  }
0x54: {  	[sflag:s29] =	ssyncset.done $0x0  }
0x55: {  	s3 =	simm.s32 $0x2A80;
	[sflag:s29] =	ssyncadd.s32 $0xFFFFE000  }
0x56: {  	[spmem:s2] =	stream.indirect.scatter.add.f32 [tilespmem:s20], [sflag:$0x9], $0x40, s3, s14, $0xb8;
	[tilespmem:$0x1F000] =	vst v63  }
0x57: {  	_ =	swait.ge [sflag:s12], $0x2000  }
0x58: {  	[sflag:s12] =	ssyncset.done $0x0  }
0x59: {  	[sflag:s12] =	ssyncadd.s32 $0xFFFFE000  }
0x5a: {  	_ =	swait.ge [sflag:s30], $0x2000  }
0x5b: {  	[sflag:s30] =	ssyncset.done $0x0  }
0x5c: {  	s5 =	simm.s32 $0x2B00;
	[sflag:s30] =	ssyncadd.s32 $0xFFFFE000  }
0x5d: {  	[spmem:s2] =	stream.indirect.scatter.add.f32 [tilespmem:s21], [sflag:$0x9], $0x40, s5, s14, $0xb8;
	[tilespmem:$0x1F000] =	vst v63  }
0x5e: {  	_ =	swait.ge [sflag:s12], $0x2000  }
0x5f: {  	[sflag:s12] =	ssyncset.done $0x0  }
0x60: {  	[sflag:s12] =	ssyncadd.s32 $0xFFFFE000  }
0x61: {  	_ =	swait.ge [sflag:s31], $0x2000  }
0x62: {  	[sflag:s31] =	ssyncset.done $0x0  }
0x63: {  	s13 =	simm.s32 $0x2B80;
	[sflag:s31] =	ssyncadd.s32 $0xFFFFE000  }
0x64: {  	[spmem:s2] =	stream.indirect.scatter.add.f32 [tilespmem:s22], [sflag:$0x9], $0x40, s13, s14, $0xb8;
	[tilespmem:$0x1F000] =	vst v63  }
0x65: {  	_ =	swait.ge [sflag:s12], $0x2000  }
0x66: {  	s0 =	simm.s32 $0x1000;
	s13 =	simm.s32 $0x2000;
	[sflag:s12] =	ssyncset.done $0x0  }
.LBB2_2:
0x67: {  	s3 =	sshra.s32 s0, $0x2  }
0x68: {  	[sflag:s12] =	ssyncadd.s32 $0xFFFFE000;
	s0 =	smov.u32 s13;
	s5 =	sadd.s32 $0x1000, s13  }
0x69: {  	[tilespmem:s15], [sflag:$0x1] =	stream.indirect.gather [hbm4b:s4+s14], $0x40, s3, s14, $0xb8;
	[tilespmem:$0x1F000] =	vst v63  }
0x6a: {  	p0 =	sne.s32 s13, $0x9000;
	s13 =	sadd.s32 $0x80, s3  }
0x6b: {  	[tilespmem:s16], [sflag:$0x2] =	stream.indirect.gather [hbm4b:s4+s14], $0x40, s13, s14, $0xb8;
	[tilespmem:$0x1F000] =	vst v63  }
0x6c: {  	s13 =	sadd.s32 $0x100, s3  }
0x6d: {  	[tilespmem:s17], [sflag:$0x3] =	stream.indirect.gather [hbm4b:s4+s14], $0x40, s13, s14, $0xb8;
	[tilespmem:$0x1F000] =	vst v63  }
0x6e: {  	s13 =	sadd.s32 $0x180, s3  }
0x6f: {  	[tilespmem:s18], [sflag:$0x4] =	stream.indirect.gather [hbm4b:s4+s14], $0x40, s13, s14, $0xb8;
	[tilespmem:$0x1F000] =	vst v63  }
0x70: {  	s13 =	sadd.s32 $0x200, s3  }
0x71: {  	[tilespmem:s19], [sflag:$0x5] =	stream.indirect.gather [hbm4b:s4+s14], $0x40, s13, s14, $0xb8;
	[tilespmem:$0x1F000] =	vst v63  }
0x72: {  	s13 =	sadd.s32 $0x280, s3  }
0x73: {  	[tilespmem:s20], [sflag:$0x6] =	stream.indirect.gather [hbm4b:s4+s14], $0x40, s13, s14, $0xb8;
	[tilespmem:$0x1F000] =	vst v63  }
0x74: {  	s13 =	sadd.s32 $0x300, s3  }
0x75: {  	[tilespmem:s21], [sflag:$0x7] =	stream.indirect.gather [hbm4b:s4+s14], $0x40, s13, s14, $0xb8;
	[tilespmem:$0x1F000] =	vst v63  }
0x76: {  	s13 =	sadd.s32 $0x380, s3  }
0x77: {  	[tilespmem:s22], [sflag:$0x8] =	stream.indirect.gather [hbm4b:s4+s14], $0x40, s13, s14, $0xb8;
	[tilespmem:$0x1F000] =	vst v63  }
0x78: {  	_ =	swait.ge [sflag:s23], $0x2000  }
0x79: {  	[sflag:s23] =	ssyncset.done $0x0  }
0x7a: {  	s13 =	sadd.s32 $0x2800, s3;
	[sflag:s23] =	ssyncadd.s32 $0xFFFFE000  }
0x7b: {  	[spmem:s2] =	stream.indirect.scatter.add.f32 [tilespmem:s15], [sflag:$0x9], $0x40, s13, s14, $0xb8;
	[tilespmem:$0x1F000] =	vst v63  }
0x7c: {  	_ =	swait.ge [sflag:s12], $0x2000  }
0x7d: {  	[sflag:s12] =	ssyncset.done $0x0  }
0x7e: {  	[sflag:s12] =	ssyncadd.s32 $0xFFFFE000  }
0x7f: {  	_ =	swait.ge [sflag:s24], $0x2000  }
0x80: {  	[sflag:s24] =	ssyncset.done $0x0  }
0x81: {  	s13 =	sadd.s32 $0x2880, s3;
	[sflag:s24] =	ssyncadd.s32 $0xFFFFE000  }
0x82: {  	[spmem:s2] =	stream.indirect.scatter.add.f32 [tilespmem:s16], [sflag:$0x9], $0x40, s13, s14, $0xb8;
	[tilespmem:$0x1F000] =	vst v63  }
0x83: {  	_ =	swait.ge [sflag:s12], $0x2000  }
0x84: {  	[sflag:s12] =	ssyncset.done $0x0  }
0x85: {  	[sflag:s12] =	ssyncadd.s32 $0xFFFFE000  }
0x86: {  	_ =	swait.ge [sflag:s25], $0x2000  }
0x87: {  	[sflag:s25] =	ssyncset.done $0x0  }
0x88: {  	s13 =	sadd.s32 $0x2900, s3;
	[sflag:s25] =	ssyncadd.s32 $0xFFFFE000  }
0x89: {  	[spmem:s2] =	stream.indirect.scatter.add.f32 [tilespmem:s17], [sflag:$0x9], $0x40, s13, s14, $0xb8;
	[tilespmem:$0x1F000] =	vst v63  }
0x8a: {  	_ =	swait.ge [sflag:s12], $0x2000  }
0x8b: {  	[sflag:s12] =	ssyncset.done $0x0  }
0x8c: {  	[sflag:s12] =	ssyncadd.s32 $0xFFFFE000  }
0x8d: {  	_ =	swait.ge [sflag:s26], $0x2000  }
0x8e: {  	[sflag:s26] =	ssyncset.done $0x0  }
0x8f: {  	s13 =	sadd.s32 $0x2980, s3;
	[sflag:s26] =	ssyncadd.s32 $0xFFFFE000  }
0x90: {  	[spmem:s2] =	stream.indirect.scatter.add.f32 [tilespmem:s18], [sflag:$0x9], $0x40, s13, s14, $0xb8;
	[tilespmem:$0x1F000] =	vst v63  }
0x91: {  	_ =	swait.ge [sflag:s12], $0x2000  }
0x92: {  	[sflag:s12] =	ssyncset.done $0x0  }
0x93: {  	[sflag:s12] =	ssyncadd.s32 $0xFFFFE000  }
0x94: {  	_ =	swait.ge [sflag:s28], $0x2000  }
0x95: {  	[sflag:s28] =	ssyncset.done $0x0  }
0x96: {  	s13 =	sadd.s32 $0x2A00, s3;
	[sflag:s28] =	ssyncadd.s32 $0xFFFFE000  }
0x97: {  	[spmem:s2] =	stream.indirect.scatter.add.f32 [tilespmem:s19], [sflag:$0x9], $0x40, s13, s14, $0xb8;
	[tilespmem:$0x1F000] =	vst v63  }
0x98: {  	_ =	swait.ge [sflag:s12], $0x2000  }
0x99: {  	[sflag:s12] =	ssyncset.done $0x0  }
0x9a: {  	[sflag:s12] =	ssyncadd.s32 $0xFFFFE000  }
0x9b: {  	_ =	swait.ge [sflag:s29], $0x2000  }
0x9c: {  	[sflag:s29] =	ssyncset.done $0x0  }
0x9d: {  	s13 =	sadd.s32 $0x2A80, s3;
	[sflag:s29] =	ssyncadd.s32 $0xFFFFE000  }
0x9e: {  	[spmem:s2] =	stream.indirect.scatter.add.f32 [tilespmem:s20], [sflag:$0x9], $0x40, s13, s14, $0xb8;
	[tilespmem:$0x1F000] =	vst v63  }
0x9f: {  	_ =	swait.ge [sflag:s12], $0x2000  }
0xa0: {  	[sflag:s12] =	ssyncset.done $0x0  }
0xa1: {  	[sflag:s12] =	ssyncadd.s32 $0xFFFFE000  }
0xa2: {  	_ =	swait.ge [sflag:s30], $0x2000  }
0xa3: {  	[sflag:s30] =	ssyncset.done $0x0  }
0xa4: {  	s13 =	sadd.s32 $0x2B00, s3;
	[sflag:s30] =	ssyncadd.s32 $0xFFFFE000  }
0xa5: {  	[spmem:s2] =	stream.indirect.scatter.add.f32 [tilespmem:s21], [sflag:$0x9], $0x40, s13, s14, $0xb8;
	[tilespmem:$0x1F000] =	vst v63  }
0xa6: {  	_ =	swait.ge [sflag:s12], $0x2000  }
0xa7: {  	[sflag:s12] =	ssyncset.done $0x0  }
0xa8: {  	[sflag:s12] =	ssyncadd.s32 $0xFFFFE000  }
0xa9: {  	_ =	swait.ge [sflag:s31], $0x2000  }
.Ltmp0:
0xaa: {  	[sflag:s31] =	ssyncset.done $0x0;
	(pc) =	sbr.rel @p0 .LBB2_2-.Ltmp0, $4  }
0xab: {  	s3 =	sadd.s32 $0x2B80, s3;
	[sflag:s31] =	ssyncadd.s32 $0xFFFFE000  }
0xac: {  	[spmem:s2] =	stream.indirect.scatter.add.f32 [tilespmem:s22], [sflag:$0x9], $0x40, s3, s14, $0xb8;
	[tilespmem:$0x1F000] =	vst v63  }
0xad: {  	_ =	swait.ge [sflag:s12], $0x2000  }
0xae: {  	s13 =	smov.u32 s5;
	[sflag:s12] =	ssyncset.done $0x0  }
0xaf: {  	s0 =	sshra.s32 s0, $0x2;
	[sflag:s12] =	ssyncadd.s32 $0xFFFFE000  }
0xb0: {  	[tilespmem:s15], [sflag:$0x1] =	stream.indirect.gather [hbm4b:s4+s14], $0x40, s0, s14, $0xb8;
	[tilespmem:$0x1F000] =	vst v63  }
0xb1: {  	s3 =	sadd.s32 $0x80, s0  }
0xb2: {  	[tilespmem:s16], [sflag:$0x2] =	stream.indirect.gather [hbm4b:s4+s14], $0x40, s3, s14, $0xb8;
	[tilespmem:$0x1F000] =	vst v63  }
0xb3: {  	s13 =	sadd.s32 $0x100, s0  }
0xb4: {  	[tilespmem:s17], [sflag:$0x3] =	stream.indirect.gather [hbm4b:s4+s14], $0x40, s13, s14, $0xb8;
	[tilespmem:$0x1F000] =	vst v63  }
0xb5: {  	s5 =	sadd.s32 $0x180, s0  }
0xb6: {  	[tilespmem:s18], [sflag:$0x4] =	stream.indirect.gather [hbm4b:s4+s14], $0x40, s5, s14, $0xb8;
	[tilespmem:$0x1F000] =	vst v63  }
0xb7: {  	s13 =	sadd.s32 $0x200, s0  }
0xb8: {  	[tilespmem:s19], [sflag:$0x5] =	stream.indirect.gather [hbm4b:s4+s14], $0x40, s13, s14, $0xb8;
	[tilespmem:$0x1F000] =	vst v63  }
0xb9: {  	s5 =	sadd.s32 $0x280, s0  }
0xba: {  	[tilespmem:s20], [sflag:$0x6] =	stream.indirect.gather [hbm4b:s4+s14], $0x40, s5, s14, $0xb8;
	[tilespmem:$0x1F000] =	vst v63  }
0xbb: {  	s13 =	sadd.s32 $0x300, s0  }
0xbc: {  	[tilespmem:s21], [sflag:$0x7] =	stream.indirect.gather [hbm4b:s4+s14], $0x40, s13, s14, $0xb8;
	[tilespmem:$0x1F000] =	vst v63  }
0xbd: {  	s5 =	sadd.s32 $0x380, s0  }
0xbe: {  	[tilespmem:s22], [sflag:$0x8] =	stream.indirect.gather [hbm4b:s4+s14], $0x40, s5, s14, $0xb8;
	[tilespmem:$0x1F000] =	vst v63  }
0xbf: {  	_ =	swait.ge [sflag:s23], $0x2000  }
0xc0: {  	[sflag:s23] =	ssyncset.done $0x0  }
0xc1: {  	s13 =	sadd.s32 $0x2800, s0;
	[sflag:s23] =	ssyncadd.s32 $0xFFFFE000  }
0xc2: {  	[spmem:s2] =	stream.indirect.scatter.add.f32 [tilespmem:s15], [sflag:$0x9], $0x40, s13, s14, $0xb8;
	[tilespmem:$0x1F000] =	vst v63  }
0xc3: {  	_ =	swait.ge [sflag:s12], $0x2000  }
0xc4: {  	[sflag:s12] =	ssyncset.done $0x0  }
0xc5: {  	[sflag:s12] =	ssyncadd.s32 $0xFFFFE000  }
0xc6: {  	_ =	swait.ge [sflag:s24], $0x2000  }
0xc7: {  	[sflag:s24] =	ssyncset.done $0x0  }
0xc8: {  	s5 =	sadd.s32 $0x2880, s0;
	[sflag:s24] =	ssyncadd.s32 $0xFFFFE000  }
0xc9: {  	[spmem:s2] =	stream.indirect.scatter.add.f32 [tilespmem:s16], [sflag:$0x9], $0x40, s5, s14, $0xb8;
	[tilespmem:$0x1F000] =	vst v63  }
0xca: {  	_ =	swait.ge [sflag:s12], $0x2000  }
0xcb: {  	[sflag:s12] =	ssyncset.done $0x0  }
0xcc: {  	[sflag:s12] =	ssyncadd.s32 $0xFFFFE000  }
0xcd: {  	_ =	swait.ge [sflag:s25], $0x2000  }
0xce: {  	[sflag:s25] =	ssyncset.done $0x0  }
0xcf: {  	s13 =	sadd.s32 $0x2900, s0;
	[sflag:s25] =	ssyncadd.s32 $0xFFFFE000  }
0xd0: {  	[spmem:s2] =	stream.indirect.scatter.add.f32 [tilespmem:s17], [sflag:$0x9], $0x40, s13, s14, $0xb8;
	[tilespmem:$0x1F000] =	vst v63  }
0xd1: {  	_ =	swait.ge [sflag:s12], $0x2000  }
0xd2: {  	[sflag:s12] =	ssyncset.done $0x0  }
0xd3: {  	[sflag:s12] =	ssyncadd.s32 $0xFFFFE000  }
0xd4: {  	_ =	swait.ge [sflag:s26], $0x2000  }
0xd5: {  	[sflag:s26] =	ssyncset.done $0x0  }
0xd6: {  	s5 =	sadd.s32 $0x2980, s0;
	[sflag:s26] =	ssyncadd.s32 $0xFFFFE000  }
0xd7: {  	[spmem:s2] =	stream.indirect.scatter.add.f32 [tilespmem:s18], [sflag:$0x9], $0x40, s5, s14, $0xb8;
	[tilespmem:$0x1F000] =	vst v63  }
0xd8: {  	_ =	swait.ge [sflag:s12], $0x2000  }
0xd9: {  	[sflag:s12] =	ssyncset.done $0x0  }
0xda: {  	[sflag:s12] =	ssyncadd.s32 $0xFFFFE000  }
0xdb: {  	_ =	swait.ge [sflag:s28], $0x2000  }
0xdc: {  	[sflag:s28] =	ssyncset.done $0x0  }
0xdd: {  	s13 =	sadd.s32 $0x2A00, s0;
	[sflag:s28] =	ssyncadd.s32 $0xFFFFE000  }
0xde: {  	[spmem:s2] =	stream.indirect.scatter.add.f32 [tilespmem:s19], [sflag:$0x9], $0x40, s13, s14, $0xb8;
	[tilespmem:$0x1F000] =	vst v63  }
0xdf: {  	_ =	swait.ge [sflag:s12], $0x2000  }
0xe0: {  	[sflag:s12] =	ssyncset.done $0x0  }
0xe1: {  	[sflag:s12] =	ssyncadd.s32 $0xFFFFE000  }
0xe2: {  	_ =	swait.ge [sflag:s29], $0x2000  }
0xe3: {  	[sflag:s29] =	ssyncset.done $0x0  }
0xe4: {  	s5 =	sadd.s32 $0x2A80, s0;
	[sflag:s29] =	ssyncadd.s32 $0xFFFFE000  }
0xe5: {  	[spmem:s2] =	stream.indirect.scatter.add.f32 [tilespmem:s20], [sflag:$0x9], $0x40, s5, s14, $0xb8;
	[tilespmem:$0x1F000] =	vst v63  }
0xe6: {  	_ =	swait.ge [sflag:s12], $0x2000  }
0xe7: {  	[sflag:s12] =	ssyncset.done $0x0  }
0xe8: {  	[sflag:s12] =	ssyncadd.s32 $0xFFFFE000  }
0xe9: {  	_ =	swait.ge [sflag:s30], $0x2000  }
0xea: {  	[sflag:s30] =	ssyncset.done $0x0  }
0xeb: {  	s13 =	sadd.s32 $0x2B00, s0;
	[sflag:s30] =	ssyncadd.s32 $0xFFFFE000  }
0xec: {  	[spmem:s2] =	stream.indirect.scatter.add.f32 [tilespmem:s21], [sflag:$0x9], $0x40, s13, s14, $0xb8;
	[tilespmem:$0x1F000] =	vst v63  }
0xed: {  	_ =	swait.ge [sflag:s12], $0x2000  }
0xee: {  	[sflag:s12] =	ssyncset.done $0x0  }
0xef: {  	[sflag:s12] =	ssyncadd.s32 $0xFFFFE000  }
0xf0: {  	_ =	swait.ge [sflag:s31], $0x2000  }
0xf1: {  	[sflag:s31] =	ssyncset.done $0x0  }
0xf2: {  	s0 =	sadd.s32 $0x2B80, s0;
	[sflag:s31] =	ssyncadd.s32 $0xFFFFE000  }
0xf3: {  	[spmem:s2] =	stream.indirect.scatter.add.f32 [tilespmem:s22], [sflag:$0x9], $0x40, s0, s14, $0xb8;
	[tilespmem:$0x1F000] =	vst v63  }
0xf4: {  	_ =	swait.ge [sflag:s12], $0x2000  }
0xf5: {  	s1 =	sadd.s32 $0x1, s1;
	[sflag:s12] =	ssyncset.done $0x0  }
0xf6: {  	p0 =	sne.s32 s1, s10;
	[sflag:s12] =	ssyncadd.s32 $0xFFFFE000  }
.Ltmp1:
0xf7: {  	[bflag:$0x0] =	sbarrier.arrive $0xFFFF;
	(pc) =	sbr.rel @p0 .LBB2_1-.Ltmp1, $4  }
0xf8: {  	[hbm:s9], [sflag:s6] =	dma.local [spmem:s11], $0x1400  }
0xf9: {  	_ =	swait.ge [sflag:s12], $0x1400  }
0xfa: {  	[sflag:s12] =	ssyncset.done $0x0  }
0xfb: {  	[sflag:s12] =	ssyncadd.s32 $0xFFFFEC00  }
0xfc: {  	_ =	sfence.sel $0x180000  }
0xfd: {  	[bflag:$0x0] =	sbarrier.arrive $0xFFFF  }
0xfe: {  	_ =	strace $0x9000004A  }
0xff: {  	s0 =	stileid.u32;
	[bflag:$0x2] =	sbarrier.arrive $0xFFFF  }
0x100: {  	p0 =	sne.s32 s0, $0x0;
	s0 =	rddreg [dreg:$0x2]  }
0x101: {  	s0 =	sadd.s32 @!p0 $0x100000, s0  }
0x102: {  	[sflag:s0] =	ssyncadd.tile.s32 @!p0 $0x1;
	_ =	shalt  }
.Lfunc_end2:
_tile_overlayer_lowered:
.L_overlay_start_2:
0x103: {  	(tag) =	ssettag $0x2  }
0x104: {  	s0 =	rddreg [dreg:$0x0];
	s2 =	stileid.u32  }
0x105: {  	s1 =	rddreg [dreg:$0x1];
	p0 =	sne.s32 s2, $0x0  }
0x106: {  	s3 =	rddreg [dreg:$0x2];
	[bflag:$0x3] =	sbarrier.arrive $0xFFFF;
	s2 =	simm.s32 @!p0 $0x1C09  }
0x107: {  	[timem:s3], [sflag:s2] =	dma.local @!p0 [hbm:s0], s1  }
0x108: {  	s0 =	simm.s32 @!p0 $0x9  }
0x109: {  	_ =	swait.ge @!p0 [sflag:s0], s1  }
0x10a: {  	s1 =	ssub.s32 @!p0 $0x0, s1;
	[sflag:s0] =	ssyncset.done @!p0 $0x0  }
0x10b: {  	[sflag:s0] =	ssyncadd.s32 @!p0 s1  }
0x10c: {  	[bflag:$0x3] =	sbarrier.arrive $0xFFFF  }
0x10d: {  	_ =	shalt  }

// kernel: kernel.14.cloned.1.call-start
scs
__scs_entry_jumppad:
0x0: {  	(pc) =	sbr.rel $0x88, $3  }
0x1: {  	(tag) =	ssettag $0x0;
	lr =	simm.s32 $0x1  }
0x2: {  	[smem:$0x3F98] =	sst lr;
	_ =	strace $0xD0000000  }
0x3: {  	_ = 	snop  }
0x4: {  	_ = 	snop  }
0x5: {  	_ = 	snop  }
0x6: {  	_ = 	snop  }
0x7: {  	_ = 	snop  }
__scs_overlays_trampoline_lowered:
0x8: {  	[smem:$0x3FA7] =	sst s0  }
0x9: {  	[smem:$0x3FA8] =	sst s1  }
0xa: {  	[smem:$0x3FA9] =	sst s2  }
0xb: {  	[smem:$0x3FAA] =	sst s3  }
0xc: {  	[smem:$0x3FAB] =	sst s4  }
0xd: {  	[smem:$0x3FAC] =	sst s5  }
0xe: {  	[smem:$0x3FAD] =	sst s6  }
0xf: {  	[smem:$0x3FAE] =	sst s7  }
0x10: {  	[smem:$0x3FAF] =	sst s8  }
0x11: {  	[smem:$0x3FB0] =	sst s9;
	s0 =	simm.s32 @!p0 $0x0  }
0x12: {  	s1 =	sld [smem:$0x3F96];
	s0 =	simm.s32 @p0 $0x1  }
0x13: {  	[smem:$0x3FB1] =	sst s0;
	s0 =	simm.s32 @!p1 $0x0  }
0x14: {  	s2 =	sld [smem:$0x3F95];
	s0 =	simm.s32 @p1 $0x1  }
0x15: {  	[smem:$0x3FB2] =	sst s0;
	s0 =	simm.s32 @!p2 $0x0  }
0x16: {  	s3 =	sld [smem:$0x3FDB];
	s0 =	simm.s32 @p2 $0x1  }
0x17: {  	s4 =	simm.s32 $0x1BF5;
	[smem:$0x3FB4] =	sst s0  }
0x18: {  	s0 =	sld [smem:$0x3F97];
	_ =	swait.ge [sflag:s4], $0x0  }
0x19: {  	s7 =	sld [smem:$0x3F98]  }
0x1a: {  	s8 =	sadd.s32 $0xFFFFE003, lr  }
0x1b: {  	s9 =	sadd.s32 $0xFFFFFEF7, lr;
	s5 =	simm.s32 $0xFFFFFFFF;
	p2 =	slt.u32 s8, $0xFFFFF086  }
0x1c: {  	p1 =	slt.u32 s9, $0xF7A;
	s5 =	simm.s32 @!p2 $0x0  }
0x1d: {  	s5 =	simm.s32 @p1 $0x1;
	p0 =	seq.s32 s7, s2  }
0x1e: {  	s7 =	smul.u32 @!p0 $0xF7A, s2;
	p2 =	seq.s32 @!p0 s5, $0x0  }
0x1f: {  	s9 =	smul.u32 $0xF7A, s1;
	s8 =	simm.s32 @!p0 $0x1BF5;
	p2 =	por !p2, p0  }
0x20: {  	[sflag:s8] =	ssyncset.s32 @!p0 $0xFFFFF086;
	s6 =	sadd.s32 @!p0 s3, s7;
	s7 =	simm.s32 @!p0 $0x108  }
0x21: {  	s3 =	sadd.s32 s3, s9;
	s6 =	sadd.s32 @!p0 $0x88, s6;
	s7 =	simm.s32 @p2 $0x1082  }
0x22: {  	[simem:s7], [sflag:s8] =	dma.local @!p0 [hbm:s6], $0xF7A  }
0x23: {  	s9 =	sor.u32 $0xD0000000, s2;
	s6 =	simm.s32 $0x108;
	_ =	swait.ge @!p0 [sflag:s8], $0x0  }
0x24: {  	s3 =	sadd.s32 $0x88, s3;
	s6 =	simm.s32 @!p1 $0x1082;
	[sflag:s4] =	ssyncset.s32 $0xFFFFF086  }
0x25: {  	[simem:s6], [sflag:s4] =	dma.local [hbm:s3], $0xF7A  }
0x26: {  	[smem:$0x3F98] =	sst s1;
	(tag) =	ssettag s2;
	_ =	strace s9  }
0x27: {  	s1 =	sld [smem:$0x3FA8]  }
0x28: {  	s2 =	sld [smem:$0x3FA9]  }
0x29: {  	s4 =	sld [smem:$0x3FAB]  }
0x2a: {  	p0 =	seq.s32 s5, $0x0;
	s5 =	sld [smem:$0x3FAC]  }
0x2b: {  	s6 =	sld [smem:$0x3FAD]  }
0x2c: {  	s7 =	sld [smem:$0x3FAE]  }
0x2d: {  	s3 =	simm.s32 $0x108;
	s8 =	sld [smem:$0x3FAF]  }
0x2e: {  	s3 =	simm.s32 @!p0 $0x1082;
	s9 =	sld [smem:$0x3FB0]  }
0x2f: {  	lr =	sadd.s32 s0, s3;
	s0 =	sld [smem:$0x3FA7]  }
0x30: {  	s3 =	sld [smem:$0x3FAA]  }
0x31: {  	[smem:$0x3FB3] =	sst s10  }
0x32: {  	s10 =	sld [smem:$0x3FB1];
	_ =	sdelay $0x3  }
0x33: {  	p0 =	seq.s32 s10, $0x1;
	s10 =	sld [smem:$0x3FB3];
	_ =	sdelay $0x3  }
0x34: {  	[smem:$0x3FB3] =	sst s10  }
0x35: {  	s10 =	sld [smem:$0x3FB2];
	_ =	sdelay $0x3  }
0x36: {  	p1 =	seq.s32 s10, $0x1;
	s10 =	sld [smem:$0x3FB3];
	_ =	sdelay $0x3  }
0x37: {  	[smem:$0x3FB3] =	sst s10  }
0x38: {  	s10 =	sld [smem:$0x3FB4]  }
0x39: {  	_ = 	snop;
	(pc) =	sbr.ind lr, $3  }
0x3a: {  	_ = 	snop  }
0x3b: {  	_ = 	snop  }
0x3c: {  	p2 =	seq.s32 s10, $0x1;
	s10 =	sld [smem:$0x3FB3]  }
0x3d: {  	_ =	shalt  }
0x3e: {  	_ =	shalt  }
0x3f: {  	_ =	shalt  }
0x40: {  	_ =	shalt  }
0x41: {  	_ =	shalt  }
0x42: {  	_ =	shalt  }
0x43: {  	_ =	shalt  }
0x44: {  	_ =	shalt  }
0x45: {  	_ =	shalt  }
0x46: {  	_ =	shalt  }
0x47: {  	_ =	shalt  }
0x48: {  	_ =	shalt  }
0x49: {  	_ =	shalt  }
0x4a: {  	_ =	shalt  }
0x4b: {  	_ =	shalt  }
0x4c: {  	_ =	shalt  }
0x4d: {  	_ =	shalt  }
0x4e: {  	_ =	shalt  }
0x4f: {  	_ =	shalt  }
0x50: {  	_ =	shalt  }
0x51: {  	_ =	shalt  }
0x52: {  	_ =	shalt  }
0x53: {  	_ =	shalt  }
0x54: {  	_ =	shalt  }
0x55: {  	_ =	shalt  }
0x56: {  	_ =	shalt  }
0x57: {  	_ =	shalt  }
0x58: {  	_ =	shalt  }
0x59: {  	_ =	shalt  }
0x5a: {  	_ =	shalt  }
0x5b: {  	_ =	shalt  }
0x5c: {  	_ =	shalt  }
0x5d: {  	_ =	shalt  }
0x5e: {  	_ =	shalt  }
0x5f: {  	_ =	shalt  }
0x60: {  	_ =	shalt  }
0x61: {  	_ =	shalt  }
0x62: {  	_ =	shalt  }
0x63: {  	_ =	shalt  }
0x64: {  	_ =	shalt  }
0x65: {  	_ =	shalt  }
0x66: {  	_ =	shalt  }
0x67: {  	_ =	shalt  }
0x68: {  	_ =	shalt  }
0x69: {  	_ =	shalt  }
0x6a: {  	_ =	shalt  }
0x6b: {  	_ =	shalt  }
0x6c: {  	_ =	shalt  }
0x6d: {  	_ =	shalt  }
0x6e: {  	_ =	shalt  }
0x6f: {  	_ =	shalt  }
0x70: {  	_ =	shalt  }
0x71: {  	_ =	shalt  }
0x72: {  	_ =	shalt  }
0x73: {  	_ =	shalt  }
0x74: {  	_ =	shalt  }
0x75: {  	_ =	shalt  }
0x76: {  	_ =	shalt  }
0x77: {  	_ =	shalt  }
0x78: {  	_ =	shalt  }
0x79: {  	_ =	shalt  }
0x7a: {  	_ =	shalt  }
0x7b: {  	_ =	shalt  }
0x7c: {  	_ =	shalt  }
0x7d: {  	_ =	shalt  }
0x7e: {  	_ =	shalt  }
0x7f: {  	_ =	shalt  }
0x80: {  	_ =	shalt  }
0x81: {  	_ =	shalt  }
0x82: {  	_ =	shalt  }
0x83: {  	_ =	shalt  }
0x84: {  	_ =	shalt  }
0x85: {  	_ =	shalt  }
0x86: {  	_ =	shalt  }
0x87: {  	_ =	shalt  }
.Lfunc_end0:
.L_simem_size_0:
called_computation.2_lowered:
.L_overlay_start_0:
0x88: {  	s2 =	sld [smem:$0x3FD9]  }
0x89: {  	s3 =	sld [smem:$0x3FFE];
	_ =	sdelay $0x1  }
0x8a: {  	s1 =	srdreg.scid  }
0x8b: {  	s0 =	sand.u32 $0x1, s1  }
0x8c: {  	s16 =	sshll.u32 s0, $0xA;
	s2 =	sadd.s32 s3, s2  }
0x8d: {  	s2 =	sadd.s32 s2, s16  }
0x8e: {  	[smem:$0x3FBF] =	sst s2  }
0x8f: {  	_ = 	snop  }
0x90: {  	(tm) =	ssettm $0x1  }
0x91: {  	s17 =	sld [smem:$0x3FFB];
	_ =	sdelay $0x3  }
0x92: {  	_ =	strace s17  }
0x93: {  	s2 =	sld [smem:$0x3FFC];
	_ =	sdelay $0x3  }
0x94: {  	_ =	strace s2  }
0x95: {  	s2 =	sld [smem:$0x3FFD];
	_ =	sdelay $0x3  }
0x96: {  	_ =	strace s2  }
0x97: {  	_ =	strace $0x8FFFFFFF  }
0x98: {  	s18 =	sld [smem:$0x3FDB];
	_ =	sdelay $0x1  }
0x99: {  	s19 =	simm.s32 $_scs_section_size  }
0x9a: {  	s4 =	simm.s32 $_size__tile_overlayer_lowered;
	s5 =	simm.s32 $_tile_overlayer_lowered  }
0x9b: {  	s22 =	simm.s32 $0x1BFF;
	s21 =	sshll.u32 s5, $0x1;
	s2 =	sadd.s32 s19, s18  }
0x9c: {  	s6 =	simm.s32 $0x0;
	s20 =	sshll.u32 s4, $0x1;
	s4 =	sadd.s32 s21, s2  }
0x9d: {  	[timem:s6], [sflag:s22] =	dma.local [hbm:s4], s20  }
0x9e: {  	_ =	swait.ge [sflag:s22], s20  }
0x9f: {  	s3 =	ssub.s32 $0x0, s20;
	[sflag:s22] =	ssyncset.done $0x0  }
0xa0: {  	[sflag:s22] =	ssyncadd.s32 s3;
	_ =	sdelay $0x1  }
0xa1: {  	s23 =	simm.s32 $0x1B8B  }
0xa2: {  	_ =	swait.ge [sflag:s23], $0x1  }
0xa3: {  	[sflag:s23] =	ssyncset.done $0x0  }
0xa4: {  	s25 =	simm.s32 $0x1B8E;
	s24 =	sld [smem:$0x3FFE];
	[sflag:s23] =	ssyncadd.s32 $0xFFFFFFFF  }
0xa5: {  	s26 =	simm.s32 $execute0_lowered;
	[smem:$0x3FD2] =	sst s25  }
0xa6: {  	s4 =	sshll.u32 s26, $0x1;
	_ =	strace $0x8000004C;
	[dreg:$0x1] =	wrdreg $0xFFFFFFFF  }
0xa7: {  	s28 =	simm.s32 $_size_execute0_lowered;
	s2 =	sadd.s32 s2, s4;
	[dreg:$0x0] =	wrdreg $0x0  }
0xa8: {  	s4 =	sshll.u32 s28, $0x1;
	[dreg:$0x2] =	wrdreg s2  }
0xa9: {  	[dreg:$0x3] =	wrdreg s4  }
0xaa: {  	[dreg:$0x4] =	wrdreg $0xC0  }
0xab: {  	_ =	task [dreg:s6], $0x5FFFF  }
0xac: {  	[dreg:$0x1] =	wrdreg $0xFFFFFFFF  }
0xad: {  	[dreg:$0x0] =	wrdreg $0x60  }
0xae: {  	[dreg:$0x2] =	wrdreg s24  }
0xaf: {  	[dreg:$0x3] =	wrdreg $0x150000  }
0xb0: {  	[dreg:$0x4] =	wrdreg $0x9  }
0xb1: {  	_ =	task.clear_ibuf [dreg:s6], $0x5FFFF;
	_ =	strace $0x9000004C  }
0xb2: {  	s29 =	simm.s32 $0x9;
	_ =	strace $0x8000004E  }
0xb3: {  	_ =	swait.ge [sflag:s29], $0x1  }
0xb4: {  	[sflag:s29] =	ssyncadd.s32 $0xFFFFFFFF  }
0xb5: {  	_ =	strace $0x9000004E  }
0xb6: {  	_ =	sfence  }
0xb7: {  	s30 =	sld [smem:$0x0];
	_ =	sdelay $0x2  }
0xb8: {  	s31 =	sshll.u32 s1, $0xD;
	s1 =	sshrl.u32 s1, $0x2  }
0xb9: {  	s3 =	sand.u32 $0x4000, s31;
	s1 =	sadd.s32 s1, s30  }
0xba: {  	s0 =	sor.u32 s3, s0;
	s1 =	sshll.u32 s1, $0x11  }
0xbb: {  	s0 =	sor.u32 s1, s0  }
0xbc: {  	s0 =	sadd.s32 $0x8F2B, s0  }
0xbd: {  	[sflag:s0] =	ssyncadd.remote.s32 $0x1  }
0xbe: {  	_ =	sfence.sel $0xFFFF  }
0xbf: {  	[dreg:$0x0] =	wrdreg $0xFFFFFFFF;
	(pc) =	sbr.abs _section_cstart, $3  }
0xc0: {  	[dreg:$0x1] =	wrdreg $0xFFFFFFFF  }
0xc1: {  	_ =	task.clear_ibuf [dreg:s6], $0x2FFFF;
	_ =	strace $0x9FFFFFFF  }
0xc2: {  	(tm) =	ssettm $0x7FFFFFFF  }
0xc3: {  	_ =	shalt  }
tec
execute0_lowered:
.L_overlay_start_1:
0x0: {  	(tag) =	ssettag $0x1  }
0x1: {  	s0 =	srdreg.scid;
	s3 =	rddreg [dreg:$0x0]  }
0x2: {  	s8 =	stileid.u32;
	s2 =	rddreg [dreg:$0x1]  }
0x3: {  	s4 =	simm.s32 $0x0;
	s12 =	simm.s32 $0x9;
	s14 =	simm.s32 $0x80  }
0x4: {  	s15 =	simm.s32 $0x5000;
	s16 =	simm.s32 $0x7000;
	s17 =	simm.s32 $0x9000  }
0x5: {  	s18 =	simm.s32 $0xB000;
	s19 =	simm.s32 $0xD000;
	s20 =	simm.s32 $0xF000  }
0x6: {  	s21 =	simm.s32 $0x11000;
	s22 =	simm.s32 $0x13000;
	s23 =	simm.s32 $0x1  }
0x7: {  	s24 =	simm.s32 $0x2;
	s28 =	simm.s32 $0x5;
	s29 =	simm.s32 $0x6  }
0x8: {  	s30 =	simm.s32 $0x7;
	s31 =	simm.s32 $0x8;
	s0 =	sand.u32 $0x1, s0  }
0x9: {  	s5 =	smul.u32 $0xA000, s8;
	[smem:$0x7FF] =	sst s4;
	s4 =	sadd.s32 $0x16000, s3  }
0xa: {  	s26 =	sshll.u32 s8, $0x6;
	s1 =	sshll.u32 s0, $0x4;
	s6 =	smul.u32 $0xA0000, s0  }
0xb: {  	_ =	strace $0x8000004D;
	s0 =	ssub.s32 $0x2, s0;
	s1 =	sor.u32 s8, s1  }
0xc: {  	s7 =	sshrl.u32 s5, $0x3;
	s25 =	sshrl.u32 s0, $0x1;
	s1 =	smul.u32 $0x500, s1  }
0xd: {  	s6 =	sadd.s32 s5, s6;
	s7 =	sadd.s32 s7, s3;
	s0 =	ssub.s32 s0, s25  }
0xe: {  	s5 =	sadd.s32 s5, s2;
	s25 =	simm.s32 $0x3;
	s6 =	sshrl.u32 s6, $0x3  }
0xf: {  	s7 =	sadd.s32 $0x2A000, s7;
	s10 =	smax.u32 s0, $0x1;
	s11 =	sshrl.u32 s5, $0x3  }
0x10: {  	s1 =	sadd.s32 s1, s3;
	s3 =	sadd.s32 s6, s3;
	[dreg:$0x3] =	wrdreg s7  }
0x11: {  	s6 =	sor.u32 $0x1C09, s26;
	s26 =	simm.s32 $0x4;
	s7 =	sadd.s32 $0x2000, s1  }
0x12: {  	s8 =	sadd.s32 $0xC000, s1;
	s9 =	sadd.s32 $0x3E000, s3;
	s1 =	simm.s32 $0x0  }
.LBB2_1:
0x13: {  	s0 =	rddreg [dreg:$0x3]  }
0x14: {  	[spmem:s11], [sflag:s6] =	dma.local [hbm:s0], $0x1400  }
0x15: {  	_ =	swait.ge [sflag:s12], $0x1400  }
0x16: {  	[sflag:s12] =	ssyncset.done $0x0  }
0x17: {  	s5 =	simm.s32 $0x0;
	[sflag:s12] =	ssyncadd.s32 $0xFFFFEC00  }
0x18: {  	[tilespmem:s5], [sflag:$0x9] =	stream.linear.gather [hbm4b:s7+s5], $0x2800, $0x38;
	[tilespmem:$0x1F000] =	vst v63  }
0x19: {  	_ =	swait.ge [sflag:s12], $0x2800  }
0x1a: {  	[sflag:s12] =	ssyncset.done $0x0  }
0x1b: {  	s3 =	simm.s32 $0x2800;
	[sflag:s12] =	ssyncadd.s32 $0xFFFFD800  }
0x1c: {  	[tilespmem:s3], [sflag:$0x9] =	stream.linear.gather [hbm4b:s8+s5], $0x2800, $0x38;
	[tilespmem:$0x1F000] =	vst v63  }
0x1d: {  	_ =	swait.ge [sflag:s12], $0x2800  }
0x1e: {  	[sflag:s12] =	ssyncset.done $0x0  }
0x1f: {  	[sflag:s12] =	ssyncadd.s32 $0xFFFFD800  }
0x20: {  	s13 =	simm.s32 $0x0;
	[bflag:$0x0] =	sbarrier.arrive $0xFFFF  }
0x21: {  	[tilespmem:s15], [sflag:$0x1] =	stream.indirect.gather [hbm4b:s4+s14], $0x40, s13, s14, $0xb8;
	[tilespmem:$0x1F000] =	vst v63  }
0x22: {  	s3 =	simm.s32 $0x80  }
0x23: {  	[tilespmem:s16], [sflag:$0x2] =	stream.indirect.gather [hbm4b:s4+s14], $0x40, s3, s14, $0xb8;
	[tilespmem:$0x1F000] =	vst v63  }
0x24: {  	s5 =	simm.s32 $0x100  }
0x25: {  	[tilespmem:s17], [sflag:$0x3] =	stream.indirect.gather [hbm4b:s4+s14], $0x40, s5, s14, $0xb8;
	[tilespmem:$0x1F000] =	vst v63  }
0x26: {  	s13 =	simm.s32 $0x180  }
0x27: {  	[tilespmem:s18], [sflag:$0x4] =	stream.indirect.gather [hbm4b:s4+s14], $0x40, s13, s14, $0xb8;
	[tilespmem:$0x1F000] =	vst v63  }
0x28: {  	s3 =	simm.s32 $0x200  }
0x29: {  	[tilespmem:s19], [sflag:$0x5] =	stream.indirect.gather [hbm4b:s4+s14], $0x40, s3, s14, $0xb8;
	[tilespmem:$0x1F000] =	vst v63  }
0x2a: {  	s5 =	simm.s32 $0x280  }
0x2b: {  	[tilespmem:s20], [sflag:$0x6] =	stream.indirect.gather [hbm4b:s4+s14], $0x40, s5, s14, $0xb8;
	[tilespmem:$0x1F000] =	vst v63  }
0x2c: {  	s13 =	simm.s32 $0x300  }
0x2d: {  	[tilespmem:s21], [sflag:$0x7] =	stream.indirect.gather [hbm4b:s4+s14], $0x40, s13, s14, $0xb8;
	[tilespmem:$0x1F000] =	vst v63  }
0x2e: {  	s3 =	simm.s32 $0x380  }
0x2f: {  	[tilespmem:s22], [sflag:$0x8] =	stream.indirect.gather [hbm4b:s4+s14], $0x40, s3, s14, $0xb8;
	[tilespmem:$0x1F000] =	vst v63  }
0x30: {  	_ =	swait.ge [sflag:s23], $0x2000  }
0x31: {  	[sflag:s23] =	ssyncset.done $0x0  }
0x32: {  	s5 =	simm.s32 $0x2800;
	[sflag:s23] =	ssyncadd.s32 $0xFFFFE000  }
0x33: {  	[spmem:s2] =	stream.indirect.scatter.add.f32 [tilespmem:s15], [sflag:$0x9], $0x40, s5, s14, $0xb8;
	[tilespmem:$0x1F000] =	vst v63  }
0x34: {  	_ =	swait.ge [sflag:s12], $0x2000  }
0x35: {  	[sflag:s12] =	ssyncset.done $0x0  }
0x36: {  	[sflag:s12] =	ssyncadd.s32 $0xFFFFE000  }
0x37: {  	_ =	swait.ge [sflag:s24], $0x2000  }
0x38: {  	[sflag:s24] =	ssyncset.done $0x0  }
0x39: {  	s13 =	simm.s32 $0x2880;
	[sflag:s24] =	ssyncadd.s32 $0xFFFFE000  }
0x3a: {  	[spmem:s2] =	stream.indirect.scatter.add.f32 [tilespmem:s16], [sflag:$0x9], $0x40, s13, s14, $0xb8;
	[tilespmem:$0x1F000] =	vst v63  }
0x3b: {  	_ =	swait.ge [sflag:s12], $0x2000  }
0x3c: {  	[sflag:s12] =	ssyncset.done $0x0  }
0x3d: {  	[sflag:s12] =	ssyncadd.s32 $0xFFFFE000  }
0x3e: {  	_ =	swait.ge [sflag:s25], $0x2000  }
0x3f: {  	[sflag:s25] =	ssyncset.done $0x0  }
0x40: {  	s3 =	simm.s32 $0x2900;
	[sflag:s25] =	ssyncadd.s32 $0xFFFFE000  }
0x41: {  	[spmem:s2] =	stream.indirect.scatter.add.f32 [tilespmem:s17], [sflag:$0x9], $0x40, s3, s14, $0xb8;
	[tilespmem:$0x1F000] =	vst v63  }
0x42: {  	_ =	swait.ge [sflag:s12], $0x2000  }
0x43: {  	[sflag:s12] =	ssyncset.done $0x0  }
0x44: {  	[sflag:s12] =	ssyncadd.s32 $0xFFFFE000  }
0x45: {  	_ =	swait.ge [sflag:s26], $0x2000  }
0x46: {  	[sflag:s26] =	ssyncset.done $0x0  }
0x47: {  	s5 =	simm.s32 $0x2980;
	[sflag:s26] =	ssyncadd.s32 $0xFFFFE000  }
0x48: {  	[spmem:s2] =	stream.indirect.scatter.add.f32 [tilespmem:s18], [sflag:$0x9], $0x40, s5, s14, $0xb8;
	[tilespmem:$0x1F000] =	vst v63  }
0x49: {  	_ =	swait.ge [sflag:s12], $0x2000  }
0x4a: {  	[sflag:s12] =	ssyncset.done $0x0  }
0x4b: {  	[sflag:s12] =	ssyncadd.s32 $0xFFFFE000  }
0x4c: {  	_ =	swait.ge [sflag:s28], $0x2000  }
0x4d: {  	[sflag:s28] =	ssyncset.done $0x0  }
0x4e: {  	s13 =	simm.s32 $0x2A00;
	[sflag:s28] =	ssyncadd.s32 $0xFFFFE000  }
0x4f: {  	[spmem:s2] =	stream.indirect.scatter.add.f32 [tilespmem:s19], [sflag:$0x9], $0x40, s13, s14, $0xb8;
	[tilespmem:$0x1F000] =	vst v63  }
0x50: {  	_ =	swait.ge [sflag:s12], $0x2000  }
0x51: {  	[sflag:s12] =	ssyncset.done $0x0  }
0x52: {  	[sflag:s12] =	ssyncadd.s32 $0xFFFFE000  }
0x53: {  	_ =	swait.ge [sflag:s29], $0x2000  }
0x54: {  	[sflag:s29] =	ssyncset.done $0x0  }
0x55: {  	s3 =	simm.s32 $0x2A80;
	[sflag:s29] =	ssyncadd.s32 $0xFFFFE000  }
0x56: {  	[spmem:s2] =	stream.indirect.scatter.add.f32 [tilespmem:s20], [sflag:$0x9], $0x40, s3, s14, $0xb8;
	[tilespmem:$0x1F000] =	vst v63  }
0x57: {  	_ =	swait.ge [sflag:s12], $0x2000  }
0x58: {  	[sflag:s12] =	ssyncset.done $0x0  }
0x59: {  	[sflag:s12] =	ssyncadd.s32 $0xFFFFE000  }
0x5a: {  	_ =	swait.ge [sflag:s30], $0x2000  }
0x5b: {  	[sflag:s30] =	ssyncset.done $0x0  }
0x5c: {  	s5 =	simm.s32 $0x2B00;
	[sflag:s30] =	ssyncadd.s32 $0xFFFFE000  }
0x5d: {  	[spmem:s2] =	stream.indirect.scatter.add.f32 [tilespmem:s21], [sflag:$0x9], $0x40, s5, s14, $0xb8;
	[tilespmem:$0x1F000] =	vst v63  }
0x5e: {  	_ =	swait.ge [sflag:s12], $0x2000  }
0x5f: {  	[sflag:s12] =	ssyncset.done $0x0  }
0x60: {  	[sflag:s12] =	ssyncadd.s32 $0xFFFFE000  }
0x61: {  	_ =	swait.ge [sflag:s31], $0x2000  }
0x62: {  	[sflag:s31] =	ssyncset.done $0x0  }
0x63: {  	s13 =	simm.s32 $0x2B80;
	[sflag:s31] =	ssyncadd.s32 $0xFFFFE000  }
0x64: {  	[spmem:s2] =	stream.indirect.scatter.add.f32 [tilespmem:s22], [sflag:$0x9], $0x40, s13, s14, $0xb8;
	[tilespmem:$0x1F000] =	vst v63  }
0x65: {  	_ =	swait.ge [sflag:s12], $0x2000  }
0x66: {  	s0 =	simm.s32 $0x1000;
	s13 =	simm.s32 $0x2000;
	[sflag:s12] =	ssyncset.done $0x0  }
.LBB2_2:
0x67: {  	s3 =	sshra.s32 s0, $0x2  }
0x68: {  	[sflag:s12] =	ssyncadd.s32 $0xFFFFE000;
	s0 =	smov.u32 s13;
	s5 =	sadd.s32 $0x1000, s13  }
0x69: {  	[tilespmem:s15], [sflag:$0x1] =	stream.indirect.gather [hbm4b:s4+s14], $0x40, s3, s14, $0xb8;
	[tilespmem:$0x1F000] =	vst v63  }
0x6a: {  	p0 =	sne.s32 s13, $0x9000;
	s13 =	sadd.s32 $0x80, s3  }
0x6b: {  	[tilespmem:s16], [sflag:$0x2] =	stream.indirect.gather [hbm4b:s4+s14], $0x40, s13, s14, $0xb8;
	[tilespmem:$0x1F000] =	vst v63  }
0x6c: {  	s13 =	sadd.s32 $0x100, s3  }
0x6d: {  	[tilespmem:s17], [sflag:$0x3] =	stream.indirect.gather [hbm4b:s4+s14], $0x40, s13, s14, $0xb8;
	[tilespmem:$0x1F000] =	vst v63  }
0x6e: {  	s13 =	sadd.s32 $0x180, s3  }
0x6f: {  	[tilespmem:s18], [sflag:$0x4] =	stream.indirect.gather [hbm4b:s4+s14], $0x40, s13, s14, $0xb8;
	[tilespmem:$0x1F000] =	vst v63  }
0x70: {  	s13 =	sadd.s32 $0x200, s3  }
0x71: {  	[tilespmem:s19], [sflag:$0x5] =	stream.indirect.gather [hbm4b:s4+s14], $0x40, s13, s14, $0xb8;
	[tilespmem:$0x1F000] =	vst v63  }
0x72: {  	s13 =	sadd.s32 $0x280, s3  }
0x73: {  	[tilespmem:s20], [sflag:$0x6] =	stream.indirect.gather [hbm4b:s4+s14], $0x40, s13, s14, $0xb8;
	[tilespmem:$0x1F000] =	vst v63  }
0x74: {  	s13 =	sadd.s32 $0x300, s3  }
0x75: {  	[tilespmem:s21], [sflag:$0x7] =	stream.indirect.gather [hbm4b:s4+s14], $0x40, s13, s14, $0xb8;
	[tilespmem:$0x1F000] =	vst v63  }
0x76: {  	s13 =	sadd.s32 $0x380, s3  }
0x77: {  	[tilespmem:s22], [sflag:$0x8] =	stream.indirect.gather [hbm4b:s4+s14], $0x40, s13, s14, $0xb8;
	[tilespmem:$0x1F000] =	vst v63  }
0x78: {  	_ =	swait.ge [sflag:s23], $0x2000  }
0x79: {  	[sflag:s23] =	ssyncset.done $0x0  }
0x7a: {  	s13 =	sadd.s32 $0x2800, s3;
	[sflag:s23] =	ssyncadd.s32 $0xFFFFE000  }
0x7b: {  	[spmem:s2] =	stream.indirect.scatter.add.f32 [tilespmem:s15], [sflag:$0x9], $0x40, s13, s14, $0xb8;
	[tilespmem:$0x1F000] =	vst v63  }
0x7c: {  	_ =	swait.ge [sflag:s12], $0x2000  }
0x7d: {  	[sflag:s12] =	ssyncset.done $0x0  }
0x7e: {  	[sflag:s12] =	ssyncadd.s32 $0xFFFFE000  }
0x7f: {  	_ =	swait.ge [sflag:s24], $0x2000  }
0x80: {  	[sflag:s24] =	ssyncset.done $0x0  }
0x81: {  	s13 =	sadd.s32 $0x2880, s3;
	[sflag:s24] =	ssyncadd.s32 $0xFFFFE000  }
0x82: {  	[spmem:s2] =	stream.indirect.scatter.add.f32 [tilespmem:s16], [sflag:$0x9], $0x40, s13, s14, $0xb8;
	[tilespmem:$0x1F000] =	vst v63  }
0x83: {  	_ =	swait.ge [sflag:s12], $0x2000  }
0x84: {  	[sflag:s12] =	ssyncset.done $0x0  }
0x85: {  	[sflag:s12] =	ssyncadd.s32 $0xFFFFE000  }
0x86: {  	_ =	swait.ge [sflag:s25], $0x2000  }
0x87: {  	[sflag:s25] =	ssyncset.done $0x0  }
0x88: {  	s13 =	sadd.s32 $0x2900, s3;
	[sflag:s25] =	ssyncadd.s32 $0xFFFFE000  }
0x89: {  	[spmem:s2] =	stream.indirect.scatter.add.f32 [tilespmem:s17], [sflag:$0x9], $0x40, s13, s14, $0xb8;
	[tilespmem:$0x1F000] =	vst v63  }
0x8a: {  	_ =	swait.ge [sflag:s12], $0x2000  }
0x8b: {  	[sflag:s12] =	ssyncset.done $0x0  }
0x8c: {  	[sflag:s12] =	ssyncadd.s32 $0xFFFFE000  }
0x8d: {  	_ =	swait.ge [sflag:s26], $0x2000  }
0x8e: {  	[sflag:s26] =	ssyncset.done $0x0  }
0x8f: {  	s13 =	sadd.s32 $0x2980, s3;
	[sflag:s26] =	ssyncadd.s32 $0xFFFFE000  }
0x90: {  	[spmem:s2] =	stream.indirect.scatter.add.f32 [tilespmem:s18], [sflag:$0x9], $0x40, s13, s14, $0xb8;
	[tilespmem:$0x1F000] =	vst v63  }
0x91: {  	_ =	swait.ge [sflag:s12], $0x2000  }
0x92: {  	[sflag:s12] =	ssyncset.done $0x0  }
0x93: {  	[sflag:s12] =	ssyncadd.s32 $0xFFFFE000  }
0x94: {  	_ =	swait.ge [sflag:s28], $0x2000  }
0x95: {  	[sflag:s28] =	ssyncset.done $0x0  }
0x96: {  	s13 =	sadd.s32 $0x2A00, s3;
	[sflag:s28] =	ssyncadd.s32 $0xFFFFE000  }
0x97: {  	[spmem:s2] =	stream.indirect.scatter.add.f32 [tilespmem:s19], [sflag:$0x9], $0x40, s13, s14, $0xb8;
	[tilespmem:$0x1F000] =	vst v63  }
0x98: {  	_ =	swait.ge [sflag:s12], $0x2000  }
0x99: {  	[sflag:s12] =	ssyncset.done $0x0  }
0x9a: {  	[sflag:s12] =	ssyncadd.s32 $0xFFFFE000  }
0x9b: {  	_ =	swait.ge [sflag:s29], $0x2000  }
0x9c: {  	[sflag:s29] =	ssyncset.done $0x0  }
0x9d: {  	s13 =	sadd.s32 $0x2A80, s3;
	[sflag:s29] =	ssyncadd.s32 $0xFFFFE000  }
0x9e: {  	[spmem:s2] =	stream.indirect.scatter.add.f32 [tilespmem:s20], [sflag:$0x9], $0x40, s13, s14, $0xb8;
	[tilespmem:$0x1F000] =	vst v63  }
0x9f: {  	_ =	swait.ge [sflag:s12], $0x2000  }
0xa0: {  	[sflag:s12] =	ssyncset.done $0x0  }
0xa1: {  	[sflag:s12] =	ssyncadd.s32 $0xFFFFE000  }
0xa2: {  	_ =	swait.ge [sflag:s30], $0x2000  }
0xa3: {  	[sflag:s30] =	ssyncset.done $0x0  }
0xa4: {  	s13 =	sadd.s32 $0x2B00, s3;
	[sflag:s30] =	ssyncadd.s32 $0xFFFFE000  }
0xa5: {  	[spmem:s2] =	stream.indirect.scatter.add.f32 [tilespmem:s21], [sflag:$0x9], $0x40, s13, s14, $0xb8;
	[tilespmem:$0x1F000] =	vst v63  }
0xa6: {  	_ =	swait.ge [sflag:s12], $0x2000  }
0xa7: {  	[sflag:s12] =	ssyncset.done $0x0  }
0xa8: {  	[sflag:s12] =	ssyncadd.s32 $0xFFFFE000  }
0xa9: {  	_ =	swait.ge [sflag:s31], $0x2000  }
.Ltmp0:
0xaa: {  	[sflag:s31] =	ssyncset.done $0x0;
	(pc) =	sbr.rel @p0 .LBB2_2-.Ltmp0, $4  }
0xab: {  	s3 =	sadd.s32 $0x2B80, s3;
	[sflag:s31] =	ssyncadd.s32 $0xFFFFE000  }
0xac: {  	[spmem:s2] =	stream.indirect.scatter.add.f32 [tilespmem:s22], [sflag:$0x9], $0x40, s3, s14, $0xb8;
	[tilespmem:$0x1F000] =	vst v63  }
0xad: {  	_ =	swait.ge [sflag:s12], $0x2000  }
0xae: {  	s13 =	smov.u32 s5;
	[sflag:s12] =	ssyncset.done $0x0  }
0xaf: {  	s0 =	sshra.s32 s0, $0x2;
	[sflag:s12] =	ssyncadd.s32 $0xFFFFE000  }
0xb0: {  	[tilespmem:s15], [sflag:$0x1] =	stream.indirect.gather [hbm4b:s4+s14], $0x40, s0, s14, $0xb8;
	[tilespmem:$0x1F000] =	vst v63  }
0xb1: {  	s3 =	sadd.s32 $0x80, s0  }
0xb2: {  	[tilespmem:s16], [sflag:$0x2] =	stream.indirect.gather [hbm4b:s4+s14], $0x40, s3, s14, $0xb8;
	[tilespmem:$0x1F000] =	vst v63  }
0xb3: {  	s13 =	sadd.s32 $0x100, s0  }
0xb4: {  	[tilespmem:s17], [sflag:$0x3] =	stream.indirect.gather [hbm4b:s4+s14], $0x40, s13, s14, $0xb8;
	[tilespmem:$0x1F000] =	vst v63  }
0xb5: {  	s5 =	sadd.s32 $0x180, s0  }
0xb6: {  	[tilespmem:s18], [sflag:$0x4] =	stream.indirect.gather [hbm4b:s4+s14], $0x40, s5, s14, $0xb8;
	[tilespmem:$0x1F000] =	vst v63  }
0xb7: {  	s13 =	sadd.s32 $0x200, s0  }
0xb8: {  	[tilespmem:s19], [sflag:$0x5] =	stream.indirect.gather [hbm4b:s4+s14], $0x40, s13, s14, $0xb8;
	[tilespmem:$0x1F000] =	vst v63  }
0xb9: {  	s5 =	sadd.s32 $0x280, s0  }
0xba: {  	[tilespmem:s20], [sflag:$0x6] =	stream.indirect.gather [hbm4b:s4+s14], $0x40, s5, s14, $0xb8;
	[tilespmem:$0x1F000] =	vst v63  }
0xbb: {  	s13 =	sadd.s32 $0x300, s0  }
0xbc: {  	[tilespmem:s21], [sflag:$0x7] =	stream.indirect.gather [hbm4b:s4+s14], $0x40, s13, s14, $0xb8;
	[tilespmem:$0x1F000] =	vst v63  }
0xbd: {  	s5 =	sadd.s32 $0x380, s0  }
0xbe: {  	[tilespmem:s22], [sflag:$0x8] =	stream.indirect.gather [hbm4b:s4+s14], $0x40, s5, s14, $0xb8;
	[tilespmem:$0x1F000] =	vst v63  }
0xbf: {  	_ =	swait.ge [sflag:s23], $0x2000  }
0xc0: {  	[sflag:s23] =	ssyncset.done $0x0  }
0xc1: {  	s13 =	sadd.s32 $0x2800, s0;
	[sflag:s23] =	ssyncadd.s32 $0xFFFFE000  }
0xc2: {  	[spmem:s2] =	stream.indirect.scatter.add.f32 [tilespmem:s15], [sflag:$0x9], $0x40, s13, s14, $0xb8;
	[tilespmem:$0x1F000] =	vst v63  }
0xc3: {  	_ =	swait.ge [sflag:s12], $0x2000  }
0xc4: {  	[sflag:s12] =	ssyncset.done $0x0  }
0xc5: {  	[sflag:s12] =	ssyncadd.s32 $0xFFFFE000  }
0xc6: {  	_ =	swait.ge [sflag:s24], $0x2000  }
0xc7: {  	[sflag:s24] =	ssyncset.done $0x0  }
0xc8: {  	s5 =	sadd.s32 $0x2880, s0;
	[sflag:s24] =	ssyncadd.s32 $0xFFFFE000  }
0xc9: {  	[spmem:s2] =	stream.indirect.scatter.add.f32 [tilespmem:s16], [sflag:$0x9], $0x40, s5, s14, $0xb8;
	[tilespmem:$0x1F000] =	vst v63  }
0xca: {  	_ =	swait.ge [sflag:s12], $0x2000  }
0xcb: {  	[sflag:s12] =	ssyncset.done $0x0  }
0xcc: {  	[sflag:s12] =	ssyncadd.s32 $0xFFFFE000  }
0xcd: {  	_ =	swait.ge [sflag:s25], $0x2000  }
0xce: {  	[sflag:s25] =	ssyncset.done $0x0  }
0xcf: {  	s13 =	sadd.s32 $0x2900, s0;
	[sflag:s25] =	ssyncadd.s32 $0xFFFFE000  }
0xd0: {  	[spmem:s2] =	stream.indirect.scatter.add.f32 [tilespmem:s17], [sflag:$0x9], $0x40, s13, s14, $0xb8;
	[tilespmem:$0x1F000] =	vst v63  }
0xd1: {  	_ =	swait.ge [sflag:s12], $0x2000  }
0xd2: {  	[sflag:s12] =	ssyncset.done $0x0  }
0xd3: {  	[sflag:s12] =	ssyncadd.s32 $0xFFFFE000  }
0xd4: {  	_ =	swait.ge [sflag:s26], $0x2000  }
0xd5: {  	[sflag:s26] =	ssyncset.done $0x0  }
0xd6: {  	s5 =	sadd.s32 $0x2980, s0;
	[sflag:s26] =	ssyncadd.s32 $0xFFFFE000  }
0xd7: {  	[spmem:s2] =	stream.indirect.scatter.add.f32 [tilespmem:s18], [sflag:$0x9], $0x40, s5, s14, $0xb8;
	[tilespmem:$0x1F000] =	vst v63  }
0xd8: {  	_ =	swait.ge [sflag:s12], $0x2000  }
0xd9: {  	[sflag:s12] =	ssyncset.done $0x0  }
0xda: {  	[sflag:s12] =	ssyncadd.s32 $0xFFFFE000  }
0xdb: {  	_ =	swait.ge [sflag:s28], $0x2000  }
0xdc: {  	[sflag:s28] =	ssyncset.done $0x0  }
0xdd: {  	s13 =	sadd.s32 $0x2A00, s0;
	[sflag:s28] =	ssyncadd.s32 $0xFFFFE000  }
0xde: {  	[spmem:s2] =	stream.indirect.scatter.add.f32 [tilespmem:s19], [sflag:$0x9], $0x40, s13, s14, $0xb8;
	[tilespmem:$0x1F000] =	vst v63  }
0xdf: {  	_ =	swait.ge [sflag:s12], $0x2000  }
0xe0: {  	[sflag:s12] =	ssyncset.done $0x0  }
0xe1: {  	[sflag:s12] =	ssyncadd.s32 $0xFFFFE000  }
0xe2: {  	_ =	swait.ge [sflag:s29], $0x2000  }
0xe3: {  	[sflag:s29] =	ssyncset.done $0x0  }
0xe4: {  	s5 =	sadd.s32 $0x2A80, s0;
	[sflag:s29] =	ssyncadd.s32 $0xFFFFE000  }
0xe5: {  	[spmem:s2] =	stream.indirect.scatter.add.f32 [tilespmem:s20], [sflag:$0x9], $0x40, s5, s14, $0xb8;
	[tilespmem:$0x1F000] =	vst v63  }
0xe6: {  	_ =	swait.ge [sflag:s12], $0x2000  }
0xe7: {  	[sflag:s12] =	ssyncset.done $0x0  }
0xe8: {  	[sflag:s12] =	ssyncadd.s32 $0xFFFFE000  }
0xe9: {  	_ =	swait.ge [sflag:s30], $0x2000  }
0xea: {  	[sflag:s30] =	ssyncset.done $0x0  }
0xeb: {  	s13 =	sadd.s32 $0x2B00, s0;
	[sflag:s30] =	ssyncadd.s32 $0xFFFFE000  }
0xec: {  	[spmem:s2] =	stream.indirect.scatter.add.f32 [tilespmem:s21], [sflag:$0x9], $0x40, s13, s14, $0xb8;
	[tilespmem:$0x1F000] =	vst v63  }
0xed: {  	_ =	swait.ge [sflag:s12], $0x2000  }
0xee: {  	[sflag:s12] =	ssyncset.done $0x0  }
0xef: {  	[sflag:s12] =	ssyncadd.s32 $0xFFFFE000  }
0xf0: {  	_ =	swait.ge [sflag:s31], $0x2000  }
0xf1: {  	[sflag:s31] =	ssyncset.done $0x0  }
0xf2: {  	s0 =	sadd.s32 $0x2B80, s0;
	[sflag:s31] =	ssyncadd.s32 $0xFFFFE000  }
0xf3: {  	[spmem:s2] =	stream.indirect.scatter.add.f32 [tilespmem:s22], [sflag:$0x9], $0x40, s0, s14, $0xb8;
	[tilespmem:$0x1F000] =	vst v63  }
0xf4: {  	_ =	swait.ge [sflag:s12], $0x2000  }
0xf5: {  	s1 =	sadd.s32 $0x1, s1;
	[sflag:s12] =	ssyncset.done $0x0  }
0xf6: {  	p0 =	sne.s32 s1, s10;
	[sflag:s12] =	ssyncadd.s32 $0xFFFFE000  }
.Ltmp1:
0xf7: {  	[bflag:$0x0] =	sbarrier.arrive $0xFFFF;
	(pc) =	sbr.rel @p0 .LBB2_1-.Ltmp1, $4  }
0xf8: {  	[hbm:s9], [sflag:s6] =	dma.local [spmem:s11], $0x1400  }
0xf9: {  	_ =	swait.ge [sflag:s12], $0x1400  }
0xfa: {  	[sflag:s12] =	ssyncset.done $0x0  }
0xfb: {  	[sflag:s12] =	ssyncadd.s32 $0xFFFFEC00  }
0xfc: {  	_ =	sfence.sel $0x180000  }
0xfd: {  	[bflag:$0x0] =	sbarrier.arrive $0xFFFF  }
0xfe: {  	_ =	strace $0x9000004D  }
0xff: {  	s0 =	stileid.u32;
	[bflag:$0x2] =	sbarrier.arrive $0xFFFF  }
0x100: {  	p0 =	sne.s32 s0, $0x0;
	s0 =	rddreg [dreg:$0x2]  }
0x101: {  	s0 =	sadd.s32 @!p0 $0x100000, s0  }
0x102: {  	[sflag:s0] =	ssyncadd.tile.s32 @!p0 $0x1;
	_ =	shalt  }
.Lfunc_end2:
_tile_overlayer_lowered:
.L_overlay_start_2:
0x103: {  	(tag) =	ssettag $0x2  }
0x104: {  	s0 =	rddreg [dreg:$0x0];
	s2 =	stileid.u32  }
0x105: {  	s1 =	rddreg [dreg:$0x1];
	p0 =	sne.s32 s2, $0x0  }
0x106: {  	s3 =	rddreg [dreg:$0x2];
	[bflag:$0x3] =	sbarrier.arrive $0xFFFF;
	s2 =	simm.s32 @!p0 $0x1C09  }
0x107: {  	[timem:s3], [sflag:s2] =	dma.local @!p0 [hbm:s0], s1  }
0x108: {  	s0 =	simm.s32 @!p0 $0x9  }
0x109: {  	_ =	swait.ge @!p0 [sflag:s0], s1  }
0x10a: {  	s1 =	ssub.s32 @!p0 $0x0, s1;
	[sflag:s0] =	ssyncset.done @!p0 $0x0  }
0x10b: {  	[sflag:s0] =	ssyncadd.s32 @!p0 s1  }
0x10c: {  	[bflag:$0x3] =	sbarrier.arrive $0xFFFF  }
0x10d: {  	_ =	shalt  }

// kernel: kernel.8.cloned.1.call-start
scs
__scs_entry_jumppad:
0x0: {  	(pc) =	sbr.rel $0x88, $3  }
0x1: {  	(tag) =	ssettag $0x0;
	lr =	simm.s32 $0x1  }
0x2: {  	[smem:$0x3F98] =	sst lr;
	_ =	strace $0xD0000000  }
0x3: {  	_ = 	snop  }
0x4: {  	_ = 	snop  }
0x5: {  	_ = 	snop  }
0x6: {  	_ = 	snop  }
0x7: {  	_ = 	snop  }
__scs_overlays_trampoline_lowered:
0x8: {  	[smem:$0x3FA7] =	sst s0  }
0x9: {  	[smem:$0x3FA8] =	sst s1  }
0xa: {  	[smem:$0x3FA9] =	sst s2  }
0xb: {  	[smem:$0x3FAA] =	sst s3  }
0xc: {  	[smem:$0x3FAB] =	sst s4  }
0xd: {  	[smem:$0x3FAC] =	sst s5  }
0xe: {  	[smem:$0x3FAD] =	sst s6  }
0xf: {  	[smem:$0x3FAE] =	sst s7  }
0x10: {  	[smem:$0x3FAF] =	sst s8  }
0x11: {  	[smem:$0x3FB0] =	sst s9;
	s0 =	simm.s32 @!p0 $0x0  }
0x12: {  	s1 =	sld [smem:$0x3F96];
	s0 =	simm.s32 @p0 $0x1  }
0x13: {  	[smem:$0x3FB1] =	sst s0;
	s0 =	simm.s32 @!p1 $0x0  }
0x14: {  	s2 =	sld [smem:$0x3F95];
	s0 =	simm.s32 @p1 $0x1  }
0x15: {  	[smem:$0x3FB2] =	sst s0;
	s0 =	simm.s32 @!p2 $0x0  }
0x16: {  	s3 =	sld [smem:$0x3FDB];
	s0 =	simm.s32 @p2 $0x1  }
0x17: {  	s4 =	simm.s32 $0x1BF5;
	[smem:$0x3FB4] =	sst s0  }
0x18: {  	s0 =	sld [smem:$0x3F97];
	_ =	swait.ge [sflag:s4], $0x0  }
0x19: {  	s7 =	sld [smem:$0x3F98]  }
0x1a: {  	s8 =	sadd.s32 $0xFFFFE003, lr  }
0x1b: {  	s9 =	sadd.s32 $0xFFFFFEF7, lr;
	s5 =	simm.s32 $0xFFFFFFFF;
	p2 =	slt.u32 s8, $0xFFFFF086  }
0x1c: {  	p1 =	slt.u32 s9, $0xF7A;
	s5 =	simm.s32 @!p2 $0x0  }
0x1d: {  	s5 =	simm.s32 @p1 $0x1;
	p0 =	seq.s32 s7, s2  }
0x1e: {  	s7 =	smul.u32 @!p0 $0xF7A, s2;
	p2 =	seq.s32 @!p0 s5, $0x0  }
0x1f: {  	s9 =	smul.u32 $0xF7A, s1;
	s8 =	simm.s32 @!p0 $0x1BF5;
	p2 =	por !p2, p0  }
0x20: {  	[sflag:s8] =	ssyncset.s32 @!p0 $0xFFFFF086;
	s6 =	sadd.s32 @!p0 s3, s7;
	s7 =	simm.s32 @!p0 $0x108  }
0x21: {  	s3 =	sadd.s32 s3, s9;
	s6 =	sadd.s32 @!p0 $0x88, s6;
	s7 =	simm.s32 @p2 $0x1082  }
0x22: {  	[simem:s7], [sflag:s8] =	dma.local @!p0 [hbm:s6], $0xF7A  }
0x23: {  	s9 =	sor.u32 $0xD0000000, s2;
	s6 =	simm.s32 $0x108;
	_ =	swait.ge @!p0 [sflag:s8], $0x0  }
0x24: {  	s3 =	sadd.s32 $0x88, s3;
	s6 =	simm.s32 @!p1 $0x1082;
	[sflag:s4] =	ssyncset.s32 $0xFFFFF086  }
0x25: {  	[simem:s6], [sflag:s4] =	dma.local [hbm:s3], $0xF7A  }
0x26: {  	[smem:$0x3F98] =	sst s1;
	(tag) =	ssettag s2;
	_ =	strace s9  }
0x27: {  	s1 =	sld [smem:$0x3FA8]  }
0x28: {  	s2 =	sld [smem:$0x3FA9]  }
0x29: {  	s4 =	sld [smem:$0x3FAB]  }
0x2a: {  	p0 =	seq.s32 s5, $0x0;
	s5 =	sld [smem:$0x3FAC]  }
0x2b: {  	s6 =	sld [smem:$0x3FAD]  }
0x2c: {  	s7 =	sld [smem:$0x3FAE]  }
0x2d: {  	s3 =	simm.s32 $0x108;
	s8 =	sld [smem:$0x3FAF]  }
0x2e: {  	s3 =	simm.s32 @!p0 $0x1082;
	s9 =	sld [smem:$0x3FB0]  }
0x2f: {  	lr =	sadd.s32 s0, s3;
	s0 =	sld [smem:$0x3FA7]  }
0x30: {  	s3 =	sld [smem:$0x3FAA]  }
0x31: {  	[smem:$0x3FB3] =	sst s10  }
0x32: {  	s10 =	sld [smem:$0x3FB1];
	_ =	sdelay $0x3  }
0x33: {  	p0 =	seq.s32 s10, $0x1;
	s10 =	sld [smem:$0x3FB3];
	_ =	sdelay $0x3  }
0x34: {  	[smem:$0x3FB3] =	sst s10  }
0x35: {  	s10 =	sld [smem:$0x3FB2];
	_ =	sdelay $0x3  }
0x36: {  	p1 =	seq.s32 s10, $0x1;
	s10 =	sld [smem:$0x3FB3];
	_ =	sdelay $0x3  }
0x37: {  	[smem:$0x3FB3] =	sst s10  }
0x38: {  	s10 =	sld [smem:$0x3FB4]  }
0x39: {  	_ = 	snop;
	(pc) =	sbr.ind lr, $3  }
0x3a: {  	_ = 	snop  }
0x3b: {  	_ = 	snop  }
0x3c: {  	p2 =	seq.s32 s10, $0x1;
	s10 =	sld [smem:$0x3FB3]  }
0x3d: {  	_ =	shalt  }
0x3e: {  	_ =	shalt  }
0x3f: {  	_ =	shalt  }
0x40: {  	_ =	shalt  }
0x41: {  	_ =	shalt  }
0x42: {  	_ =	shalt  }
0x43: {  	_ =	shalt  }
0x44: {  	_ =	shalt  }
0x45: {  	_ =	shalt  }
0x46: {  	_ =	shalt  }
0x47: {  	_ =	shalt  }
0x48: {  	_ =	shalt  }
0x49: {  	_ =	shalt  }
0x4a: {  	_ =	shalt  }
0x4b: {  	_ =	shalt  }
0x4c: {  	_ =	shalt  }
0x4d: {  	_ =	shalt  }
0x4e: {  	_ =	shalt  }
0x4f: {  	_ =	shalt  }
0x50: {  	_ =	shalt  }
0x51: {  	_ =	shalt  }
0x52: {  	_ =	shalt  }
0x53: {  	_ =	shalt  }
0x54: {  	_ =	shalt  }
0x55: {  	_ =	shalt  }
0x56: {  	_ =	shalt  }
0x57: {  	_ =	shalt  }
0x58: {  	_ =	shalt  }
0x59: {  	_ =	shalt  }
0x5a: {  	_ =	shalt  }
0x5b: {  	_ =	shalt  }
0x5c: {  	_ =	shalt  }
0x5d: {  	_ =	shalt  }
0x5e: {  	_ =	shalt  }
0x5f: {  	_ =	shalt  }
0x60: {  	_ =	shalt  }
0x61: {  	_ =	shalt  }
0x62: {  	_ =	shalt  }
0x63: {  	_ =	shalt  }
0x64: {  	_ =	shalt  }
0x65: {  	_ =	shalt  }
0x66: {  	_ =	shalt  }
0x67: {  	_ =	shalt  }
0x68: {  	_ =	shalt  }
0x69: {  	_ =	shalt  }
0x6a: {  	_ =	shalt  }
0x6b: {  	_ =	shalt  }
0x6c: {  	_ =	shalt  }
0x6d: {  	_ =	shalt  }
0x6e: {  	_ =	shalt  }
0x6f: {  	_ =	shalt  }
0x70: {  	_ =	shalt  }
0x71: {  	_ =	shalt  }
0x72: {  	_ =	shalt  }
0x73: {  	_ =	shalt  }
0x74: {  	_ =	shalt  }
0x75: {  	_ =	shalt  }
0x76: {  	_ =	shalt  }
0x77: {  	_ =	shalt  }
0x78: {  	_ =	shalt  }
0x79: {  	_ =	shalt  }
0x7a: {  	_ =	shalt  }
0x7b: {  	_ =	shalt  }
0x7c: {  	_ =	shalt  }
0x7d: {  	_ =	shalt  }
0x7e: {  	_ =	shalt  }
0x7f: {  	_ =	shalt  }
0x80: {  	_ =	shalt  }
0x81: {  	_ =	shalt  }
0x82: {  	_ =	shalt  }
0x83: {  	_ =	shalt  }
0x84: {  	_ =	shalt  }
0x85: {  	_ =	shalt  }
0x86: {  	_ =	shalt  }
0x87: {  	_ =	shalt  }
.Lfunc_end0:
.L_simem_size_0:
called_computation_lowered:
.L_overlay_start_0:
0x88: {  	s2 =	sld [smem:$0x3FD9]  }
0x89: {  	s3 =	sld [smem:$0x3FFE];
	_ =	sdelay $0x1  }
0x8a: {  	s1 =	srdreg.scid  }
0x8b: {  	s0 =	sand.u32 $0x1, s1  }
0x8c: {  	s16 =	sshll.u32 s0, $0xA;
	s2 =	sadd.s32 s3, s2  }
0x8d: {  	s2 =	sadd.s32 s2, s16  }
0x8e: {  	[smem:$0x3FBF] =	sst s2  }
0x8f: {  	_ = 	snop  }
0x90: {  	(tm) =	ssettm $0x1  }
0x91: {  	s17 =	sld [smem:$0x3FFB];
	_ =	sdelay $0x3  }
0x92: {  	_ =	strace s17  }
0x93: {  	s2 =	sld [smem:$0x3FFC];
	_ =	sdelay $0x3  }
0x94: {  	_ =	strace s2  }
0x95: {  	s2 =	sld [smem:$0x3FFD];
	_ =	sdelay $0x3  }
0x96: {  	_ =	strace s2  }
0x97: {  	_ =	strace $0x8FFFFFFF  }
0x98: {  	s18 =	sld [smem:$0x3FDB];
	_ =	sdelay $0x1  }
0x99: {  	s19 =	simm.s32 $_scs_section_size  }
0x9a: {  	s4 =	simm.s32 $_size__tile_overlayer_lowered;
	s5 =	simm.s32 $_tile_overlayer_lowered  }
0x9b: {  	s22 =	simm.s32 $0x1BFF;
	s21 =	sshll.u32 s5, $0x1;
	s2 =	sadd.s32 s19, s18  }
0x9c: {  	s6 =	simm.s32 $0x0;
	s20 =	sshll.u32 s4, $0x1;
	s4 =	sadd.s32 s21, s2  }
0x9d: {  	[timem:s6], [sflag:s22] =	dma.local [hbm:s4], s20  }
0x9e: {  	_ =	swait.ge [sflag:s22], s20  }
0x9f: {  	s3 =	ssub.s32 $0x0, s20;
	[sflag:s22] =	ssyncset.done $0x0  }
0xa0: {  	[sflag:s22] =	ssyncadd.s32 s3;
	_ =	sdelay $0x1  }
0xa1: {  	s23 =	simm.s32 $0x1B8B  }
0xa2: {  	_ =	swait.ge [sflag:s23], $0x1  }
0xa3: {  	[sflag:s23] =	ssyncset.done $0x0  }
0xa4: {  	s25 =	simm.s32 $0x1B8E;
	s24 =	sld [smem:$0x3FFE];
	[sflag:s23] =	ssyncadd.s32 $0xFFFFFFFF  }
0xa5: {  	s26 =	simm.s32 $execute0_lowered;
	[smem:$0x3FD2] =	sst s25  }
0xa6: {  	s4 =	sshll.u32 s26, $0x1;
	_ =	strace $0x80000046;
	[dreg:$0x1] =	wrdreg $0xFFFFFFFF  }
0xa7: {  	s28 =	simm.s32 $_size_execute0_lowered;
	s2 =	sadd.s32 s2, s4;
	[dreg:$0x0] =	wrdreg $0x0  }
0xa8: {  	s4 =	sshll.u32 s28, $0x1;
	[dreg:$0x2] =	wrdreg s2  }
0xa9: {  	[dreg:$0x3] =	wrdreg s4  }
0xaa: {  	[dreg:$0x4] =	wrdreg $0xC0  }
0xab: {  	_ =	task [dreg:s6], $0x5FFFF  }
0xac: {  	[dreg:$0x1] =	wrdreg $0xFFFFFFFF  }
0xad: {  	[dreg:$0x0] =	wrdreg $0x60  }
0xae: {  	[dreg:$0x2] =	wrdreg s24  }
0xaf: {  	[dreg:$0x3] =	wrdreg $0x9  }
0xb0: {  	_ =	task.clear_ibuf [dreg:s6], $0x4FFFF;
	_ =	strace $0x90000046  }
0xb1: {  	s29 =	simm.s32 $0x9;
	_ =	strace $0x80000048  }
0xb2: {  	_ =	swait.ge [sflag:s29], $0x1  }
0xb3: {  	[sflag:s29] =	ssyncadd.s32 $0xFFFFFFFF  }
0xb4: {  	_ =	strace $0x90000048  }
0xb5: {  	_ =	sfence  }
0xb6: {  	s30 =	sld [smem:$0x0];
	_ =	sdelay $0x2  }
0xb7: {  	s31 =	sshll.u32 s1, $0xD;
	s1 =	sshrl.u32 s1, $0x2  }
0xb8: {  	s3 =	sand.u32 $0x4000, s31;
	s1 =	sadd.s32 s1, s30  }
0xb9: {  	s0 =	sor.u32 s3, s0;
	s1 =	sshll.u32 s1, $0x11  }
0xba: {  	s0 =	sor.u32 s1, s0  }
0xbb: {  	s0 =	sadd.s32 $0x8F2B, s0  }
0xbc: {  	[sflag:s0] =	ssyncadd.remote.s32 $0x1  }
0xbd: {  	_ =	sfence.sel $0xFFFF  }
0xbe: {  	[dreg:$0x0] =	wrdreg $0xFFFFFFFF;
	(pc) =	sbr.abs _section_cstart, $3  }
0xbf: {  	[dreg:$0x1] =	wrdreg $0xFFFFFFFF  }
0xc0: {  	_ =	task.clear_ibuf [dreg:s6], $0x2FFFF;
	_ =	strace $0x9FFFFFFF  }
0xc1: {  	(tm) =	ssettm $0x7FFFFFFF  }
tec
execute0_lowered:
.L_overlay_start_1:
0x0: {  	(tag) =	ssettag $0x1  }
0x1: {  	s0 =	srdreg.scid  }
0x2: {  	s3 =	sand.u32 $0x1, s0  }
0x3: {  	s4 =	rddreg [dreg:$0x0];
	s0 =	stileid.u32;
	s1 =	sshll.u32 s3, $0x4  }
0x4: {  	s2 =	simm.s32 $0x0;
	s7 =	simm.s32 $0x2800;
	s1 =	sor.u32 s0, s1  }
0x5: {  	s8 =	simm.s32 $0x1;
	s9 =	simm.s32 $0x80;
	s1 =	sshrl.u32 s1, $0x3  }
0x6: {  	s10 =	simm.s32 $0x400;
	s6 =	sshll.u32 s0, $0x7;
	s5 =	smul.u32 $0x14000, s1  }
0x7: {  	s11 =	simm.s32 $0x0;
	[smem:$0x7FF] =	sst s2;
	s6 =	sand.u32 $0x380, s6  }
0x8: {  	s30 =	ssub.s32 $0x2, s3;
	s3 =	sadd.s32 $0x20000, s4;
	s5 =	sor.u32 s6, s5  }
0x9: {  	s31 =	sshrl.u32 s30, $0x1;
	s1 =	rddreg [dreg:$0x1];
	s5 =	sshrl.u32 s5, $0x3  }
0xa: {  	_ =	strace $0x80000047;
	s6 =	ssub.s32 s30, s31;
	s5 =	sadd.s32 s5, s4  }
0xb: {  	v0 =	vimm.f32 $1.000000000e+00;
	s6 =	smax.u32 s6, $0x1;
	s4 =	sadd.s32 $0x16000, s5;
	s5 =	sadd.s32 $0x20600, s5  }
.LBB2_1:
0xc: {  	[tilespmem:s7], [sflag:$0x1] =	stream.linear.gather [hbm4b:s3+s2], $0x2800, $0x38;
	[tilespmem:$0x5000] =	vst v63  }
0xd: {  	_ =	swait.ge [sflag:s8], $0x2800  }
0xe: {  	[sflag:s8] =	ssyncset.done $0x0  }
0xf: {  	[sflag:s8] =	ssyncadd.s32 $0xFFFFD800  }
0x10: {  	[tilespmem:s2], [sflag:$0x1] =	stream.strided.gather [hbm4b:s4+s9], $0x2800, s10, s9, $0x38;
	[tilespmem:$0x5000] =	vst v63  }
0x11: {  	_ =	swait.ge [sflag:s8], $0x2800  }
0x12: {  	[sflag:s8] =	ssyncset.done $0x0  }
0x13: {  	s13 =	simm.s32 $0x0;
	s12 =	simm.s32 $0x40;
	[sflag:s8] =	ssyncadd.s32 $0xFFFFD800  }
.LBB2_2:
0x14: {  	p0 =	sne.s32 s12, $0x9FC0;
	v1 =	vld [tilespmem:s13+$0x0];
	_ =	sdelay $0x3  }
.Ltmp0:
0x15: {  	(pc) =	sbr.rel @p0 .LBB2_2-.Ltmp0, $2  }
0x16: {  	_ =	sdelay $0x2  }
0x17: {  	s13 =	sshra.s32 s12, $0x2;
	s12 =	sadd.s32 $0x40, s12;
	[tilespmem:v1+s7+$0x0] =	vst.idx.add.f32.msk $0xffff, v0  }
0x18: {  	v1 =	vld [tilespmem:s13+$0x0];
	_ =	sdelay $0x5  }
0x19: {  	s11 =	sadd.s32 $0x1, s11  }
0x1a: {  	p0 =	sne.s32 s11, s6  }
.Ltmp1:
0x1b: {  	[tilespmem:v1+s7+$0x0] =	vst.idx.add.f32.msk $0xffff, v0;
	(pc) =	sbr.rel @p0 .LBB2_1-.Ltmp1, $4  }
0x1c: {  	[hbm4b:s5+s9] =	stream.strided.scatter [tilespmem:s7], [sflag:$0x1], $0x2800, s10, s9, $0x38;
	[tilespmem:$0x5000] =	vst v63  }
0x1d: {  	_ =	swait.ge [sflag:s8], $0x2800  }
0x1e: {  	[sflag:s8] =	ssyncset.done $0x0  }
0x1f: {  	[sflag:s8] =	ssyncadd.s32 $0xFFFFD800  }
0x20: {  	_ =	sfence.sel $0x180000  }
0x21: {  	[bflag:$0x0] =	sbarrier.arrive $0xFFFF  }
0x22: {  	p0 =	sne.s32 s0, $0x0;
	_ =	strace $0x90000047  }
0x23: {  	s0 =	sadd.s32 @!p0 $0x100000, s1;
	[bflag:$0x2] =	sbarrier.arrive $0xFFFF  }
0x24: {  	[sflag:s0] =	ssyncadd.tile.s32 @!p0 $0x1;
	_ =	shalt  }
.Lfunc_end2:
_tile_overlayer_lowered:
.L_overlay_start_2:
0x25: {  	(tag) =	ssettag $0x2  }
0x26: {  	s0 =	rddreg [dreg:$0x0];
	s2 =	stileid.u32  }
0x27: {  	s1 =	rddreg [dreg:$0x1];
	p0 =	sne.s32 s2, $0x0  }
0x28: {  	s3 =	rddreg [dreg:$0x2];
	[bflag:$0x3] =	sbarrier.arrive $0xFFFF;
	s2 =	simm.s32 @!p0 $0x1C01  }
0x29: {  	[timem:s3], [sflag:s2] =	dma.local @!p0 [hbm:s0], s1  }
0x2a: {  	s0 =	simm.s32 @!p0 $0x1  }
0x2b: {  	_ =	swait.ge @!p0 [sflag:s0], s1  }
0x2c: {  	s1 =	ssub.s32 @!p0 $0x0, s1;
	[sflag:s0] =	ssyncset.done @!p0 $0x0  }
0x2d: {  	[sflag:s0] =	ssyncadd.s32 @!p0 s1  }
0x2e: {  	[bflag:$0x3] =	sbarrier.arrive $0xFFFF  }
0x2f: {  	_ =	shalt  }

</sc_bundles>
